<compile_context>
chip_gen: v7x
topology: tpu7x:2x2x1
jax: 0.10.2.dev20260603
libtpu: 0.0.44.dev20260713+nightly
codegen_flags: <defaults>
</compile_context>

<pallas_src>
import functools

import jax
import jax.numpy as jnp
from jax import lax
from jax.experimental import pallas as pl
from jax.experimental.pallas import tpu as pltpu
from jax.experimental.pallas import tpu_sc as plsc

N_NODES = 10000
N_EDGES = 320000
D = 128

NC = 2
NS = 16
NW = NC * NS

CHUNK = 120
RK = 3
NR = 56
E_PAD = NW * NR * RK * CHUNK
N_PAD = 10240
ROWS_PER_TILE = N_PAD // NS
G = 2


def _sc_messages(x_pad, sdx, zeros_tile):
    mesh = plsc.VectorSubcoreMesh(core_axis_name="c", subcore_axis_name="s")

    @functools.partial(
        pl.kernel,
        out_type=jax.ShapeDtypeStruct((NC, N_PAD, D), jnp.float32),
        mesh=mesh,
        scratch_types=[
            pltpu.VMEM((3, 2, RK, CHUNK), jnp.int32),
            pltpu.VMEM((RK, CHUNK, D), jnp.float32),
            pltpu.VMEM_SHARED((N_PAD, D), jnp.float32),
            pltpu.SemaphoreType.DMA((3,)),
            pltpu.SemaphoreType.DMA((RK,)),
            pltpu.SemaphoreType.DMA((RK,)),
        ],
    )
    def body(x_hbm, sdx_hbm, zero_hbm, out_hbm, sdx_v, rows_v, acc,
             sem_i, sem_g, sem_s):
        cid = lax.axis_index("c")
        sid = lax.axis_index("s")
        wid = sid * NC + cid

        def fire_gather(p, j, slot):
            pltpu.async_copy(x_hbm.at[sdx_v.at[p, 0, j]], rows_v.at[slot],
                             sem_g.at[slot])

        def fire_scatter(p, k):
            pltpu.async_copy(rows_v.at[k], acc.at[sdx_v.at[p, 1, k]],
                             sem_s.at[k], add=True)

        def wait_rows_sem(sem, slot):
            pltpu.make_async_copy(x_hbm.at[pl.ds(0, CHUNK)], rows_v.at[slot],
                                  sem.at[slot]).wait()

        def wait_idx(p):
            pltpu.make_async_copy(sdx_hbm.at[0, 0], sdx_v.at[p],
                                  sem_i.at[p]).wait()

        def round_body(r, pi, first=False, last=False):
            pn = (pi + 1) % 3
            if not last:
                pltpu.async_copy(sdx_hbm.at[wid, r + 1], sdx_v.at[pn],
                                 sem_i.at[pn])
            for k in range(RK):
                gj = (k + G) % RK
                gp = pi if k < RK - G else pn
                if k == RK - G and not last:
                    wait_idx(pn)
                if not (last and k >= RK - G):
                    if not (first and k < RK - G):
                        wait_rows_sem(sem_s, gj)
                    fire_gather(gp, gj, gj)
                wait_rows_sem(sem_g, k)
                fire_scatter(pi, k)
            if last:
                for b in range(RK):
                    wait_rows_sem(sem_s, b)

        pltpu.sync_copy(zero_hbm,
                        acc.at[pl.ds(sid * ROWS_PER_TILE, ROWS_PER_TILE)])
        plsc.subcore_barrier()

        pltpu.sync_copy(sdx_hbm.at[wid, 0], sdx_v.at[0])
        for j in range(G):
            fire_gather(0, j, j)

        round_body(0, 0, first=True)

        @pl.loop(0, (NR - 2) // 3)
        def _(t):
            r = 1 + 3 * t
            round_body(r, 1)
            round_body(r + 1, 2)
            round_body(r + 2, 0)

        round_body(NR - 1, (NR - 1) % 3, last=True)

        plsc.subcore_barrier()
        pltpu.sync_copy(
            acc.at[pl.ds(sid * ROWS_PER_TILE, ROWS_PER_TILE)],
            out_hbm.at[cid, pl.ds(sid * ROWS_PER_TILE, ROWS_PER_TILE)],
        )

    return body(x_pad, sdx, zeros_tile)


def _tc_mlp(msgs, x_pad, W1a, W1b, b1, g1, be1, W2, b2):
    BN = 2048

    def body(m_ref, x_ref, w1a_ref, w1b_ref, b1_ref, g1_ref, be1_ref,
             w2_ref, b2_ref, o_ref):
        m = m_ref[0] + m_ref[1]
        h = (
            jnp.dot(m, w1a_ref[...], preferred_element_type=jnp.float32,
                    precision=lax.Precision.DEFAULT)
            + jnp.dot(x_ref[...], w1b_ref[...], preferred_element_type=jnp.float32,
                      precision=lax.Precision.DEFAULT)
            + b1_ref[...]
        )
        mu = jnp.mean(h, axis=-1, keepdims=True)
        var = jnp.mean((h - mu) ** 2, axis=-1, keepdims=True)
        h = (h - mu) * lax.rsqrt(var + 1e-5) * g1_ref[...] + be1_ref[...]
        h = jnp.tanh(h)
        o_ref[...] = (
            jnp.dot(h, w2_ref[...], preferred_element_type=jnp.float32,
                    precision=lax.Precision.DEFAULT)
            + b2_ref[...]
        )

    full = lambda shape: pl.BlockSpec(shape, lambda i: tuple(0 for _ in shape))
    return pl.pallas_call(
        body,
        grid=(N_PAD // BN,),
        in_specs=[
            pl.BlockSpec((NC, BN, D), lambda i: (0, i, 0)),
            pl.BlockSpec((BN, D), lambda i: (i, 0)),
            full((D, D)),
            full((D, D)),
            full((1, D)),
            full((1, D)),
            full((1, D)),
            full((D, D)),
            full((1, D)),
        ],
        out_specs=pl.BlockSpec((BN, D), lambda i: (i, 0)),
        out_shape=jax.ShapeDtypeStruct((N_NODES, D), jnp.float32),
    )(msgs, x_pad, W1a, W1b, b1, g1, be1, W2, b2)


def kernel(x, edge_index, W1, b1, g1, be1, W2, b2):
    x_pad = jnp.pad(x, ((0, N_PAD - N_NODES), (0, 0)))
    s = edge_index[0]
    e = edge_index[1]
    n_fill = E_PAD - 2 * N_EDGES
    fill = jnp.arange(n_fill, dtype=jnp.int32)
    src_fill = fill * 97 % N_NODES
    dst_fill = N_NODES + fill % (N_PAD - N_NODES)
    src = jnp.concatenate([s, e, src_fill]).reshape(NW, NR, RK, CHUNK)
    dst = jnp.concatenate([e, s, dst_fill]).reshape(NW, NR, RK, CHUNK)
    sdx = jnp.stack([src, dst], axis=2)
    zeros_tile = jnp.zeros((ROWS_PER_TILE, D), jnp.float32)

    msgs = _sc_messages(x_pad, sdx, zeros_tile)
    out = _tc_mlp(msgs, x_pad, W1[:D], W1[D:], b1.reshape(1, D),
                  g1.reshape(1, D), be1.reshape(1, D), W2, b2.reshape(1, D))
    return out

# --- scband reference (transcript-rebuilt; emitter-appended) ---
"""Pipeline reference for scband-node-network-75617194213894 (READ-ONLY COPY).

The authoritative reference and input builder live on the scoring server;
editing this copy changes nothing except your own understanding.
"""

import jax, jax.numpy as jnp
import numpy as np

N_NODES = 10000
N_EDGES = 320000
D_FEAT = 128
D_OUT = 128


def layer_norm(h, g, b, eps=1e-5):
    mu = jnp.mean(h, axis=-1, keepdims=True)
    var = jnp.var(h, axis=-1, keepdims=True)
    return (h - mu) / jnp.sqrt(var + eps) * g + b


def setup_inputs(seed: int = 0) -> dict:
    key = jax.random.key(seed)
    ks = jax.random.split(key, 10)
    x = jax.random.normal(ks[0], (N_NODES, D_FEAT), dtype=jnp.float32)
    edge_index = jax.random.randint(ks[1], (2, N_EDGES), 0, N_NODES, dtype=jnp.int32)
    d_in = 2 * D_FEAT
    # MLP: Linear(256->128) -> LayerNorm -> Tanh -> Linear(128->128)
    W1 = jax.random.normal(ks[2], (d_in, D_OUT), dtype=jnp.float32) / np.sqrt(d_in)
    b1 = jnp.zeros((D_OUT,), dtype=jnp.float32)
    g1 = jnp.ones((D_OUT,), dtype=jnp.float32)
    be1 = jnp.zeros((D_OUT,), dtype=jnp.float32)
    W2 = jax.random.normal(ks[3], (D_OUT, D_OUT), dtype=jnp.float32) / np.sqrt(D_OUT)
    b2 = jnp.zeros((D_OUT,), dtype=jnp.float32)
    return {"x": x, "edge_index": edge_index, "W1": W1, "b1": b1,
            "g1": g1, "be1": be1, "W2": W2, "b2": b2}


def reference(x, edge_index, W1, b1, g1, be1, W2, b2):
    start = edge_index[0]
    end = edge_index[1]
    n = x.shape[0]
    # scatter_add(x[start], end) + scatter_add(x[end], start)
    messages = jax.ops.segment_sum(x[start], end, num_segments=n) \
             + jax.ops.segment_sum(x[end], start, num_segments=n)
    node_inputs = jnp.concatenate([messages, x], axis=1)
    h = node_inputs @ W1 + b1
    h = layer_norm(h, g1, be1)
    h = jnp.tanh(h)
    out = h @ W2 + b2
    return out

if __name__ == "__main__":
    import jax
    _d = setup_inputs()
    print(jax.jit(kernel)(*tuple(_d.values())))

</pallas_src>

<mosaic_0001>
#map = affine_map<(d0, d1) -> (0, 0)>
#map1 = affine_map<(d0, d1) -> (0, 0, 0, 0, 0)>
#map2 = affine_map<(d0, d1) -> (0, 0, 0)>
module attributes {stable_mosaic.version = 14 : i64} {
  func.func @body(%arg0: i32, %arg1: i32, %arg2: memref<10240x128xf32, #tpu.memory_space<hbm>>, %arg3: memref<32x56x2x3x120xi32, #tpu.memory_space<hbm>>, %arg4: memref<640x128xf32, #tpu.memory_space<hbm>>, %arg5: memref<2x10240x128xf32, #tpu.memory_space<hbm>>, %arg6: memref<3x2x3x120xi32, #tpu.memory_space<vmem>>, %arg7: memref<3x120x128xf32, #tpu.memory_space<vmem>>, %arg8: memref<10240x128xf32, #tpu.memory_space<vmem_shared>>, %arg9: memref<3x!tpu.dma_semaphore, #tpu.memory_space<semaphore_mem>>, %arg10: memref<3x!tpu.dma_semaphore, #tpu.memory_space<semaphore_mem>>, %arg11: memref<3x!tpu.dma_semaphore, #tpu.memory_space<semaphore_mem>>) attributes {dimension_semantics = [#tpu.dimension_semantics<core_parallel>, #tpu.dimension_semantics<subcore_parallel>], iteration_bounds = array<i64: 2, 16>, scalar_prefetch = 0 : i64, scratch_operands = 6 : i64, tpu.core_type = #tpu.core_type<sc_vector_subcore>, window_params = [{transform_indices = #map}, {transform_indices = #map1}, {transform_indices = #map}, {transform_indices = #map2}]} {
    %mul3A = arith.constant 2 : i32
    %mul3A_0 = arith.muli %arg1, %mul3A : i32
    %add3A = arith.addi %mul3A_0, %arg0 : i32
    %mul3A_1 = arith.constant 640 : i32
    %mul3A_2 = arith.muli %arg1, %mul3A_1 : i32
    "tpu.region"() ({
      %run_scoped3A_482 = tpu.sem_alloc : memref<!tpu.dma_semaphore, #tpu.memory_space<semaphore_mem>>
      %dma_start3A_483 = arith.constant 0 : i32
      %dma_start3A_484 = tpu.memref_slice %arg8[%mul3A_2, %dma_start3A_483] : memref<10240x128xf32, #tpu.memory_space<vmem_shared>> -> memref<640x128xf32, #tpu.memory_space<vmem_shared>>
      tpu.enqueue_dma source(%arg4 : memref<640x128xf32, #tpu.memory_space<hbm>>) target(%dma_start3A_484 : memref<640x128xf32, #tpu.memory_space<vmem_shared>>) target_semaphore(%run_scoped3A_482 : memref<!tpu.dma_semaphore, #tpu.memory_space<semaphore_mem>>)
      %dma_wait3A_485 = arith.constant 0 : i32
      %dma_wait3A_486 = tpu.memref_slice %arg8[%mul3A_2, %dma_wait3A_485] : memref<10240x128xf32, #tpu.memory_space<vmem_shared>> -> memref<640x128xf32, #tpu.memory_space<vmem_shared>>
      tpu.wait_dma2 semaphore(%run_scoped3A_482 : memref<!tpu.dma_semaphore, #tpu.memory_space<semaphore_mem>>) src(%arg4 : memref<640x128xf32, #tpu.memory_space<hbm>>) dst(%dma_wait3A_486 : memref<640x128xf32, #tpu.memory_space<vmem_shared>>)
      tpu.yield
    }) : () -> ()
    %barrier3A = arith.constant 0 : index
    tpu.barrier barrier_id(%barrier3A)
    %run_scoped3A = arith.constant 0 : i32
    %run_scoped3A_3 = arith.constant 0 : i32
    "tpu.region"() ({
      %run_scoped3A_482 = tpu.sem_alloc : memref<!tpu.dma_semaphore, #tpu.memory_space<semaphore_mem>>
      %dma_start3A_483 = arith.constant 0 : i32
      %dma_start3A_484 = arith.constant 0 : i32
      %dma_start3A_485 = arith.constant 0 : i32
      %dma_start3A_486 = tpu.memref_slice %arg6[%run_scoped3A_3, %dma_start3A_483, %dma_start3A_484, %dma_start3A_485] : memref<3x2x3x120xi32, #tpu.memory_space<vmem>> -> memref<1x2x3x120xi32, #tpu.memory_space<vmem>>
      %dma_start3A_487 = tpu.memref_squeeze %dma_start3A_486 : memref<1x2x3x120xi32, #tpu.memory_space<vmem>> -> memref<2x3x120xi32, #tpu.memory_space<vmem>>
      %dma_start3A_488 = arith.constant 0 : i32
      %dma_start3A_489 = arith.constant 0 : i32
      %dma_start3A_490 = arith.constant 0 : i32
      %dma_start3A_491 = tpu.memref_slice %arg3[%add3A, %run_scoped3A, %dma_start3A_488, %dma_start3A_489, %dma_start3A_490] : memref<32x56x2x3x120xi32, #tpu.memory_space<hbm>> -> memref<1x1x2x3x120xi32, #tpu.memory_space<hbm>>
      %dma_start3A_492 = tpu.memref_squeeze %dma_start3A_491 : memref<1x1x2x3x120xi32, #tpu.memory_space<hbm>> -> memref<2x3x120xi32, #tpu.memory_space<hbm>>
      %dma_start3A_493 = arith.constant 0 : i32
      %dma_start3A_494 = arith.constant 0 : i32
      %dma_start3A_495 = arith.constant 0 : i32
      %dma_start3A_496 = tpu.memref_slice %arg6[%run_scoped3A_3, %dma_start3A_493, %dma_start3A_494, %dma_start3A_495] : memref<3x2x3x120xi32, #tpu.memory_space<vmem>> -> memref<1x2x3x120xi32, #tpu.memory_space<vmem>>
      %dma_start3A_497 = tpu.memref_squeeze %dma_start3A_496 : memref<1x2x3x120xi32, #tpu.memory_space<vmem>> -> memref<2x3x120xi32, #tpu.memory_space<vmem>>
      %dma_start3A_498 = arith.constant 0 : i32
      %dma_start3A_499 = arith.constant 0 : i32
      %dma_start3A_500 = arith.constant 0 : i32
      %dma_start3A_501 = tpu.memref_slice %arg3[%add3A, %run_scoped3A, %dma_start3A_498, %dma_start3A_499, %dma_start3A_500] : memref<32x56x2x3x120xi32, #tpu.memory_space<hbm>> -> memref<1x1x2x3x120xi32, #tpu.memory_space<hbm>>
      %dma_start3A_502 = tpu.memref_squeeze %dma_start3A_501 : memref<1x1x2x3x120xi32, #tpu.memory_space<hbm>> -> memref<2x3x120xi32, #tpu.memory_space<hbm>>
      tpu.enqueue_dma source(%dma_start3A_502 : memref<2x3x120xi32, #tpu.memory_space<hbm>>) target(%dma_start3A_497 : memref<2x3x120xi32, #tpu.memory_space<vmem>>) target_semaphore(%run_scoped3A_482 : memref<!tpu.dma_semaphore, #tpu.memory_space<semaphore_mem>>)
      %dma_wait3A_503 = arith.constant 0 : i32
      %dma_wait3A_504 = arith.constant 0 : i32
      %dma_wait3A_505 = arith.constant 0 : i32
      %dma_wait3A_506 = tpu.memref_slice %arg6[%run_scoped3A_3, %dma_wait3A_503, %dma_wait3A_504, %dma_wait3A_505] : memref<3x2x3x120xi32, #tpu.memory_space<vmem>> -> memref<1x2x3x120xi32, #tpu.memory_space<vmem>>
      %dma_wait3A_507 = tpu.memref_squeeze %dma_wait3A_506 : memref<1x2x3x120xi32, #tpu.memory_space<vmem>> -> memref<2x3x120xi32, #tpu.memory_space<vmem>>
      %dma_wait3A_508 = arith.constant 0 : i32
      %dma_wait3A_509 = arith.constant 0 : i32
      %dma_wait3A_510 = arith.constant 0 : i32
      %dma_wait3A_511 = tpu.memref_slice %arg3[%add3A, %run_scoped3A, %dma_wait3A_508, %dma_wait3A_509, %dma_wait3A_510] : memref<32x56x2x3x120xi32, #tpu.memory_space<hbm>> -> memref<1x1x2x3x120xi32, #tpu.memory_space<hbm>>
      %dma_wait3A_512 = tpu.memref_squeeze %dma_wait3A_511 : memref<1x1x2x3x120xi32, #tpu.memory_space<hbm>> -> memref<2x3x120xi32, #tpu.memory_space<hbm>>
      %dma_wait3A_513 = arith.constant 0 : i32
      %dma_wait3A_514 = arith.constant 0 : i32
      %dma_wait3A_515 = arith.constant 0 : i32
      %dma_wait3A_516 = tpu.memref_slice %arg6[%run_scoped3A_3, %dma_wait3A_513, %dma_wait3A_514, %dma_wait3A_515] : memref<3x2x3x120xi32, #tpu.memory_space<vmem>> -> memref<1x2x3x120xi32, #tpu.memory_space<vmem>>
      %dma_wait3A_517 = tpu.memref_squeeze %dma_wait3A_516 : memref<1x2x3x120xi32, #tpu.memory_space<vmem>> -> memref<2x3x120xi32, #tpu.memory_space<vmem>>
      %dma_wait3A_518 = arith.constant 0 : i32
      %dma_wait3A_519 = arith.constant 0 : i32
      %dma_wait3A_520 = arith.constant 0 : i32
      %dma_wait3A_521 = tpu.memref_slice %arg3[%add3A, %run_scoped3A, %dma_wait3A_518, %dma_wait3A_519, %dma_wait3A_520] : memref<32x56x2x3x120xi32, #tpu.memory_space<hbm>> -> memref<1x1x2x3x120xi32, #tpu.memory_space<hbm>>
      %dma_wait3A_522 = tpu.memref_squeeze %dma_wait3A_521 : memref<1x1x2x3x120xi32, #tpu.memory_space<hbm>> -> memref<2x3x120xi32, #tpu.memory_space<hbm>>
      tpu.wait_dma2 semaphore(%run_scoped3A_482 : memref<!tpu.dma_semaphore, #tpu.memory_space<semaphore_mem>>) src(%dma_wait3A_522 : memref<2x3x120xi32, #tpu.memory_space<hbm>>) dst(%dma_wait3A_517 : memref<2x3x120xi32, #tpu.memory_space<vmem>>)
      tpu.yield
    }) : () -> ()
    %dma_start3A = arith.constant 0 : i32
    %dma_start3A_4 = arith.constant 0 : i32
    %dma_start3A_5 = arith.constant 0 : i32
    %dma_start3A_6 = arith.constant 0 : i32
    %dma_start3A_7 = arith.constant 0 : i32
    %dma_start3A_8 = arith.constant 0 : i32
    %dma_start3A_9 = arith.constant 0 : i32
    %dma_start3A_10 = tpu.memref_slice %arg7[%dma_start3A_6, %dma_start3A_8, %dma_start3A_9] : memref<3x120x128xf32, #tpu.memory_space<vmem>> -> memref<1x120x128xf32, #tpu.memory_space<vmem>>
    %dma_start3A_11 = tpu.memref_squeeze %dma_start3A_10 : memref<1x120x128xf32, #tpu.memory_space<vmem>> -> memref<120x128xf32, #tpu.memory_space<vmem>>
    %dma_start3A_12 = arith.constant 0 : i32
    %dma_start3A_13 = tpu.memref_slice %arg6[%dma_start3A, %dma_start3A_4, %dma_start3A_5, %dma_start3A_12] : memref<3x2x3x120xi32, #tpu.memory_space<vmem>> -> memref<1x1x1x120xi32, #tpu.memory_space<vmem>>
    %dma_start3A_14 = tpu.memref_squeeze %dma_start3A_13 : memref<1x1x1x120xi32, #tpu.memory_space<vmem>> -> memref<120xi32, #tpu.memory_space<vmem>>
    %dma_start3A_15 = arith.constant 0 : i32
    %dma_start3A_16 = arith.constant 0 : i32
    %dma_start3A_17 = tpu.memref_slice %arg2[%dma_start3A_15, %dma_start3A_16] : memref<10240x128xf32, #tpu.memory_space<hbm>> -> memref<10240x128xf32, #tpu.memory_space<hbm>>
    %dma_start3A_18 = tpu.memref_slice %arg10[%dma_start3A_7] : memref<3x!tpu.dma_semaphore, #tpu.memory_space<semaphore_mem>> -> memref<1x!tpu.dma_semaphore, #tpu.memory_space<semaphore_mem>>
    %dma_start3A_19 = tpu.memref_squeeze %dma_start3A_18 : memref<1x!tpu.dma_semaphore, #tpu.memory_space<semaphore_mem>> -> memref<!tpu.dma_semaphore, #tpu.memory_space<semaphore_mem>>
    tpu.enqueue_indirect_dma source(%dma_start3A_17 : memref<10240x128xf32, #tpu.memory_space<hbm>>) target(%dma_start3A_11 : memref<120x128xf32, #tpu.memory_space<vmem>>) offsets(%dma_start3A_14 : memref<120xi32, #tpu.memory_space<vmem>>) semaphore(%dma_start3A_19 : memref<!tpu.dma_semaphore, #tpu.memory_space<semaphore_mem>>)
    %dma_start3A_20 = arith.constant 0 : i32
    %dma_start3A_21 = arith.constant 0 : i32
    %dma_start3A_22 = arith.constant 1 : i32
    %dma_start3A_23 = arith.constant 1 : i32
    %dma_start3A_24 = arith.constant 1 : i32
    %dma_start3A_25 = arith.constant 0 : i32
    %dma_start3A_26 = arith.constant 0 : i32
    %dma_start3A_27 = tpu.memref_slice %arg7[%dma_start3A_23, %dma_start3A_25, %dma_start3A_26] : memref<3x120x128xf32, #tpu.memory_space<vmem>> -> memref<1x120x128xf32, #tpu.memory_space<vmem>>
    %dma_start3A_28 = tpu.memref_squeeze %dma_start3A_27 : memref<1x120x128xf32, #tpu.memory_space<vmem>> -> memref<120x128xf32, #tpu.memory_space<vmem>>
    %dma_start3A_29 = arith.constant 0 : i32
    %dma_start3A_30 = tpu.memref_slice %arg6[%dma_start3A_20, %dma_start3A_21, %dma_start3A_22, %dma_start3A_29] : memref<3x2x3x120xi32, #tpu.memory_space<vmem>> -> memref<1x1x1x120xi32, #tpu.memory_space<vmem>>
    %dma_start3A_31 = tpu.memref_squeeze %dma_start3A_30 : memref<1x1x1x120xi32, #tpu.memory_space<vmem>> -> memref<120xi32, #tpu.memory_space<vmem>>
    %dma_start3A_32 = arith.constant 0 : i32
    %dma_start3A_33 = arith.constant 0 : i32
    %dma_start3A_34 = tpu.memref_slice %arg2[%dma_start3A_32, %dma_start3A_33] : memref<10240x128xf32, #tpu.memory_space<hbm>> -> memref<10240x128xf32, #tpu.memory_space<hbm>>
    %dma_start3A_35 = tpu.memref_slice %arg10[%dma_start3A_24] : memref<3x!tpu.dma_semaphore, #tpu.memory_space<semaphore_mem>> -> memref<1x!tpu.dma_semaphore, #tpu.memory_space<semaphore_mem>>
    %dma_start3A_36 = tpu.memref_squeeze %dma_start3A_35 : memref<1x!tpu.dma_semaphore, #tpu.memory_space<semaphore_mem>> -> memref<!tpu.dma_semaphore, #tpu.memory_space<semaphore_mem>>
    tpu.enqueue_indirect_dma source(%dma_start3A_34 : memref<10240x128xf32, #tpu.memory_space<hbm>>) target(%dma_start3A_28 : memref<120x128xf32, #tpu.memory_space<vmem>>) offsets(%dma_start3A_31 : memref<120xi32, #tpu.memory_space<vmem>>) semaphore(%dma_start3A_36 : memref<!tpu.dma_semaphore, #tpu.memory_space<semaphore_mem>>)
    %dma_start3A_37 = arith.constant 1 : i32
    %dma_start3A_38 = arith.constant 1 : i32
    %dma_start3A_39 = arith.constant 1 : i32
    %dma_start3A_40 = arith.constant 0 : i32
    %dma_start3A_41 = arith.constant 0 : i32
    %dma_start3A_42 = arith.constant 0 : i32
    %dma_start3A_43 = tpu.memref_slice %arg6[%dma_start3A_38, %dma_start3A_40, %dma_start3A_41, %dma_start3A_42] : memref<3x2x3x120xi32, #tpu.memory_space<vmem>> -> memref<1x2x3x120xi32, #tpu.memory_space<vmem>>
    %dma_start3A_44 = tpu.memref_squeeze %dma_start3A_43 : memref<1x2x3x120xi32, #tpu.memory_space<vmem>> -> memref<2x3x120xi32, #tpu.memory_space<vmem>>
    %dma_start3A_45 = arith.constant 0 : i32
    %dma_start3A_46 = arith.constant 0 : i32
    %dma_start3A_47 = arith.constant 0 : i32
    %dma_start3A_48 = tpu.memref_slice %arg3[%add3A, %dma_start3A_37, %dma_start3A_45, %dma_start3A_46, %dma_start3A_47] : memref<32x56x2x3x120xi32, #tpu.memory_space<hbm>> -> memref<1x1x2x3x120xi32, #tpu.memory_space<hbm>>
    %dma_start3A_49 = tpu.memref_squeeze %dma_start3A_48 : memref<1x1x2x3x120xi32, #tpu.memory_space<hbm>> -> memref<2x3x120xi32, #tpu.memory_space<hbm>>
    %dma_start3A_50 = tpu.memref_slice %arg9[%dma_start3A_39] : memref<3x!tpu.dma_semaphore, #tpu.memory_space<semaphore_mem>> -> memref<1x!tpu.dma_semaphore, #tpu.memory_space<semaphore_mem>>
    %dma_start3A_51 = tpu.memref_squeeze %dma_start3A_50 : memref<1x!tpu.dma_semaphore, #tpu.memory_space<semaphore_mem>> -> memref<!tpu.dma_semaphore, #tpu.memory_space<semaphore_mem>>
    %dma_start3A_52 = arith.constant 0 : i32
    %dma_start3A_53 = arith.constant 0 : i32
    %dma_start3A_54 = arith.constant 0 : i32
    %dma_start3A_55 = tpu.memref_slice %arg6[%dma_start3A_38, %dma_start3A_52, %dma_start3A_53, %dma_start3A_54] : memref<3x2x3x120xi32, #tpu.memory_space<vmem>> -> memref<1x2x3x120xi32, #tpu.memory_space<vmem>>
    %dma_start3A_56 = tpu.memref_squeeze %dma_start3A_55 : memref<1x2x3x120xi32, #tpu.memory_space<vmem>> -> memref<2x3x120xi32, #tpu.memory_space<vmem>>
    %dma_start3A_57 = arith.constant 0 : i32
    %dma_start3A_58 = arith.constant 0 : i32
    %dma_start3A_59 = arith.constant 0 : i32
    %dma_start3A_60 = tpu.memref_slice %arg3[%add3A, %dma_start3A_37, %dma_start3A_57, %dma_start3A_58, %dma_start3A_59] : memref<32x56x2x3x120xi32, #tpu.memory_space<hbm>> -> memref<1x1x2x3x120xi32, #tpu.memory_space<hbm>>
    %dma_start3A_61 = tpu.memref_squeeze %dma_start3A_60 : memref<1x1x2x3x120xi32, #tpu.memory_space<hbm>> -> memref<2x3x120xi32, #tpu.memory_space<hbm>>
    tpu.enqueue_dma source(%dma_start3A_61 : memref<2x3x120xi32, #tpu.memory_space<hbm>>) target(%dma_start3A_56 : memref<2x3x120xi32, #tpu.memory_space<vmem>>) target_semaphore(%dma_start3A_51 : memref<!tpu.dma_semaphore, #tpu.memory_space<semaphore_mem>>)
    %dma_start3A_62 = arith.constant 0 : i32
    %dma_start3A_63 = arith.constant 0 : i32
    %dma_start3A_64 = arith.constant 2 : i32
    %dma_start3A_65 = arith.constant 2 : i32
    %dma_start3A_66 = arith.constant 2 : i32
    %dma_start3A_67 = arith.constant 0 : i32
    %dma_start3A_68 = arith.constant 0 : i32
    %dma_start3A_69 = tpu.memref_slice %arg7[%dma_start3A_65, %dma_start3A_67, %dma_start3A_68] : memref<3x120x128xf32, #tpu.memory_space<vmem>> -> memref<1x120x128xf32, #tpu.memory_space<vmem>>
    %dma_start3A_70 = tpu.memref_squeeze %dma_start3A_69 : memref<1x120x128xf32, #tpu.memory_space<vmem>> -> memref<120x128xf32, #tpu.memory_space<vmem>>
    %dma_start3A_71 = arith.constant 0 : i32
    %dma_start3A_72 = tpu.memref_slice %arg6[%dma_start3A_62, %dma_start3A_63, %dma_start3A_64, %dma_start3A_71] : memref<3x2x3x120xi32, #tpu.memory_space<vmem>> -> memref<1x1x1x120xi32, #tpu.memory_space<vmem>>
    %dma_start3A_73 = tpu.memref_squeeze %dma_start3A_72 : memref<1x1x1x120xi32, #tpu.memory_space<vmem>> -> memref<120xi32, #tpu.memory_space<vmem>>
    %dma_start3A_74 = arith.constant 0 : i32
    %dma_start3A_75 = arith.constant 0 : i32
    %dma_start3A_76 = tpu.memref_slice %arg2[%dma_start3A_74, %dma_start3A_75] : memref<10240x128xf32, #tpu.memory_space<hbm>> -> memref<10240x128xf32, #tpu.memory_space<hbm>>
    %dma_start3A_77 = tpu.memref_slice %arg10[%dma_start3A_66] : memref<3x!tpu.dma_semaphore, #tpu.memory_space<semaphore_mem>> -> memref<1x!tpu.dma_semaphore, #tpu.memory_space<semaphore_mem>>
    %dma_start3A_78 = tpu.memref_squeeze %dma_start3A_77 : memref<1x!tpu.dma_semaphore, #tpu.memory_space<semaphore_mem>> -> memref<!tpu.dma_semaphore, #tpu.memory_space<semaphore_mem>>
    tpu.enqueue_indirect_dma source(%dma_start3A_76 : memref<10240x128xf32, #tpu.memory_space<hbm>>) target(%dma_start3A_70 : memref<120x128xf32, #tpu.memory_space<vmem>>) offsets(%dma_start3A_73 : memref<120xi32, #tpu.memory_space<vmem>>) semaphore(%dma_start3A_78 : memref<!tpu.dma_semaphore, #tpu.memory_space<semaphore_mem>>)
    %dma_wait3A = arith.constant 0 : i32
    %dma_wait3A_79 = arith.constant 0 : i32
    %dma_wait3A_80 = arith.constant 0 : i32
    %dma_wait3A_81 = arith.constant 0 : i32
    %dma_wait3A_82 = tpu.memref_slice %arg7[%dma_wait3A, %dma_wait3A_80, %dma_wait3A_81] : memref<3x120x128xf32, #tpu.memory_space<vmem>> -> memref<1x120x128xf32, #tpu.memory_space<vmem>>
    %dma_wait3A_83 = tpu.memref_squeeze %dma_wait3A_82 : memref<1x120x128xf32, #tpu.memory_space<vmem>> -> memref<120x128xf32, #tpu.memory_space<vmem>>
    %dma_wait3A_84 = arith.constant 0 : i32
    %dma_wait3A_85 = arith.constant 0 : i32
    %dma_wait3A_86 = tpu.memref_slice %arg2[%dma_wait3A_84, %dma_wait3A_85] : memref<10240x128xf32, #tpu.memory_space<hbm>> -> memref<120x128xf32, #tpu.memory_space<hbm>>
    %dma_wait3A_87 = tpu.memref_slice %arg10[%dma_wait3A_79] : memref<3x!tpu.dma_semaphore, #tpu.memory_space<semaphore_mem>> -> memref<1x!tpu.dma_semaphore, #tpu.memory_space<semaphore_mem>>
    %dma_wait3A_88 = tpu.memref_squeeze %dma_wait3A_87 : memref<1x!tpu.dma_semaphore, #tpu.memory_space<semaphore_mem>> -> memref<!tpu.dma_semaphore, #tpu.memory_space<semaphore_mem>>
    %dma_wait3A_89 = arith.constant 0 : i32
    %dma_wait3A_90 = arith.constant 0 : i32
    %dma_wait3A_91 = tpu.memref_slice %arg7[%dma_wait3A, %dma_wait3A_89, %dma_wait3A_90] : memref<3x120x128xf32, #tpu.memory_space<vmem>> -> memref<1x120x128xf32, #tpu.memory_space<vmem>>
    %dma_wait3A_92 = tpu.memref_squeeze %dma_wait3A_91 : memref<1x120x128xf32, #tpu.memory_space<vmem>> -> memref<120x128xf32, #tpu.memory_space<vmem>>
    %dma_wait3A_93 = arith.constant 0 : i32
    %dma_wait3A_94 = arith.constant 0 : i32
    %dma_wait3A_95 = tpu.memref_slice %arg2[%dma_wait3A_93, %dma_wait3A_94] : memref<10240x128xf32, #tpu.memory_space<hbm>> -> memref<120x128xf32, #tpu.memory_space<hbm>>
    tpu.wait_dma2 semaphore(%dma_wait3A_88 : memref<!tpu.dma_semaphore, #tpu.memory_space<semaphore_mem>>) src(%dma_wait3A_95 : memref<120x128xf32, #tpu.memory_space<hbm>>) dst(%dma_wait3A_92 : memref<120x128xf32, #tpu.memory_space<vmem>>)
    %dma_start3A_96 = arith.constant 0 : i32
    %dma_start3A_97 = arith.constant 0 : i32
    %dma_start3A_98 = arith.constant 1 : i32
    %dma_start3A_99 = arith.constant 0 : i32
    %dma_start3A_100 = arith.constant 0 : i32
    %dma_start3A_101 = arith.constant 0 : i32
    %dma_start3A_102 = arith.constant 0 : i32
    %dma_start3A_103 = tpu.memref_slice %arg7[%dma_start3A_96, %dma_start3A_101, %dma_start3A_102] : memref<3x120x128xf32, #tpu.memory_space<vmem>> -> memref<1x120x128xf32, #tpu.memory_space<vmem>>
    %dma_start3A_104 = tpu.memref_squeeze %dma_start3A_103 : memref<1x120x128xf32, #tpu.memory_space<vmem>> -> memref<120x128xf32, #tpu.memory_space<vmem>>
    %dma_start3A_105 = arith.constant 0 : i32
    %dma_start3A_106 = tpu.memref_slice %arg6[%dma_start3A_97, %dma_start3A_98, %dma_start3A_99, %dma_start3A_105] : memref<3x2x3x120xi32, #tpu.memory_space<vmem>> -> memref<1x1x1x120xi32, #tpu.memory_space<vmem>>
    %dma_start3A_107 = tpu.memref_squeeze %dma_start3A_106 : memref<1x1x1x120xi32, #tpu.memory_space<vmem>> -> memref<120xi32, #tpu.memory_space<vmem>>
    %dma_start3A_108 = arith.constant 0 : i32
    %dma_start3A_109 = arith.constant 0 : i32
    %dma_start3A_110 = tpu.memref_slice %arg8[%dma_start3A_108, %dma_start3A_109] : memref<10240x128xf32, #tpu.memory_space<vmem_shared>> -> memref<10240x128xf32, #tpu.memory_space<vmem_shared>>
    %dma_start3A_111 = tpu.memref_slice %arg11[%dma_start3A_100] : memref<3x!tpu.dma_semaphore, #tpu.memory_space<semaphore_mem>> -> memref<1x!tpu.dma_semaphore, #tpu.memory_space<semaphore_mem>>
    %dma_start3A_112 = tpu.memref_squeeze %dma_start3A_111 : memref<1x!tpu.dma_semaphore, #tpu.memory_space<semaphore_mem>> -> memref<!tpu.dma_semaphore, #tpu.memory_space<semaphore_mem>>
    tpu.enqueue_indirect_dma source(%dma_start3A_104 : memref<120x128xf32, #tpu.memory_space<vmem>>) target(%dma_start3A_110 : memref<10240x128xf32, #tpu.memory_space<vmem_shared>>) offsets(%dma_start3A_107 : memref<120xi32, #tpu.memory_space<vmem>>) semaphore(%dma_start3A_112 : memref<!tpu.dma_semaphore, #tpu.memory_space<semaphore_mem>>) {add = true}
    %dma_wait3A_113 = arith.constant 0 : i32
    %dma_wait3A_114 = arith.constant 0 : i32
    %dma_wait3A_115 = arith.constant 1 : i32
    %dma_wait3A_116 = arith.constant 1 : i32
    %dma_wait3A_117 = arith.constant 0 : i32
    %dma_wait3A_118 = arith.constant 0 : i32
    %dma_wait3A_119 = arith.constant 0 : i32
    %dma_wait3A_120 = tpu.memref_slice %arg6[%dma_wait3A_115, %dma_wait3A_117, %dma_wait3A_118, %dma_wait3A_119] : memref<3x2x3x120xi32, #tpu.memory_space<vmem>> -> memref<1x2x3x120xi32, #tpu.memory_space<vmem>>
    %dma_wait3A_121 = tpu.memref_squeeze %dma_wait3A_120 : memref<1x2x3x120xi32, #tpu.memory_space<vmem>> -> memref<2x3x120xi32, #tpu.memory_space<vmem>>
    %dma_wait3A_122 = arith.constant 0 : i32
    %dma_wait3A_123 = arith.constant 0 : i32
    %dma_wait3A_124 = arith.constant 0 : i32
    %dma_wait3A_125 = tpu.memref_slice %arg3[%dma_wait3A_113, %dma_wait3A_114, %dma_wait3A_122, %dma_wait3A_123, %dma_wait3A_124] : memref<32x56x2x3x120xi32, #tpu.memory_space<hbm>> -> memref<1x1x2x3x120xi32, #tpu.memory_space<hbm>>
    %dma_wait3A_126 = tpu.memref_squeeze %dma_wait3A_125 : memref<1x1x2x3x120xi32, #tpu.memory_space<hbm>> -> memref<2x3x120xi32, #tpu.memory_space<hbm>>
    %dma_wait3A_127 = tpu.memref_slice %arg9[%dma_wait3A_116] : memref<3x!tpu.dma_semaphore, #tpu.memory_space<semaphore_mem>> -> memref<1x!tpu.dma_semaphore, #tpu.memory_space<semaphore_mem>>
    %dma_wait3A_128 = tpu.memref_squeeze %dma_wait3A_127 : memref<1x!tpu.dma_semaphore, #tpu.memory_space<semaphore_mem>> -> memref<!tpu.dma_semaphore, #tpu.memory_space<semaphore_mem>>
    %dma_wait3A_129 = arith.constant 0 : i32
    %dma_wait3A_130 = arith.constant 0 : i32
    %dma_wait3A_131 = arith.constant 0 : i32
    %dma_wait3A_132 = tpu.memref_slice %arg6[%dma_wait3A_115, %dma_wait3A_129, %dma_wait3A_130, %dma_wait3A_131] : memref<3x2x3x120xi32, #tpu.memory_space<vmem>> -> memref<1x2x3x120xi32, #tpu.memory_space<vmem>>
    %dma_wait3A_133 = tpu.memref_squeeze %dma_wait3A_132 : memref<1x2x3x120xi32, #tpu.memory_space<vmem>> -> memref<2x3x120xi32, #tpu.memory_space<vmem>>
    %dma_wait3A_134 = arith.constant 0 : i32
    %dma_wait3A_135 = arith.constant 0 : i32
    %dma_wait3A_136 = arith.constant 0 : i32
    %dma_wait3A_137 = tpu.memref_slice %arg3[%dma_wait3A_113, %dma_wait3A_114, %dma_wait3A_134, %dma_wait3A_135, %dma_wait3A_136] : memref<32x56x2x3x120xi32, #tpu.memory_space<hbm>> -> memref<1x1x2x3x120xi32, #tpu.memory_space<hbm>>
    %dma_wait3A_138 = tpu.memref_squeeze %dma_wait3A_137 : memref<1x1x2x3x120xi32, #tpu.memory_space<hbm>> -> memref<2x3x120xi32, #tpu.memory_space<hbm>>
    tpu.wait_dma2 semaphore(%dma_wait3A_128 : memref<!tpu.dma_semaphore, #tpu.memory_space<semaphore_mem>>) src(%dma_wait3A_138 : memref<2x3x120xi32, #tpu.memory_space<hbm>>) dst(%dma_wait3A_133 : memref<2x3x120xi32, #tpu.memory_space<vmem>>)
    %dma_wait3A_139 = arith.constant 0 : i32
    %dma_wait3A_140 = arith.constant 0 : i32
    %dma_wait3A_141 = arith.constant 0 : i32
    %dma_wait3A_142 = arith.constant 0 : i32
    %dma_wait3A_143 = tpu.memref_slice %arg7[%dma_wait3A_139, %dma_wait3A_141, %dma_wait3A_142] : memref<3x120x128xf32, #tpu.memory_space<vmem>> -> memref<1x120x128xf32, #tpu.memory_space<vmem>>
    %dma_wait3A_144 = tpu.memref_squeeze %dma_wait3A_143 : memref<1x120x128xf32, #tpu.memory_space<vmem>> -> memref<120x128xf32, #tpu.memory_space<vmem>>
    %dma_wait3A_145 = arith.constant 0 : i32
    %dma_wait3A_146 = arith.constant 0 : i32
    %dma_wait3A_147 = tpu.memref_slice %arg2[%dma_wait3A_145, %dma_wait3A_146] : memref<10240x128xf32, #tpu.memory_space<hbm>> -> memref<120x128xf32, #tpu.memory_space<hbm>>
    %dma_wait3A_148 = tpu.memref_slice %arg11[%dma_wait3A_140] : memref<3x!tpu.dma_semaphore, #tpu.memory_space<semaphore_mem>> -> memref<1x!tpu.dma_semaphore, #tpu.memory_space<semaphore_mem>>
    %dma_wait3A_149 = tpu.memref_squeeze %dma_wait3A_148 : memref<1x!tpu.dma_semaphore, #tpu.memory_space<semaphore_mem>> -> memref<!tpu.dma_semaphore, #tpu.memory_space<semaphore_mem>>
    %dma_wait3A_150 = arith.constant 0 : i32
    %dma_wait3A_151 = arith.constant 0 : i32
    %dma_wait3A_152 = tpu.memref_slice %arg7[%dma_wait3A_139, %dma_wait3A_150, %dma_wait3A_151] : memref<3x120x128xf32, #tpu.memory_space<vmem>> -> memref<1x120x128xf32, #tpu.memory_space<vmem>>
    %dma_wait3A_153 = tpu.memref_squeeze %dma_wait3A_152 : memref<1x120x128xf32, #tpu.memory_space<vmem>> -> memref<120x128xf32, #tpu.memory_space<vmem>>
    %dma_wait3A_154 = arith.constant 0 : i32
    %dma_wait3A_155 = arith.constant 0 : i32
    %dma_wait3A_156 = tpu.memref_slice %arg2[%dma_wait3A_154, %dma_wait3A_155] : memref<10240x128xf32, #tpu.memory_space<hbm>> -> memref<120x128xf32, #tpu.memory_space<hbm>>
    tpu.wait_dma2 semaphore(%dma_wait3A_149 : memref<!tpu.dma_semaphore, #tpu.memory_space<semaphore_mem>>) src(%dma_wait3A_156 : memref<120x128xf32, #tpu.memory_space<hbm>>) dst(%dma_wait3A_153 : memref<120x128xf32, #tpu.memory_space<vmem>>)
    %dma_start3A_157 = arith.constant 1 : i32
    %dma_start3A_158 = arith.constant 0 : i32
    %dma_start3A_159 = arith.constant 0 : i32
    %dma_start3A_160 = arith.constant 0 : i32
    %dma_start3A_161 = arith.constant 0 : i32
    %dma_start3A_162 = arith.constant 0 : i32
    %dma_start3A_163 = arith.constant 0 : i32
    %dma_start3A_164 = tpu.memref_slice %arg7[%dma_start3A_160, %dma_start3A_162, %dma_start3A_163] : memref<3x120x128xf32, #tpu.memory_space<vmem>> -> memref<1x120x128xf32, #tpu.memory_space<vmem>>
    %dma_start3A_165 = tpu.memref_squeeze %dma_start3A_164 : memref<1x120x128xf32, #tpu.memory_space<vmem>> -> memref<120x128xf32, #tpu.memory_space<vmem>>
    %dma_start3A_166 = arith.constant 0 : i32
    %dma_start3A_167 = tpu.memref_slice %arg6[%dma_start3A_157, %dma_start3A_158, %dma_start3A_159, %dma_start3A_166] : memref<3x2x3x120xi32, #tpu.memory_space<vmem>> -> memref<1x1x1x120xi32, #tpu.memory_space<vmem>>
    %dma_start3A_168 = tpu.memref_squeeze %dma_start3A_167 : memref<1x1x1x120xi32, #tpu.memory_space<vmem>> -> memref<120xi32, #tpu.memory_space<vmem>>
    %dma_start3A_169 = arith.constant 0 : i32
    %dma_start3A_170 = arith.constant 0 : i32
    %dma_start3A_171 = tpu.memref_slice %arg2[%dma_start3A_169, %dma_start3A_170] : memref<10240x128xf32, #tpu.memory_space<hbm>> -> memref<10240x128xf32, #tpu.memory_space<hbm>>
    %dma_start3A_172 = tpu.memref_slice %arg10[%dma_start3A_161] : memref<3x!tpu.dma_semaphore, #tpu.memory_space<semaphore_mem>> -> memref<1x!tpu.dma_semaphore, #tpu.memory_space<semaphore_mem>>
    %dma_start3A_173 = tpu.memref_squeeze %dma_start3A_172 : memref<1x!tpu.dma_semaphore, #tpu.memory_space<semaphore_mem>> -> memref<!tpu.dma_semaphore, #tpu.memory_space<semaphore_mem>>
    tpu.enqueue_indirect_dma source(%dma_start3A_171 : memref<10240x128xf32, #tpu.memory_space<hbm>>) target(%dma_start3A_165 : memref<120x128xf32, #tpu.memory_space<vmem>>) offsets(%dma_start3A_168 : memref<120xi32, #tpu.memory_space<vmem>>) semaphore(%dma_start3A_173 : memref<!tpu.dma_semaphore, #tpu.memory_space<semaphore_mem>>)
    %dma_wait3A_174 = arith.constant 1 : i32
    %dma_wait3A_175 = arith.constant 1 : i32
    %dma_wait3A_176 = arith.constant 0 : i32
    %dma_wait3A_177 = arith.constant 0 : i32
    %dma_wait3A_178 = tpu.memref_slice %arg7[%dma_wait3A_174, %dma_wait3A_176, %dma_wait3A_177] : memref<3x120x128xf32, #tpu.memory_space<vmem>> -> memref<1x120x128xf32, #tpu.memory_space<vmem>>
    %dma_wait3A_179 = tpu.memref_squeeze %dma_wait3A_178 : memref<1x120x128xf32, #tpu.memory_space<vmem>> -> memref<120x128xf32, #tpu.memory_space<vmem>>
    %dma_wait3A_180 = arith.constant 0 : i32
    %dma_wait3A_181 = arith.constant 0 : i32
    %dma_wait3A_182 = tpu.memref_slice %arg2[%dma_wait3A_180, %dma_wait3A_181] : memref<10240x128xf32, #tpu.memory_space<hbm>> -> memref<120x128xf32, #tpu.memory_space<hbm>>
    %dma_wait3A_183 = tpu.memref_slice %arg10[%dma_wait3A_175] : memref<3x!tpu.dma_semaphore, #tpu.memory_space<semaphore_mem>> -> memref<1x!tpu.dma_semaphore, #tpu.memory_space<semaphore_mem>>
    %dma_wait3A_184 = tpu.memref_squeeze %dma_wait3A_183 : memref<1x!tpu.dma_semaphore, #tpu.memory_space<semaphore_mem>> -> memref<!tpu.dma_semaphore, #tpu.memory_space<semaphore_mem>>
    %dma_wait3A_185 = arith.constant 0 : i32
    %dma_wait3A_186 = arith.constant 0 : i32
    %dma_wait3A_187 = tpu.memref_slice %arg7[%dma_wait3A_174, %dma_wait3A_185, %dma_wait3A_186] : memref<3x120x128xf32, #tpu.memory_space<vmem>> -> memref<1x120x128xf32, #tpu.memory_space<vmem>>
    %dma_wait3A_188 = tpu.memref_squeeze %dma_wait3A_187 : memref<1x120x128xf32, #tpu.memory_space<vmem>> -> memref<120x128xf32, #tpu.memory_space<vmem>>
    %dma_wait3A_189 = arith.constant 0 : i32
    %dma_wait3A_190 = arith.constant 0 : i32
    %dma_wait3A_191 = tpu.memref_slice %arg2[%dma_wait3A_189, %dma_wait3A_190] : memref<10240x128xf32, #tpu.memory_space<hbm>> -> memref<120x128xf32, #tpu.memory_space<hbm>>
    tpu.wait_dma2 semaphore(%dma_wait3A_184 : memref<!tpu.dma_semaphore, #tpu.memory_space<semaphore_mem>>) src(%dma_wait3A_191 : memref<120x128xf32, #tpu.memory_space<hbm>>) dst(%dma_wait3A_188 : memref<120x128xf32, #tpu.memory_space<vmem>>)
    %dma_start3A_192 = arith.constant 1 : i32
    %dma_start3A_193 = arith.constant 0 : i32
    %dma_start3A_194 = arith.constant 1 : i32
    %dma_start3A_195 = arith.constant 1 : i32
    %dma_start3A_196 = arith.constant 1 : i32
    %dma_start3A_197 = arith.constant 0 : i32
    %dma_start3A_198 = arith.constant 0 : i32
    %dma_start3A_199 = tpu.memref_slice %arg7[%dma_start3A_192, %dma_start3A_197, %dma_start3A_198] : memref<3x120x128xf32, #tpu.memory_space<vmem>> -> memref<1x120x128xf32, #tpu.memory_space<vmem>>
    %dma_start3A_200 = tpu.memref_squeeze %dma_start3A_199 : memref<1x120x128xf32, #tpu.memory_space<vmem>> -> memref<120x128xf32, #tpu.memory_space<vmem>>
    %dma_start3A_201 = arith.constant 0 : i32
    %dma_start3A_202 = tpu.memref_slice %arg6[%dma_start3A_193, %dma_start3A_194, %dma_start3A_195, %dma_start3A_201] : memref<3x2x3x120xi32, #tpu.memory_space<vmem>> -> memref<1x1x1x120xi32, #tpu.memory_space<vmem>>
    %dma_start3A_203 = tpu.memref_squeeze %dma_start3A_202 : memref<1x1x1x120xi32, #tpu.memory_space<vmem>> -> memref<120xi32, #tpu.memory_space<vmem>>
    %dma_start3A_204 = arith.constant 0 : i32
    %dma_start3A_205 = arith.constant 0 : i32
    %dma_start3A_206 = tpu.memref_slice %arg8[%dma_start3A_204, %dma_start3A_205] : memref<10240x128xf32, #tpu.memory_space<vmem_shared>> -> memref<10240x128xf32, #tpu.memory_space<vmem_shared>>
    %dma_start3A_207 = tpu.memref_slice %arg11[%dma_start3A_196] : memref<3x!tpu.dma_semaphore, #tpu.memory_space<semaphore_mem>> -> memref<1x!tpu.dma_semaphore, #tpu.memory_space<semaphore_mem>>
    %dma_start3A_208 = tpu.memref_squeeze %dma_start3A_207 : memref<1x!tpu.dma_semaphore, #tpu.memory_space<semaphore_mem>> -> memref<!tpu.dma_semaphore, #tpu.memory_space<semaphore_mem>>
    tpu.enqueue_indirect_dma source(%dma_start3A_200 : memref<120x128xf32, #tpu.memory_space<vmem>>) target(%dma_start3A_206 : memref<10240x128xf32, #tpu.memory_space<vmem_shared>>) offsets(%dma_start3A_203 : memref<120xi32, #tpu.memory_space<vmem>>) semaphore(%dma_start3A_208 : memref<!tpu.dma_semaphore, #tpu.memory_space<semaphore_mem>>) {add = true}
    %dma_wait3A_209 = arith.constant 1 : i32
    %dma_wait3A_210 = arith.constant 1 : i32
    %dma_wait3A_211 = arith.constant 0 : i32
    %dma_wait3A_212 = arith.constant 0 : i32
    %dma_wait3A_213 = tpu.memref_slice %arg7[%dma_wait3A_209, %dma_wait3A_211, %dma_wait3A_212] : memref<3x120x128xf32, #tpu.memory_space<vmem>> -> memref<1x120x128xf32, #tpu.memory_space<vmem>>
    %dma_wait3A_214 = tpu.memref_squeeze %dma_wait3A_213 : memref<1x120x128xf32, #tpu.memory_space<vmem>> -> memref<120x128xf32, #tpu.memory_space<vmem>>
    %dma_wait3A_215 = arith.constant 0 : i32
    %dma_wait3A_216 = arith.constant 0 : i32
    %dma_wait3A_217 = tpu.memref_slice %arg2[%dma_wait3A_215, %dma_wait3A_216] : memref<10240x128xf32, #tpu.memory_space<hbm>> -> memref<120x128xf32, #tpu.memory_space<hbm>>
    %dma_wait3A_218 = tpu.memref_slice %arg11[%dma_wait3A_210] : memref<3x!tpu.dma_semaphore, #tpu.memory_space<semaphore_mem>> -> memref<1x!tpu.dma_semaphore, #tpu.memory_space<semaphore_mem>>
    %dma_wait3A_219 = tpu.memref_squeeze %dma_wait3A_218 : memref<1x!tpu.dma_semaphore, #tpu.memory_space<semaphore_mem>> -> memref<!tpu.dma_semaphore, #tpu.memory_space<semaphore_mem>>
    %dma_wait3A_220 = arith.constant 0 : i32
    %dma_wait3A_221 = arith.constant 0 : i32
    %dma_wait3A_222 = tpu.memref_slice %arg7[%dma_wait3A_209, %dma_wait3A_220, %dma_wait3A_221] : memref<3x120x128xf32, #tpu.memory_space<vmem>> -> memref<1x120x128xf32, #tpu.memory_space<vmem>>
    %dma_wait3A_223 = tpu.memref_squeeze %dma_wait3A_222 : memref<1x120x128xf32, #tpu.memory_space<vmem>> -> memref<120x128xf32, #tpu.memory_space<vmem>>
    %dma_wait3A_224 = arith.constant 0 : i32
    %dma_wait3A_225 = arith.constant 0 : i32
    %dma_wait3A_226 = tpu.memref_slice %arg2[%dma_wait3A_224, %dma_wait3A_225] : memref<10240x128xf32, #tpu.memory_space<hbm>> -> memref<120x128xf32, #tpu.memory_space<hbm>>
    tpu.wait_dma2 semaphore(%dma_wait3A_219 : memref<!tpu.dma_semaphore, #tpu.memory_space<semaphore_mem>>) src(%dma_wait3A_226 : memref<120x128xf32, #tpu.memory_space<hbm>>) dst(%dma_wait3A_223 : memref<120x128xf32, #tpu.memory_space<vmem>>)
    %dma_start3A_227 = arith.constant 1 : i32
    %dma_start3A_228 = arith.constant 0 : i32
    %dma_start3A_229 = arith.constant 1 : i32
    %dma_start3A_230 = arith.constant 1 : i32
    %dma_start3A_231 = arith.constant 1 : i32
    %dma_start3A_232 = arith.constant 0 : i32
    %dma_start3A_233 = arith.constant 0 : i32
    %dma_start3A_234 = tpu.memref_slice %arg7[%dma_start3A_230, %dma_start3A_232, %dma_start3A_233] : memref<3x120x128xf32, #tpu.memory_space<vmem>> -> memref<1x120x128xf32, #tpu.memory_space<vmem>>
    %dma_start3A_235 = tpu.memref_squeeze %dma_start3A_234 : memref<1x120x128xf32, #tpu.memory_space<vmem>> -> memref<120x128xf32, #tpu.memory_space<vmem>>
    %dma_start3A_236 = arith.constant 0 : i32
    %dma_start3A_237 = tpu.memref_slice %arg6[%dma_start3A_227, %dma_start3A_228, %dma_start3A_229, %dma_start3A_236] : memref<3x2x3x120xi32, #tpu.memory_space<vmem>> -> memref<1x1x1x120xi32, #tpu.memory_space<vmem>>
    %dma_start3A_238 = tpu.memref_squeeze %dma_start3A_237 : memref<1x1x1x120xi32, #tpu.memory_space<vmem>> -> memref<120xi32, #tpu.memory_space<vmem>>
    %dma_start3A_239 = arith.constant 0 : i32
    %dma_start3A_240 = arith.constant 0 : i32
    %dma_start3A_241 = tpu.memref_slice %arg2[%dma_start3A_239, %dma_start3A_240] : memref<10240x128xf32, #tpu.memory_space<hbm>> -> memref<10240x128xf32, #tpu.memory_space<hbm>>
    %dma_start3A_242 = tpu.memref_slice %arg10[%dma_start3A_231] : memref<3x!tpu.dma_semaphore, #tpu.memory_space<semaphore_mem>> -> memref<1x!tpu.dma_semaphore, #tpu.memory_space<semaphore_mem>>
    %dma_start3A_243 = tpu.memref_squeeze %dma_start3A_242 : memref<1x!tpu.dma_semaphore, #tpu.memory_space<semaphore_mem>> -> memref<!tpu.dma_semaphore, #tpu.memory_space<semaphore_mem>>
    tpu.enqueue_indirect_dma source(%dma_start3A_241 : memref<10240x128xf32, #tpu.memory_space<hbm>>) target(%dma_start3A_235 : memref<120x128xf32, #tpu.memory_space<vmem>>) offsets(%dma_start3A_238 : memref<120xi32, #tpu.memory_space<vmem>>) semaphore(%dma_start3A_243 : memref<!tpu.dma_semaphore, #tpu.memory_space<semaphore_mem>>)
    %dma_wait3A_244 = arith.constant 2 : i32
    %dma_wait3A_245 = arith.constant 2 : i32
    %dma_wait3A_246 = arith.constant 0 : i32
    %dma_wait3A_247 = arith.constant 0 : i32
    %dma_wait3A_248 = tpu.memref_slice %arg7[%dma_wait3A_244, %dma_wait3A_246, %dma_wait3A_247] : memref<3x120x128xf32, #tpu.memory_space<vmem>> -> memref<1x120x128xf32, #tpu.memory_space<vmem>>
    %dma_wait3A_249 = tpu.memref_squeeze %dma_wait3A_248 : memref<1x120x128xf32, #tpu.memory_space<vmem>> -> memref<120x128xf32, #tpu.memory_space<vmem>>
    %dma_wait3A_250 = arith.constant 0 : i32
    %dma_wait3A_251 = arith.constant 0 : i32
    %dma_wait3A_252 = tpu.memref_slice %arg2[%dma_wait3A_250, %dma_wait3A_251] : memref<10240x128xf32, #tpu.memory_space<hbm>> -> memref<120x128xf32, #tpu.memory_space<hbm>>
    %dma_wait3A_253 = tpu.memref_slice %arg10[%dma_wait3A_245] : memref<3x!tpu.dma_semaphore, #tpu.memory_space<semaphore_mem>> -> memref<1x!tpu.dma_semaphore, #tpu.memory_space<semaphore_mem>>
    %dma_wait3A_254 = tpu.memref_squeeze %dma_wait3A_253 : memref<1x!tpu.dma_semaphore, #tpu.memory_space<semaphore_mem>> -> memref<!tpu.dma_semaphore, #tpu.memory_space<semaphore_mem>>
    %dma_wait3A_255 = arith.constant 0 : i32
    %dma_wait3A_256 = arith.constant 0 : i32
    %dma_wait3A_257 = tpu.memref_slice %arg7[%dma_wait3A_244, %dma_wait3A_255, %dma_wait3A_256] : memref<3x120x128xf32, #tpu.memory_space<vmem>> -> memref<1x120x128xf32, #tpu.memory_space<vmem>>
    %dma_wait3A_258 = tpu.memref_squeeze %dma_wait3A_257 : memref<1x120x128xf32, #tpu.memory_space<vmem>> -> memref<120x128xf32, #tpu.memory_space<vmem>>
    %dma_wait3A_259 = arith.constant 0 : i32
    %dma_wait3A_260 = arith.constant 0 : i32
    %dma_wait3A_261 = tpu.memref_slice %arg2[%dma_wait3A_259, %dma_wait3A_260] : memref<10240x128xf32, #tpu.memory_space<hbm>> -> memref<120x128xf32, #tpu.memory_space<hbm>>
    tpu.wait_dma2 semaphore(%dma_wait3A_254 : memref<!tpu.dma_semaphore, #tpu.memory_space<semaphore_mem>>) src(%dma_wait3A_261 : memref<120x128xf32, #tpu.memory_space<hbm>>) dst(%dma_wait3A_258 : memref<120x128xf32, #tpu.memory_space<vmem>>)
    %dma_start3A_262 = arith.constant 2 : i32
    %dma_start3A_263 = arith.constant 0 : i32
    %dma_start3A_264 = arith.constant 1 : i32
    %dma_start3A_265 = arith.constant 2 : i32
    %dma_start3A_266 = arith.constant 2 : i32
    %dma_start3A_267 = arith.constant 0 : i32
    %dma_start3A_268 = arith.constant 0 : i32
    %dma_start3A_269 = tpu.memref_slice %arg7[%dma_start3A_262, %dma_start3A_267, %dma_start3A_268] : memref<3x120x128xf32, #tpu.memory_space<vmem>> -> memref<1x120x128xf32, #tpu.memory_space<vmem>>
    %dma_start3A_270 = tpu.memref_squeeze %dma_start3A_269 : memref<1x120x128xf32, #tpu.memory_space<vmem>> -> memref<120x128xf32, #tpu.memory_space<vmem>>
    %dma_start3A_271 = arith.constant 0 : i32
    %dma_start3A_272 = tpu.memref_slice %arg6[%dma_start3A_263, %dma_start3A_264, %dma_start3A_265, %dma_start3A_271] : memref<3x2x3x120xi32, #tpu.memory_space<vmem>> -> memref<1x1x1x120xi32, #tpu.memory_space<vmem>>
    %dma_start3A_273 = tpu.memref_squeeze %dma_start3A_272 : memref<1x1x1x120xi32, #tpu.memory_space<vmem>> -> memref<120xi32, #tpu.memory_space<vmem>>
    %dma_start3A_274 = arith.constant 0 : i32
    %dma_start3A_275 = arith.constant 0 : i32
    %dma_start3A_276 = tpu.memref_slice %arg8[%dma_start3A_274, %dma_start3A_275] : memref<10240x128xf32, #tpu.memory_space<vmem_shared>> -> memref<10240x128xf32, #tpu.memory_space<vmem_shared>>
    %dma_start3A_277 = tpu.memref_slice %arg11[%dma_start3A_266] : memref<3x!tpu.dma_semaphore, #tpu.memory_space<semaphore_mem>> -> memref<1x!tpu.dma_semaphore, #tpu.memory_space<semaphore_mem>>
    %dma_start3A_278 = tpu.memref_squeeze %dma_start3A_277 : memref<1x!tpu.dma_semaphore, #tpu.memory_space<semaphore_mem>> -> memref<!tpu.dma_semaphore, #tpu.memory_space<semaphore_mem>>
    tpu.enqueue_indirect_dma source(%dma_start3A_270 : memref<120x128xf32, #tpu.memory_space<vmem>>) target(%dma_start3A_276 : memref<10240x128xf32, #tpu.memory_space<vmem_shared>>) offsets(%dma_start3A_273 : memref<120xi32, #tpu.memory_space<vmem>>) semaphore(%dma_start3A_278 : memref<!tpu.dma_semaphore, #tpu.memory_space<semaphore_mem>>) {add = true}
    %scan3A = arith.constant 0 : i32
    %scan3A_279 = arith.constant 18 : i32
    %scan3A_280 = arith.addi %scan3A, %scan3A_279 : i32
    %scan3A_281 = arith.constant 1 : i32
    scf.for %scan3A_482 = %scan3A to %scan3A_280 step %scan3A_281  : i32 {
      %mul3A_483 = arith.constant 1 : i32
      %mul3A_484 = arith.muli %scan3A_482, %mul3A_483 : i32
      %add3A_485 = arith.constant 0 : i32
      %add3A_486 = arith.addi %add3A_485, %mul3A_484 : i32
      %mul3A_487 = arith.constant 3 : i32
      %mul3A_488 = arith.muli %mul3A_487, %add3A_486 : i32
      %add3A_489 = arith.constant 1 : i32
      %add3A_490 = arith.addi %add3A_489, %mul3A_488 : i32
      %add3A_491 = arith.constant 1 : i32
      %add3A_492 = arith.addi %add3A_490, %add3A_491 : i32
      %dma_start3A_493 = arith.constant 2 : i32
      %dma_start3A_494 = arith.constant 2 : i32
      %dma_start3A_495 = arith.constant 0 : i32
      %dma_start3A_496 = arith.constant 0 : i32
      %dma_start3A_497 = arith.constant 0 : i32
      %dma_start3A_498 = tpu.memref_slice %arg6[%dma_start3A_493, %dma_start3A_495, %dma_start3A_496, %dma_start3A_497] : memref<3x2x3x120xi32, #tpu.memory_space<vmem>> -> memref<1x2x3x120xi32, #tpu.memory_space<vmem>>
      %dma_start3A_499 = tpu.memref_squeeze %dma_start3A_498 : memref<1x2x3x120xi32, #tpu.memory_space<vmem>> -> memref<2x3x120xi32, #tpu.memory_space<vmem>>
      %dma_start3A_500 = arith.constant 0 : i32
      %dma_start3A_501 = arith.constant 0 : i32
      %dma_start3A_502 = arith.constant 0 : i32
      %dma_start3A_503 = tpu.memref_slice %arg3[%add3A, %add3A_492, %dma_start3A_500, %dma_start3A_501, %dma_start3A_502] : memref<32x56x2x3x120xi32, #tpu.memory_space<hbm>> -> memref<1x1x2x3x120xi32, #tpu.memory_space<hbm>>
      %dma_start3A_504 = tpu.memref_squeeze %dma_start3A_503 : memref<1x1x2x3x120xi32, #tpu.memory_space<hbm>> -> memref<2x3x120xi32, #tpu.memory_space<hbm>>
      %dma_start3A_505 = tpu.memref_slice %arg9[%dma_start3A_494] : memref<3x!tpu.dma_semaphore, #tpu.memory_space<semaphore_mem>> -> memref<1x!tpu.dma_semaphore, #tpu.memory_space<semaphore_mem>>
      %dma_start3A_506 = tpu.memref_squeeze %dma_start3A_505 : memref<1x!tpu.dma_semaphore, #tpu.memory_space<semaphore_mem>> -> memref<!tpu.dma_semaphore, #tpu.memory_space<semaphore_mem>>
      %dma_start3A_507 = arith.constant 0 : i32
      %dma_start3A_508 = arith.constant 0 : i32
      %dma_start3A_509 = arith.constant 0 : i32
      %dma_start3A_510 = tpu.memref_slice %arg6[%dma_start3A_493, %dma_start3A_507, %dma_start3A_508, %dma_start3A_509] : memref<3x2x3x120xi32, #tpu.memory_space<vmem>> -> memref<1x2x3x120xi32, #tpu.memory_space<vmem>>
      %dma_start3A_511 = tpu.memref_squeeze %dma_start3A_510 : memref<1x2x3x120xi32, #tpu.memory_space<vmem>> -> memref<2x3x120xi32, #tpu.memory_space<vmem>>
      %dma_start3A_512 = arith.constant 0 : i32
      %dma_start3A_513 = arith.constant 0 : i32
      %dma_start3A_514 = arith.constant 0 : i32
      %dma_start3A_515 = tpu.memref_slice %arg3[%add3A, %add3A_492, %dma_start3A_512, %dma_start3A_513, %dma_start3A_514] : memref<32x56x2x3x120xi32, #tpu.memory_space<hbm>> -> memref<1x1x2x3x120xi32, #tpu.memory_space<hbm>>
      %dma_start3A_516 = tpu.memref_squeeze %dma_start3A_515 : memref<1x1x2x3x120xi32, #tpu.memory_space<hbm>> -> memref<2x3x120xi32, #tpu.memory_space<hbm>>
      tpu.enqueue_dma source(%dma_start3A_516 : memref<2x3x120xi32, #tpu.memory_space<hbm>>) target(%dma_start3A_511 : memref<2x3x120xi32, #tpu.memory_space<vmem>>) target_semaphore(%dma_start3A_506 : memref<!tpu.dma_semaphore, #tpu.memory_space<semaphore_mem>>)
      %dma_wait3A_517 = arith.constant 2 : i32
      %dma_wait3A_518 = arith.constant 2 : i32
      %dma_wait3A_519 = arith.constant 0 : i32
      %dma_wait3A_520 = arith.constant 0 : i32
      %dma_wait3A_521 = tpu.memref_slice %arg7[%dma_wait3A_517, %dma_wait3A_519, %dma_wait3A_520] : memref<3x120x128xf32, #tpu.memory_space<vmem>> -> memref<1x120x128xf32, #tpu.memory_space<vmem>>
      %dma_wait3A_522 = tpu.memref_squeeze %dma_wait3A_521 : memref<1x120x128xf32, #tpu.memory_space<vmem>> -> memref<120x128xf32, #tpu.memory_space<vmem>>
      %dma_wait3A_523 = arith.constant 0 : i32
      %dma_wait3A_524 = arith.constant 0 : i32
      %dma_wait3A_525 = tpu.memref_slice %arg2[%dma_wait3A_523, %dma_wait3A_524] : memref<10240x128xf32, #tpu.memory_space<hbm>> -> memref<120x128xf32, #tpu.memory_space<hbm>>
      %dma_wait3A_526 = tpu.memref_slice %arg11[%dma_wait3A_518] : memref<3x!tpu.dma_semaphore, #tpu.memory_space<semaphore_mem>> -> memref<1x!tpu.dma_semaphore, #tpu.memory_space<semaphore_mem>>
      %dma_wait3A_527 = tpu.memref_squeeze %dma_wait3A_526 : memref<1x!tpu.dma_semaphore, #tpu.memory_space<semaphore_mem>> -> memref<!tpu.dma_semaphore, #tpu.memory_space<semaphore_mem>>
      %dma_wait3A_528 = arith.constant 0 : i32
      %dma_wait3A_529 = arith.constant 0 : i32
      %dma_wait3A_530 = tpu.memref_slice %arg7[%dma_wait3A_517, %dma_wait3A_528, %dma_wait3A_529] : memref<3x120x128xf32, #tpu.memory_space<vmem>> -> memref<1x120x128xf32, #tpu.memory_space<vmem>>
      %dma_wait3A_531 = tpu.memref_squeeze %dma_wait3A_530 : memref<1x120x128xf32, #tpu.memory_space<vmem>> -> memref<120x128xf32, #tpu.memory_space<vmem>>
      %dma_wait3A_532 = arith.constant 0 : i32
      %dma_wait3A_533 = arith.constant 0 : i32
      %dma_wait3A_534 = tpu.memref_slice %arg2[%dma_wait3A_532, %dma_wait3A_533] : memref<10240x128xf32, #tpu.memory_space<hbm>> -> memref<120x128xf32, #tpu.memory_space<hbm>>
      tpu.wait_dma2 semaphore(%dma_wait3A_527 : memref<!tpu.dma_semaphore, #tpu.memory_space<semaphore_mem>>) src(%dma_wait3A_534 : memref<120x128xf32, #tpu.memory_space<hbm>>) dst(%dma_wait3A_531 : memref<120x128xf32, #tpu.memory_space<vmem>>)
      %dma_start3A_535 = arith.constant 1 : i32
      %dma_start3A_536 = arith.constant 0 : i32
      %dma_start3A_537 = arith.constant 2 : i32
      %dma_start3A_538 = arith.constant 2 : i32
      %dma_start3A_539 = arith.constant 2 : i32
      %dma_start3A_540 = arith.constant 0 : i32
      %dma_start3A_541 = arith.constant 0 : i32
      %dma_start3A_542 = tpu.memref_slice %arg7[%dma_start3A_538, %dma_start3A_540, %dma_start3A_541] : memref<3x120x128xf32, #tpu.memory_space<vmem>> -> memref<1x120x128xf32, #tpu.memory_space<vmem>>
      %dma_start3A_543 = tpu.memref_squeeze %dma_start3A_542 : memref<1x120x128xf32, #tpu.memory_space<vmem>> -> memref<120x128xf32, #tpu.memory_space<vmem>>
      %dma_start3A_544 = arith.constant 0 : i32
      %dma_start3A_545 = tpu.memref_slice %arg6[%dma_start3A_535, %dma_start3A_536, %dma_start3A_537, %dma_start3A_544] : memref<3x2x3x120xi32, #tpu.memory_space<vmem>> -> memref<1x1x1x120xi32, #tpu.memory_space<vmem>>
      %dma_start3A_546 = tpu.memref_squeeze %dma_start3A_545 : memref<1x1x1x120xi32, #tpu.memory_space<vmem>> -> memref<120xi32, #tpu.memory_space<vmem>>
      %dma_start3A_547 = arith.constant 0 : i32
      %dma_start3A_548 = arith.constant 0 : i32
      %dma_start3A_549 = tpu.memref_slice %arg2[%dma_start3A_547, %dma_start3A_548] : memref<10240x128xf32, #tpu.memory_space<hbm>> -> memref<10240x128xf32, #tpu.memory_space<hbm>>
      %dma_start3A_550 = tpu.memref_slice %arg10[%dma_start3A_539] : memref<3x!tpu.dma_semaphore, #tpu.memory_space<semaphore_mem>> -> memref<1x!tpu.dma_semaphore, #tpu.memory_space<semaphore_mem>>
      %dma_start3A_551 = tpu.memref_squeeze %dma_start3A_550 : memref<1x!tpu.dma_semaphore, #tpu.memory_space<semaphore_mem>> -> memref<!tpu.dma_semaphore, #tpu.memory_space<semaphore_mem>>
      tpu.enqueue_indirect_dma source(%dma_start3A_549 : memref<10240x128xf32, #tpu.memory_space<hbm>>) target(%dma_start3A_543 : memref<120x128xf32, #tpu.memory_space<vmem>>) offsets(%dma_start3A_546 : memref<120xi32, #tpu.memory_space<vmem>>) semaphore(%dma_start3A_551 : memref<!tpu.dma_semaphore, #tpu.memory_space<semaphore_mem>>)
      %dma_wait3A_552 = arith.constant 0 : i32
      %dma_wait3A_553 = arith.constant 0 : i32
      %dma_wait3A_554 = arith.constant 0 : i32
      %dma_wait3A_555 = arith.constant 0 : i32
      %dma_wait3A_556 = tpu.memref_slice %arg7[%dma_wait3A_552, %dma_wait3A_554, %dma_wait3A_555] : memref<3x120x128xf32, #tpu.memory_space<vmem>> -> memref<1x120x128xf32, #tpu.memory_space<vmem>>
      %dma_wait3A_557 = tpu.memref_squeeze %dma_wait3A_556 : memref<1x120x128xf32, #tpu.memory_space<vmem>> -> memref<120x128xf32, #tpu.memory_space<vmem>>
      %dma_wait3A_558 = arith.constant 0 : i32
      %dma_wait3A_559 = arith.constant 0 : i32
      %dma_wait3A_560 = tpu.memref_slice %arg2[%dma_wait3A_558, %dma_wait3A_559] : memref<10240x128xf32, #tpu.memory_space<hbm>> -> memref<120x128xf32, #tpu.memory_space<hbm>>
      %dma_wait3A_561 = tpu.memref_slice %arg10[%dma_wait3A_553] : memref<3x!tpu.dma_semaphore, #tpu.memory_space<semaphore_mem>> -> memref<1x!tpu.dma_semaphore, #tpu.memory_space<semaphore_mem>>
      %dma_wait3A_562 = tpu.memref_squeeze %dma_wait3A_561 : memref<1x!tpu.dma_semaphore, #tpu.memory_space<semaphore_mem>> -> memref<!tpu.dma_semaphore, #tpu.memory_space<semaphore_mem>>
      %dma_wait3A_563 = arith.constant 0 : i32
      %dma_wait3A_564 = arith.constant 0 : i32
      %dma_wait3A_565 = tpu.memref_slice %arg7[%dma_wait3A_552, %dma_wait3A_563, %dma_wait3A_564] : memref<3x120x128xf32, #tpu.memory_space<vmem>> -> memref<1x120x128xf32, #tpu.memory_space<vmem>>
      %dma_wait3A_566 = tpu.memref_squeeze %dma_wait3A_565 : memref<1x120x128xf32, #tpu.memory_space<vmem>> -> memref<120x128xf32, #tpu.memory_space<vmem>>
      %dma_wait3A_567 = arith.constant 0 : i32
      %dma_wait3A_568 = arith.constant 0 : i32
      %dma_wait3A_569 = tpu.memref_slice %arg2[%dma_wait3A_567, %dma_wait3A_568] : memref<10240x128xf32, #tpu.memory_space<hbm>> -> memref<120x128xf32, #tpu.memory_space<hbm>>
      tpu.wait_dma2 semaphore(%dma_wait3A_562 : memref<!tpu.dma_semaphore, #tpu.memory_space<semaphore_mem>>) src(%dma_wait3A_569 : memref<120x128xf32, #tpu.memory_space<hbm>>) dst(%dma_wait3A_566 : memref<120x128xf32, #tpu.memory_space<vmem>>)
      %dma_start3A_570 = arith.constant 0 : i32
      %dma_start3A_571 = arith.constant 1 : i32
      %dma_start3A_572 = arith.constant 1 : i32
      %dma_start3A_573 = arith.constant 0 : i32
      %dma_start3A_574 = arith.constant 0 : i32
      %dma_start3A_575 = arith.constant 0 : i32
      %dma_start3A_576 = arith.constant 0 : i32
      %dma_start3A_577 = tpu.memref_slice %arg7[%dma_start3A_570, %dma_start3A_575, %dma_start3A_576] : memref<3x120x128xf32, #tpu.memory_space<vmem>> -> memref<1x120x128xf32, #tpu.memory_space<vmem>>
      %dma_start3A_578 = tpu.memref_squeeze %dma_start3A_577 : memref<1x120x128xf32, #tpu.memory_space<vmem>> -> memref<120x128xf32, #tpu.memory_space<vmem>>
      %dma_start3A_579 = arith.constant 0 : i32
      %dma_start3A_580 = tpu.memref_slice %arg6[%dma_start3A_571, %dma_start3A_572, %dma_start3A_573, %dma_start3A_579] : memref<3x2x3x120xi32, #tpu.memory_space<vmem>> -> memref<1x1x1x120xi32, #tpu.memory_space<vmem>>
      %dma_start3A_581 = tpu.memref_squeeze %dma_start3A_580 : memref<1x1x1x120xi32, #tpu.memory_space<vmem>> -> memref<120xi32, #tpu.memory_space<vmem>>
      %dma_start3A_582 = arith.constant 0 : i32
      %dma_start3A_583 = arith.constant 0 : i32
      %dma_start3A_584 = tpu.memref_slice %arg8[%dma_start3A_582, %dma_start3A_583] : memref<10240x128xf32, #tpu.memory_space<vmem_shared>> -> memref<10240x128xf32, #tpu.memory_space<vmem_shared>>
      %dma_start3A_585 = tpu.memref_slice %arg11[%dma_start3A_574] : memref<3x!tpu.dma_semaphore, #tpu.memory_space<semaphore_mem>> -> memref<1x!tpu.dma_semaphore, #tpu.memory_space<semaphore_mem>>
      %dma_start3A_586 = tpu.memref_squeeze %dma_start3A_585 : memref<1x!tpu.dma_semaphore, #tpu.memory_space<semaphore_mem>> -> memref<!tpu.dma_semaphore, #tpu.memory_space<semaphore_mem>>
      tpu.enqueue_indirect_dma source(%dma_start3A_578 : memref<120x128xf32, #tpu.memory_space<vmem>>) target(%dma_start3A_584 : memref<10240x128xf32, #tpu.memory_space<vmem_shared>>) offsets(%dma_start3A_581 : memref<120xi32, #tpu.memory_space<vmem>>) semaphore(%dma_start3A_586 : memref<!tpu.dma_semaphore, #tpu.memory_space<semaphore_mem>>) {add = true}
      %dma_wait3A_587 = arith.constant 0 : i32
      %dma_wait3A_588 = arith.constant 0 : i32
      %dma_wait3A_589 = arith.constant 2 : i32
      %dma_wait3A_590 = arith.constant 2 : i32
      %dma_wait3A_591 = arith.constant 0 : i32
      %dma_wait3A_592 = arith.constant 0 : i32
      %dma_wait3A_593 = arith.constant 0 : i32
      %dma_wait3A_594 = tpu.memref_slice %arg6[%dma_wait3A_589, %dma_wait3A_591, %dma_wait3A_592, %dma_wait3A_593] : memref<3x2x3x120xi32, #tpu.memory_space<vmem>> -> memref<1x2x3x120xi32, #tpu.memory_space<vmem>>
      %dma_wait3A_595 = tpu.memref_squeeze %dma_wait3A_594 : memref<1x2x3x120xi32, #tpu.memory_space<vmem>> -> memref<2x3x120xi32, #tpu.memory_space<vmem>>
      %dma_wait3A_596 = arith.constant 0 : i32
      %dma_wait3A_597 = arith.constant 0 : i32
      %dma_wait3A_598 = arith.constant 0 : i32
      %dma_wait3A_599 = tpu.memref_slice %arg3[%dma_wait3A_587, %dma_wait3A_588, %dma_wait3A_596, %dma_wait3A_597, %dma_wait3A_598] : memref<32x56x2x3x120xi32, #tpu.memory_space<hbm>> -> memref<1x1x2x3x120xi32, #tpu.memory_space<hbm>>
      %dma_wait3A_600 = tpu.memref_squeeze %dma_wait3A_599 : memref<1x1x2x3x120xi32, #tpu.memory_space<hbm>> -> memref<2x3x120xi32, #tpu.memory_space<hbm>>
      %dma_wait3A_601 = tpu.memref_slice %arg9[%dma_wait3A_590] : memref<3x!tpu.dma_semaphore, #tpu.memory_space<semaphore_mem>> -> memref<1x!tpu.dma_semaphore, #tpu.memory_space<semaphore_mem>>
      %dma_wait3A_602 = tpu.memref_squeeze %dma_wait3A_601 : memref<1x!tpu.dma_semaphore, #tpu.memory_space<semaphore_mem>> -> memref<!tpu.dma_semaphore, #tpu.memory_space<semaphore_mem>>
      %dma_wait3A_603 = arith.constant 0 : i32
      %dma_wait3A_604 = arith.constant 0 : i32
      %dma_wait3A_605 = arith.constant 0 : i32
      %dma_wait3A_606 = tpu.memref_slice %arg6[%dma_wait3A_589, %dma_wait3A_603, %dma_wait3A_604, %dma_wait3A_605] : memref<3x2x3x120xi32, #tpu.memory_space<vmem>> -> memref<1x2x3x120xi32, #tpu.memory_space<vmem>>
      %dma_wait3A_607 = tpu.memref_squeeze %dma_wait3A_606 : memref<1x2x3x120xi32, #tpu.memory_space<vmem>> -> memref<2x3x120xi32, #tpu.memory_space<vmem>>
      %dma_wait3A_608 = arith.constant 0 : i32
      %dma_wait3A_609 = arith.constant 0 : i32
      %dma_wait3A_610 = arith.constant 0 : i32
      %dma_wait3A_611 = tpu.memref_slice %arg3[%dma_wait3A_587, %dma_wait3A_588, %dma_wait3A_608, %dma_wait3A_609, %dma_wait3A_610] : memref<32x56x2x3x120xi32, #tpu.memory_space<hbm>> -> memref<1x1x2x3x120xi32, #tpu.memory_space<hbm>>
      %dma_wait3A_612 = tpu.memref_squeeze %dma_wait3A_611 : memref<1x1x2x3x120xi32, #tpu.memory_space<hbm>> -> memref<2x3x120xi32, #tpu.memory_space<hbm>>
      tpu.wait_dma2 semaphore(%dma_wait3A_602 : memref<!tpu.dma_semaphore, #tpu.memory_space<semaphore_mem>>) src(%dma_wait3A_612 : memref<2x3x120xi32, #tpu.memory_space<hbm>>) dst(%dma_wait3A_607 : memref<2x3x120xi32, #tpu.memory_space<vmem>>)
      %dma_wait3A_613 = arith.constant 0 : i32
      %dma_wait3A_614 = arith.constant 0 : i32
      %dma_wait3A_615 = arith.constant 0 : i32
      %dma_wait3A_616 = arith.constant 0 : i32
      %dma_wait3A_617 = tpu.memref_slice %arg7[%dma_wait3A_613, %dma_wait3A_615, %dma_wait3A_616] : memref<3x120x128xf32, #tpu.memory_space<vmem>> -> memref<1x120x128xf32, #tpu.memory_space<vmem>>
      %dma_wait3A_618 = tpu.memref_squeeze %dma_wait3A_617 : memref<1x120x128xf32, #tpu.memory_space<vmem>> -> memref<120x128xf32, #tpu.memory_space<vmem>>
      %dma_wait3A_619 = arith.constant 0 : i32
      %dma_wait3A_620 = arith.constant 0 : i32
      %dma_wait3A_621 = tpu.memref_slice %arg2[%dma_wait3A_619, %dma_wait3A_620] : memref<10240x128xf32, #tpu.memory_space<hbm>> -> memref<120x128xf32, #tpu.memory_space<hbm>>
      %dma_wait3A_622 = tpu.memref_slice %arg11[%dma_wait3A_614] : memref<3x!tpu.dma_semaphore, #tpu.memory_space<semaphore_mem>> -> memref<1x!tpu.dma_semaphore, #tpu.memory_space<semaphore_mem>>
      %dma_wait3A_623 = tpu.memref_squeeze %dma_wait3A_622 : memref<1x!tpu.dma_semaphore, #tpu.memory_space<semaphore_mem>> -> memref<!tpu.dma_semaphore, #tpu.memory_space<semaphore_mem>>
      %dma_wait3A_624 = arith.constant 0 : i32
      %dma_wait3A_625 = arith.constant 0 : i32
      %dma_wait3A_626 = tpu.memref_slice %arg7[%dma_wait3A_613, %dma_wait3A_624, %dma_wait3A_625] : memref<3x120x128xf32, #tpu.memory_space<vmem>> -> memref<1x120x128xf32, #tpu.memory_space<vmem>>
      %dma_wait3A_627 = tpu.memref_squeeze %dma_wait3A_626 : memref<1x120x128xf32, #tpu.memory_space<vmem>> -> memref<120x128xf32, #tpu.memory_space<vmem>>
      %dma_wait3A_628 = arith.constant 0 : i32
      %dma_wait3A_629 = arith.constant 0 : i32
      %dma_wait3A_630 = tpu.memref_slice %arg2[%dma_wait3A_628, %dma_wait3A_629] : memref<10240x128xf32, #tpu.memory_space<hbm>> -> memref<120x128xf32, #tpu.memory_space<hbm>>
      tpu.wait_dma2 semaphore(%dma_wait3A_623 : memref<!tpu.dma_semaphore, #tpu.memory_space<semaphore_mem>>) src(%dma_wait3A_630 : memref<120x128xf32, #tpu.memory_space<hbm>>) dst(%dma_wait3A_627 : memref<120x128xf32, #tpu.memory_space<vmem>>)
      %dma_start3A_631 = arith.constant 2 : i32
      %dma_start3A_632 = arith.constant 0 : i32
      %dma_start3A_633 = arith.constant 0 : i32
      %dma_start3A_634 = arith.constant 0 : i32
      %dma_start3A_635 = arith.constant 0 : i32
      %dma_start3A_636 = arith.constant 0 : i32
      %dma_start3A_637 = arith.constant 0 : i32
      %dma_start3A_638 = tpu.memref_slice %arg7[%dma_start3A_634, %dma_start3A_636, %dma_start3A_637] : memref<3x120x128xf32, #tpu.memory_space<vmem>> -> memref<1x120x128xf32, #tpu.memory_space<vmem>>
      %dma_start3A_639 = tpu.memref_squeeze %dma_start3A_638 : memref<1x120x128xf32, #tpu.memory_space<vmem>> -> memref<120x128xf32, #tpu.memory_space<vmem>>
      %dma_start3A_640 = arith.constant 0 : i32
      %dma_start3A_641 = tpu.memref_slice %arg6[%dma_start3A_631, %dma_start3A_632, %dma_start3A_633, %dma_start3A_640] : memref<3x2x3x120xi32, #tpu.memory_space<vmem>> -> memref<1x1x1x120xi32, #tpu.memory_space<vmem>>
      %dma_start3A_642 = tpu.memref_squeeze %dma_start3A_641 : memref<1x1x1x120xi32, #tpu.memory_space<vmem>> -> memref<120xi32, #tpu.memory_space<vmem>>
      %dma_start3A_643 = arith.constant 0 : i32
      %dma_start3A_644 = arith.constant 0 : i32
      %dma_start3A_645 = tpu.memref_slice %arg2[%dma_start3A_643, %dma_start3A_644] : memref<10240x128xf32, #tpu.memory_space<hbm>> -> memref<10240x128xf32, #tpu.memory_space<hbm>>
      %dma_start3A_646 = tpu.memref_slice %arg10[%dma_start3A_635] : memref<3x!tpu.dma_semaphore, #tpu.memory_space<semaphore_mem>> -> memref<1x!tpu.dma_semaphore, #tpu.memory_space<semaphore_mem>>
      %dma_start3A_647 = tpu.memref_squeeze %dma_start3A_646 : memref<1x!tpu.dma_semaphore, #tpu.memory_space<semaphore_mem>> -> memref<!tpu.dma_semaphore, #tpu.memory_space<semaphore_mem>>
      tpu.enqueue_indirect_dma source(%dma_start3A_645 : memref<10240x128xf32, #tpu.memory_space<hbm>>) target(%dma_start3A_639 : memref<120x128xf32, #tpu.memory_space<vmem>>) offsets(%dma_start3A_642 : memref<120xi32, #tpu.memory_space<vmem>>) semaphore(%dma_start3A_647 : memref<!tpu.dma_semaphore, #tpu.memory_space<semaphore_mem>>)
      %dma_wait3A_648 = arith.constant 1 : i32
      %dma_wait3A_649 = arith.constant 1 : i32
      %dma_wait3A_650 = arith.constant 0 : i32
      %dma_wait3A_651 = arith.constant 0 : i32
      %dma_wait3A_652 = tpu.memref_slice %arg7[%dma_wait3A_648, %dma_wait3A_650, %dma_wait3A_651] : memref<3x120x128xf32, #tpu.memory_space<vmem>> -> memref<1x120x128xf32, #tpu.memory_space<vmem>>
      %dma_wait3A_653 = tpu.memref_squeeze %dma_wait3A_652 : memref<1x120x128xf32, #tpu.memory_space<vmem>> -> memref<120x128xf32, #tpu.memory_space<vmem>>
      %dma_wait3A_654 = arith.constant 0 : i32
      %dma_wait3A_655 = arith.constant 0 : i32
      %dma_wait3A_656 = tpu.memref_slice %arg2[%dma_wait3A_654, %dma_wait3A_655] : memref<10240x128xf32, #tpu.memory_space<hbm>> -> memref<120x128xf32, #tpu.memory_space<hbm>>
      %dma_wait3A_657 = tpu.memref_slice %arg10[%dma_wait3A_649] : memref<3x!tpu.dma_semaphore, #tpu.memory_space<semaphore_mem>> -> memref<1x!tpu.dma_semaphore, #tpu.memory_space<semaphore_mem>>
      %dma_wait3A_658 = tpu.memref_squeeze %dma_wait3A_657 : memref<1x!tpu.dma_semaphore, #tpu.memory_space<semaphore_mem>> -> memref<!tpu.dma_semaphore, #tpu.memory_space<semaphore_mem>>
      %dma_wait3A_659 = arith.constant 0 : i32
      %dma_wait3A_660 = arith.constant 0 : i32
      %dma_wait3A_661 = tpu.memref_slice %arg7[%dma_wait3A_648, %dma_wait3A_659, %dma_wait3A_660] : memref<3x120x128xf32, #tpu.memory_space<vmem>> -> memref<1x120x128xf32, #tpu.memory_space<vmem>>
      %dma_wait3A_662 = tpu.memref_squeeze %dma_wait3A_661 : memref<1x120x128xf32, #tpu.memory_space<vmem>> -> memref<120x128xf32, #tpu.memory_space<vmem>>
      %dma_wait3A_663 = arith.constant 0 : i32
      %dma_wait3A_664 = arith.constant 0 : i32
      %dma_wait3A_665 = tpu.memref_slice %arg2[%dma_wait3A_663, %dma_wait3A_664] : memref<10240x128xf32, #tpu.memory_space<hbm>> -> memref<120x128xf32, #tpu.memory_space<hbm>>
      tpu.wait_dma2 semaphore(%dma_wait3A_658 : memref<!tpu.dma_semaphore, #tpu.memory_space<semaphore_mem>>) src(%dma_wait3A_665 : memref<120x128xf32, #tpu.memory_space<hbm>>) dst(%dma_wait3A_662 : memref<120x128xf32, #tpu.memory_space<vmem>>)
      %dma_start3A_666 = arith.constant 1 : i32
      %dma_start3A_667 = arith.constant 1 : i32
      %dma_start3A_668 = arith.constant 1 : i32
      %dma_start3A_669 = arith.constant 1 : i32
      %dma_start3A_670 = arith.constant 1 : i32
      %dma_start3A_671 = arith.constant 0 : i32
      %dma_start3A_672 = arith.constant 0 : i32
      %dma_start3A_673 = tpu.memref_slice %arg7[%dma_start3A_666, %dma_start3A_671, %dma_start3A_672] : memref<3x120x128xf32, #tpu.memory_space<vmem>> -> memref<1x120x128xf32, #tpu.memory_space<vmem>>
      %dma_start3A_674 = tpu.memref_squeeze %dma_start3A_673 : memref<1x120x128xf32, #tpu.memory_space<vmem>> -> memref<120x128xf32, #tpu.memory_space<vmem>>
      %dma_start3A_675 = arith.constant 0 : i32
      %dma_start3A_676 = tpu.memref_slice %arg6[%dma_start3A_667, %dma_start3A_668, %dma_start3A_669, %dma_start3A_675] : memref<3x2x3x120xi32, #tpu.memory_space<vmem>> -> memref<1x1x1x120xi32, #tpu.memory_space<vmem>>
      %dma_start3A_677 = tpu.memref_squeeze %dma_start3A_676 : memref<1x1x1x120xi32, #tpu.memory_space<vmem>> -> memref<120xi32, #tpu.memory_space<vmem>>
      %dma_start3A_678 = arith.constant 0 : i32
      %dma_start3A_679 = arith.constant 0 : i32
      %dma_start3A_680 = tpu.memref_slice %arg8[%dma_start3A_678, %dma_start3A_679] : memref<10240x128xf32, #tpu.memory_space<vmem_shared>> -> memref<10240x128xf32, #tpu.memory_space<vmem_shared>>
      %dma_start3A_681 = tpu.memref_slice %arg11[%dma_start3A_670] : memref<3x!tpu.dma_semaphore, #tpu.memory_space<semaphore_mem>> -> memref<1x!tpu.dma_semaphore, #tpu.memory_space<semaphore_mem>>
      %dma_start3A_682 = tpu.memref_squeeze %dma_start3A_681 : memref<1x!tpu.dma_semaphore, #tpu.memory_space<semaphore_mem>> -> memref<!tpu.dma_semaphore, #tpu.memory_space<semaphore_mem>>
      tpu.enqueue_indirect_dma source(%dma_start3A_674 : memref<120x128xf32, #tpu.memory_space<vmem>>) target(%dma_start3A_680 : memref<10240x128xf32, #tpu.memory_space<vmem_shared>>) offsets(%dma_start3A_677 : memref<120xi32, #tpu.memory_space<vmem>>) semaphore(%dma_start3A_682 : memref<!tpu.dma_semaphore, #tpu.memory_space<semaphore_mem>>) {add = true}
      %dma_wait3A_683 = arith.constant 1 : i32
      %dma_wait3A_684 = arith.constant 1 : i32
      %dma_wait3A_685 = arith.constant 0 : i32
      %dma_wait3A_686 = arith.constant 0 : i32
      %dma_wait3A_687 = tpu.memref_slice %arg7[%dma_wait3A_683, %dma_wait3A_685, %dma_wait3A_686] : memref<3x120x128xf32, #tpu.memory_space<vmem>> -> memref<1x120x128xf32, #tpu.memory_space<vmem>>
      %dma_wait3A_688 = tpu.memref_squeeze %dma_wait3A_687 : memref<1x120x128xf32, #tpu.memory_space<vmem>> -> memref<120x128xf32, #tpu.memory_space<vmem>>
      %dma_wait3A_689 = arith.constant 0 : i32
      %dma_wait3A_690 = arith.constant 0 : i32
      %dma_wait3A_691 = tpu.memref_slice %arg2[%dma_wait3A_689, %dma_wait3A_690] : memref<10240x128xf32, #tpu.memory_space<hbm>> -> memref<120x128xf32, #tpu.memory_space<hbm>>
      %dma_wait3A_692 = tpu.memref_slice %arg11[%dma_wait3A_684] : memref<3x!tpu.dma_semaphore, #tpu.memory_space<semaphore_mem>> -> memref<1x!tpu.dma_semaphore, #tpu.memory_space<semaphore_mem>>
      %dma_wait3A_693 = tpu.memref_squeeze %dma_wait3A_692 : memref<1x!tpu.dma_semaphore, #tpu.memory_space<semaphore_mem>> -> memref<!tpu.dma_semaphore, #tpu.memory_space<semaphore_mem>>
      %dma_wait3A_694 = arith.constant 0 : i32
      %dma_wait3A_695 = arith.constant 0 : i32
      %dma_wait3A_696 = tpu.memref_slice %arg7[%dma_wait3A_683, %dma_wait3A_694, %dma_wait3A_695] : memref<3x120x128xf32, #tpu.memory_space<vmem>> -> memref<1x120x128xf32, #tpu.memory_space<vmem>>
      %dma_wait3A_697 = tpu.memref_squeeze %dma_wait3A_696 : memref<1x120x128xf32, #tpu.memory_space<vmem>> -> memref<120x128xf32, #tpu.memory_space<vmem>>
      %dma_wait3A_698 = arith.constant 0 : i32
      %dma_wait3A_699 = arith.constant 0 : i32
      %dma_wait3A_700 = tpu.memref_slice %arg2[%dma_wait3A_698, %dma_wait3A_699] : memref<10240x128xf32, #tpu.memory_space<hbm>> -> memref<120x128xf32, #tpu.memory_space<hbm>>
      tpu.wait_dma2 semaphore(%dma_wait3A_693 : memref<!tpu.dma_semaphore, #tpu.memory_space<semaphore_mem>>) src(%dma_wait3A_700 : memref<120x128xf32, #tpu.memory_space<hbm>>) dst(%dma_wait3A_697 : memref<120x128xf32, #tpu.memory_space<vmem>>)
      %dma_start3A_701 = arith.constant 2 : i32
      %dma_start3A_702 = arith.constant 0 : i32
      %dma_start3A_703 = arith.constant 1 : i32
      %dma_start3A_704 = arith.constant 1 : i32
      %dma_start3A_705 = arith.constant 1 : i32
      %dma_start3A_706 = arith.constant 0 : i32
      %dma_start3A_707 = arith.constant 0 : i32
      %dma_start3A_708 = tpu.memref_slice %arg7[%dma_start3A_704, %dma_start3A_706, %dma_start3A_707] : memref<3x120x128xf32, #tpu.memory_space<vmem>> -> memref<1x120x128xf32, #tpu.memory_space<vmem>>
      %dma_start3A_709 = tpu.memref_squeeze %dma_start3A_708 : memref<1x120x128xf32, #tpu.memory_space<vmem>> -> memref<120x128xf32, #tpu.memory_space<vmem>>
      %dma_start3A_710 = arith.constant 0 : i32
      %dma_start3A_711 = tpu.memref_slice %arg6[%dma_start3A_701, %dma_start3A_702, %dma_start3A_703, %dma_start3A_710] : memref<3x2x3x120xi32, #tpu.memory_space<vmem>> -> memref<1x1x1x120xi32, #tpu.memory_space<vmem>>
      %dma_start3A_712 = tpu.memref_squeeze %dma_start3A_711 : memref<1x1x1x120xi32, #tpu.memory_space<vmem>> -> memref<120xi32, #tpu.memory_space<vmem>>
      %dma_start3A_713 = arith.constant 0 : i32
      %dma_start3A_714 = arith.constant 0 : i32
      %dma_start3A_715 = tpu.memref_slice %arg2[%dma_start3A_713, %dma_start3A_714] : memref<10240x128xf32, #tpu.memory_space<hbm>> -> memref<10240x128xf32, #tpu.memory_space<hbm>>
      %dma_start3A_716 = tpu.memref_slice %arg10[%dma_start3A_705] : memref<3x!tpu.dma_semaphore, #tpu.memory_space<semaphore_mem>> -> memref<1x!tpu.dma_semaphore, #tpu.memory_space<semaphore_mem>>
      %dma_start3A_717 = tpu.memref_squeeze %dma_start3A_716 : memref<1x!tpu.dma_semaphore, #tpu.memory_space<semaphore_mem>> -> memref<!tpu.dma_semaphore, #tpu.memory_space<semaphore_mem>>
      tpu.enqueue_indirect_dma source(%dma_start3A_715 : memref<10240x128xf32, #tpu.memory_space<hbm>>) target(%dma_start3A_709 : memref<120x128xf32, #tpu.memory_space<vmem>>) offsets(%dma_start3A_712 : memref<120xi32, #tpu.memory_space<vmem>>) semaphore(%dma_start3A_717 : memref<!tpu.dma_semaphore, #tpu.memory_space<semaphore_mem>>)
      %dma_wait3A_718 = arith.constant 2 : i32
      %dma_wait3A_719 = arith.constant 2 : i32
      %dma_wait3A_720 = arith.constant 0 : i32
      %dma_wait3A_721 = arith.constant 0 : i32
      %dma_wait3A_722 = tpu.memref_slice %arg7[%dma_wait3A_718, %dma_wait3A_720, %dma_wait3A_721] : memref<3x120x128xf32, #tpu.memory_space<vmem>> -> memref<1x120x128xf32, #tpu.memory_space<vmem>>
      %dma_wait3A_723 = tpu.memref_squeeze %dma_wait3A_722 : memref<1x120x128xf32, #tpu.memory_space<vmem>> -> memref<120x128xf32, #tpu.memory_space<vmem>>
      %dma_wait3A_724 = arith.constant 0 : i32
      %dma_wait3A_725 = arith.constant 0 : i32
      %dma_wait3A_726 = tpu.memref_slice %arg2[%dma_wait3A_724, %dma_wait3A_725] : memref<10240x128xf32, #tpu.memory_space<hbm>> -> memref<120x128xf32, #tpu.memory_space<hbm>>
      %dma_wait3A_727 = tpu.memref_slice %arg10[%dma_wait3A_719] : memref<3x!tpu.dma_semaphore, #tpu.memory_space<semaphore_mem>> -> memref<1x!tpu.dma_semaphore, #tpu.memory_space<semaphore_mem>>
      %dma_wait3A_728 = tpu.memref_squeeze %dma_wait3A_727 : memref<1x!tpu.dma_semaphore, #tpu.memory_space<semaphore_mem>> -> memref<!tpu.dma_semaphore, #tpu.memory_space<semaphore_mem>>
      %dma_wait3A_729 = arith.constant 0 : i32
      %dma_wait3A_730 = arith.constant 0 : i32
      %dma_wait3A_731 = tpu.memref_slice %arg7[%dma_wait3A_718, %dma_wait3A_729, %dma_wait3A_730] : memref<3x120x128xf32, #tpu.memory_space<vmem>> -> memref<1x120x128xf32, #tpu.memory_space<vmem>>
      %dma_wait3A_732 = tpu.memref_squeeze %dma_wait3A_731 : memref<1x120x128xf32, #tpu.memory_space<vmem>> -> memref<120x128xf32, #tpu.memory_space<vmem>>
      %dma_wait3A_733 = arith.constant 0 : i32
      %dma_wait3A_734 = arith.constant 0 : i32
      %dma_wait3A_735 = tpu.memref_slice %arg2[%dma_wait3A_733, %dma_wait3A_734] : memref<10240x128xf32, #tpu.memory_space<hbm>> -> memref<120x128xf32, #tpu.memory_space<hbm>>
      tpu.wait_dma2 semaphore(%dma_wait3A_728 : memref<!tpu.dma_semaphore, #tpu.memory_space<semaphore_mem>>) src(%dma_wait3A_735 : memref<120x128xf32, #tpu.memory_space<hbm>>) dst(%dma_wait3A_732 : memref<120x128xf32, #tpu.memory_space<vmem>>)
      %dma_start3A_736 = arith.constant 2 : i32
      %dma_start3A_737 = arith.constant 1 : i32
      %dma_start3A_738 = arith.constant 1 : i32
      %dma_start3A_739 = arith.constant 2 : i32
      %dma_start3A_740 = arith.constant 2 : i32
      %dma_start3A_741 = arith.constant 0 : i32
      %dma_start3A_742 = arith.constant 0 : i32
      %dma_start3A_743 = tpu.memref_slice %arg7[%dma_start3A_736, %dma_start3A_741, %dma_start3A_742] : memref<3x120x128xf32, #tpu.memory_space<vmem>> -> memref<1x120x128xf32, #tpu.memory_space<vmem>>
      %dma_start3A_744 = tpu.memref_squeeze %dma_start3A_743 : memref<1x120x128xf32, #tpu.memory_space<vmem>> -> memref<120x128xf32, #tpu.memory_space<vmem>>
      %dma_start3A_745 = arith.constant 0 : i32
      %dma_start3A_746 = tpu.memref_slice %arg6[%dma_start3A_737, %dma_start3A_738, %dma_start3A_739, %dma_start3A_745] : memref<3x2x3x120xi32, #tpu.memory_space<vmem>> -> memref<1x1x1x120xi32, #tpu.memory_space<vmem>>
      %dma_start3A_747 = tpu.memref_squeeze %dma_start3A_746 : memref<1x1x1x120xi32, #tpu.memory_space<vmem>> -> memref<120xi32, #tpu.memory_space<vmem>>
      %dma_start3A_748 = arith.constant 0 : i32
      %dma_start3A_749 = arith.constant 0 : i32
      %dma_start3A_750 = tpu.memref_slice %arg8[%dma_start3A_748, %dma_start3A_749] : memref<10240x128xf32, #tpu.memory_space<vmem_shared>> -> memref<10240x128xf32, #tpu.memory_space<vmem_shared>>
      %dma_start3A_751 = tpu.memref_slice %arg11[%dma_start3A_740] : memref<3x!tpu.dma_semaphore, #tpu.memory_space<semaphore_mem>> -> memref<1x!tpu.dma_semaphore, #tpu.memory_space<semaphore_mem>>
      %dma_start3A_752 = tpu.memref_squeeze %dma_start3A_751 : memref<1x!tpu.dma_semaphore, #tpu.memory_space<semaphore_mem>> -> memref<!tpu.dma_semaphore, #tpu.memory_space<semaphore_mem>>
      tpu.enqueue_indirect_dma source(%dma_start3A_744 : memref<120x128xf32, #tpu.memory_space<vmem>>) target(%dma_start3A_750 : memref<10240x128xf32, #tpu.memory_space<vmem_shared>>) offsets(%dma_start3A_747 : memref<120xi32, #tpu.memory_space<vmem>>) semaphore(%dma_start3A_752 : memref<!tpu.dma_semaphore, #tpu.memory_space<semaphore_mem>>) {add = true}
      %add3A_753 = arith.constant 1 : i32
      %add3A_754 = arith.addi %add3A_490, %add3A_753 : i32
      %add3A_755 = arith.constant 1 : i32
      %add3A_756 = arith.addi %add3A_754, %add3A_755 : i32
      %dma_start3A_757 = arith.constant 0 : i32
      %dma_start3A_758 = arith.constant 0 : i32
      %dma_start3A_759 = arith.constant 0 : i32
      %dma_start3A_760 = arith.constant 0 : i32
      %dma_start3A_761 = arith.constant 0 : i32
      %dma_start3A_762 = tpu.memref_slice %arg6[%dma_start3A_757, %dma_start3A_759, %dma_start3A_760, %dma_start3A_761] : memref<3x2x3x120xi32, #tpu.memory_space<vmem>> -> memref<1x2x3x120xi32, #tpu.memory_space<vmem>>
      %dma_start3A_763 = tpu.memref_squeeze %dma_start3A_762 : memref<1x2x3x120xi32, #tpu.memory_space<vmem>> -> memref<2x3x120xi32, #tpu.memory_space<vmem>>
      %dma_start3A_764 = arith.constant 0 : i32
      %dma_start3A_765 = arith.constant 0 : i32
      %dma_start3A_766 = arith.constant 0 : i32
      %dma_start3A_767 = tpu.memref_slice %arg3[%add3A, %add3A_756, %dma_start3A_764, %dma_start3A_765, %dma_start3A_766] : memref<32x56x2x3x120xi32, #tpu.memory_space<hbm>> -> memref<1x1x2x3x120xi32, #tpu.memory_space<hbm>>
      %dma_start3A_768 = tpu.memref_squeeze %dma_start3A_767 : memref<1x1x2x3x120xi32, #tpu.memory_space<hbm>> -> memref<2x3x120xi32, #tpu.memory_space<hbm>>
      %dma_start3A_769 = tpu.memref_slice %arg9[%dma_start3A_758] : memref<3x!tpu.dma_semaphore, #tpu.memory_space<semaphore_mem>> -> memref<1x!tpu.dma_semaphore, #tpu.memory_space<semaphore_mem>>
      %dma_start3A_770 = tpu.memref_squeeze %dma_start3A_769 : memref<1x!tpu.dma_semaphore, #tpu.memory_space<semaphore_mem>> -> memref<!tpu.dma_semaphore, #tpu.memory_space<semaphore_mem>>
      %dma_start3A_771 = arith.constant 0 : i32
      %dma_start3A_772 = arith.constant 0 : i32
      %dma_start3A_773 = arith.constant 0 : i32
      %dma_start3A_774 = tpu.memref_slice %arg6[%dma_start3A_757, %dma_start3A_771, %dma_start3A_772, %dma_start3A_773] : memref<3x2x3x120xi32, #tpu.memory_space<vmem>> -> memref<1x2x3x120xi32, #tpu.memory_space<vmem>>
      %dma_start3A_775 = tpu.memref_squeeze %dma_start3A_774 : memref<1x2x3x120xi32, #tpu.memory_space<vmem>> -> memref<2x3x120xi32, #tpu.memory_space<vmem>>
      %dma_start3A_776 = arith.constant 0 : i32
      %dma_start3A_777 = arith.constant 0 : i32
      %dma_start3A_778 = arith.constant 0 : i32
      %dma_start3A_779 = tpu.memref_slice %arg3[%add3A, %add3A_756, %dma_start3A_776, %dma_start3A_777, %dma_start3A_778] : memref<32x56x2x3x120xi32, #tpu.memory_space<hbm>> -> memref<1x1x2x3x120xi32, #tpu.memory_space<hbm>>
      %dma_start3A_780 = tpu.memref_squeeze %dma_start3A_779 : memref<1x1x2x3x120xi32, #tpu.memory_space<hbm>> -> memref<2x3x120xi32, #tpu.memory_space<hbm>>
      tpu.enqueue_dma source(%dma_start3A_780 : memref<2x3x120xi32, #tpu.memory_space<hbm>>) target(%dma_start3A_775 : memref<2x3x120xi32, #tpu.memory_space<vmem>>) target_semaphore(%dma_start3A_770 : memref<!tpu.dma_semaphore, #tpu.memory_space<semaphore_mem>>)
      %dma_wait3A_781 = arith.constant 2 : i32
      %dma_wait3A_782 = arith.constant 2 : i32
      %dma_wait3A_783 = arith.constant 0 : i32
      %dma_wait3A_784 = arith.constant 0 : i32
      %dma_wait3A_785 = tpu.memref_slice %arg7[%dma_wait3A_781, %dma_wait3A_783, %dma_wait3A_784] : memref<3x120x128xf32, #tpu.memory_space<vmem>> -> memref<1x120x128xf32, #tpu.memory_space<vmem>>
      %dma_wait3A_786 = tpu.memref_squeeze %dma_wait3A_785 : memref<1x120x128xf32, #tpu.memory_space<vmem>> -> memref<120x128xf32, #tpu.memory_space<vmem>>
      %dma_wait3A_787 = arith.constant 0 : i32
      %dma_wait3A_788 = arith.constant 0 : i32
      %dma_wait3A_789 = tpu.memref_slice %arg2[%dma_wait3A_787, %dma_wait3A_788] : memref<10240x128xf32, #tpu.memory_space<hbm>> -> memref<120x128xf32, #tpu.memory_space<hbm>>
      %dma_wait3A_790 = tpu.memref_slice %arg11[%dma_wait3A_782] : memref<3x!tpu.dma_semaphore, #tpu.memory_space<semaphore_mem>> -> memref<1x!tpu.dma_semaphore, #tpu.memory_space<semaphore_mem>>
      %dma_wait3A_791 = tpu.memref_squeeze %dma_wait3A_790 : memref<1x!tpu.dma_semaphore, #tpu.memory_space<semaphore_mem>> -> memref<!tpu.dma_semaphore, #tpu.memory_space<semaphore_mem>>
      %dma_wait3A_792 = arith.constant 0 : i32
      %dma_wait3A_793 = arith.constant 0 : i32
      %dma_wait3A_794 = tpu.memref_slice %arg7[%dma_wait3A_781, %dma_wait3A_792, %dma_wait3A_793] : memref<3x120x128xf32, #tpu.memory_space<vmem>> -> memref<1x120x128xf32, #tpu.memory_space<vmem>>
      %dma_wait3A_795 = tpu.memref_squeeze %dma_wait3A_794 : memref<1x120x128xf32, #tpu.memory_space<vmem>> -> memref<120x128xf32, #tpu.memory_space<vmem>>
      %dma_wait3A_796 = arith.constant 0 : i32
      %dma_wait3A_797 = arith.constant 0 : i32
      %dma_wait3A_798 = tpu.memref_slice %arg2[%dma_wait3A_796, %dma_wait3A_797] : memref<10240x128xf32, #tpu.memory_space<hbm>> -> memref<120x128xf32, #tpu.memory_space<hbm>>
      tpu.wait_dma2 semaphore(%dma_wait3A_791 : memref<!tpu.dma_semaphore, #tpu.memory_space<semaphore_mem>>) src(%dma_wait3A_798 : memref<120x128xf32, #tpu.memory_space<hbm>>) dst(%dma_wait3A_795 : memref<120x128xf32, #tpu.memory_space<vmem>>)
      %dma_start3A_799 = arith.constant 2 : i32
      %dma_start3A_800 = arith.constant 0 : i32
      %dma_start3A_801 = arith.constant 2 : i32
      %dma_start3A_802 = arith.constant 2 : i32
      %dma_start3A_803 = arith.constant 2 : i32
      %dma_start3A_804 = arith.constant 0 : i32
      %dma_start3A_805 = arith.constant 0 : i32
      %dma_start3A_806 = tpu.memref_slice %arg7[%dma_start3A_802, %dma_start3A_804, %dma_start3A_805] : memref<3x120x128xf32, #tpu.memory_space<vmem>> -> memref<1x120x128xf32, #tpu.memory_space<vmem>>
      %dma_start3A_807 = tpu.memref_squeeze %dma_start3A_806 : memref<1x120x128xf32, #tpu.memory_space<vmem>> -> memref<120x128xf32, #tpu.memory_space<vmem>>
      %dma_start3A_808 = arith.constant 0 : i32
      %dma_start3A_809 = tpu.memref_slice %arg6[%dma_start3A_799, %dma_start3A_800, %dma_start3A_801, %dma_start3A_808] : memref<3x2x3x120xi32, #tpu.memory_space<vmem>> -> memref<1x1x1x120xi32, #tpu.memory_space<vmem>>
      %dma_start3A_810 = tpu.memref_squeeze %dma_start3A_809 : memref<1x1x1x120xi32, #tpu.memory_space<vmem>> -> memref<120xi32, #tpu.memory_space<vmem>>
      %dma_start3A_811 = arith.constant 0 : i32
      %dma_start3A_812 = arith.constant 0 : i32
      %dma_start3A_813 = tpu.memref_slice %arg2[%dma_start3A_811, %dma_start3A_812] : memref<10240x128xf32, #tpu.memory_space<hbm>> -> memref<10240x128xf32, #tpu.memory_space<hbm>>
      %dma_start3A_814 = tpu.memref_slice %arg10[%dma_start3A_803] : memref<3x!tpu.dma_semaphore, #tpu.memory_space<semaphore_mem>> -> memref<1x!tpu.dma_semaphore, #tpu.memory_space<semaphore_mem>>
      %dma_start3A_815 = tpu.memref_squeeze %dma_start3A_814 : memref<1x!tpu.dma_semaphore, #tpu.memory_space<semaphore_mem>> -> memref<!tpu.dma_semaphore, #tpu.memory_space<semaphore_mem>>
      tpu.enqueue_indirect_dma source(%dma_start3A_813 : memref<10240x128xf32, #tpu.memory_space<hbm>>) target(%dma_start3A_807 : memref<120x128xf32, #tpu.memory_space<vmem>>) offsets(%dma_start3A_810 : memref<120xi32, #tpu.memory_space<vmem>>) semaphore(%dma_start3A_815 : memref<!tpu.dma_semaphore, #tpu.memory_space<semaphore_mem>>)
      %dma_wait3A_816 = arith.constant 0 : i32
      %dma_wait3A_817 = arith.constant 0 : i32
      %dma_wait3A_818 = arith.constant 0 : i32
      %dma_wait3A_819 = arith.constant 0 : i32
      %dma_wait3A_820 = tpu.memref_slice %arg7[%dma_wait3A_816, %dma_wait3A_818, %dma_wait3A_819] : memref<3x120x128xf32, #tpu.memory_space<vmem>> -> memref<1x120x128xf32, #tpu.memory_space<vmem>>
      %dma_wait3A_821 = tpu.memref_squeeze %dma_wait3A_820 : memref<1x120x128xf32, #tpu.memory_space<vmem>> -> memref<120x128xf32, #tpu.memory_space<vmem>>
      %dma_wait3A_822 = arith.constant 0 : i32
      %dma_wait3A_823 = arith.constant 0 : i32
      %dma_wait3A_824 = tpu.memref_slice %arg2[%dma_wait3A_822, %dma_wait3A_823] : memref<10240x128xf32, #tpu.memory_space<hbm>> -> memref<120x128xf32, #tpu.memory_space<hbm>>
      %dma_wait3A_825 = tpu.memref_slice %arg10[%dma_wait3A_817] : memref<3x!tpu.dma_semaphore, #tpu.memory_space<semaphore_mem>> -> memref<1x!tpu.dma_semaphore, #tpu.memory_space<semaphore_mem>>
      %dma_wait3A_826 = tpu.memref_squeeze %dma_wait3A_825 : memref<1x!tpu.dma_semaphore, #tpu.memory_space<semaphore_mem>> -> memref<!tpu.dma_semaphore, #tpu.memory_space<semaphore_mem>>
      %dma_wait3A_827 = arith.constant 0 : i32
      %dma_wait3A_828 = arith.constant 0 : i32
      %dma_wait3A_829 = tpu.memref_slice %arg7[%dma_wait3A_816, %dma_wait3A_827, %dma_wait3A_828] : memref<3x120x128xf32, #tpu.memory_space<vmem>> -> memref<1x120x128xf32, #tpu.memory_space<vmem>>
      %dma_wait3A_830 = tpu.memref_squeeze %dma_wait3A_829 : memref<1x120x128xf32, #tpu.memory_space<vmem>> -> memref<120x128xf32, #tpu.memory_space<vmem>>
      %dma_wait3A_831 = arith.constant 0 : i32
      %dma_wait3A_832 = arith.constant 0 : i32
      %dma_wait3A_833 = tpu.memref_slice %arg2[%dma_wait3A_831, %dma_wait3A_832] : memref<10240x128xf32, #tpu.memory_space<hbm>> -> memref<120x128xf32, #tpu.memory_space<hbm>>
      tpu.wait_dma2 semaphore(%dma_wait3A_826 : memref<!tpu.dma_semaphore, #tpu.memory_space<semaphore_mem>>) src(%dma_wait3A_833 : memref<120x128xf32, #tpu.memory_space<hbm>>) dst(%dma_wait3A_830 : memref<120x128xf32, #tpu.memory_space<vmem>>)
      %dma_start3A_834 = arith.constant 0 : i32
      %dma_start3A_835 = arith.constant 2 : i32
      %dma_start3A_836 = arith.constant 1 : i32
      %dma_start3A_837 = arith.constant 0 : i32
      %dma_start3A_838 = arith.constant 0 : i32
      %dma_start3A_839 = arith.constant 0 : i32
      %dma_start3A_840 = arith.constant 0 : i32
      %dma_start3A_841 = tpu.memref_slice %arg7[%dma_start3A_834, %dma_start3A_839, %dma_start3A_840] : memref<3x120x128xf32, #tpu.memory_space<vmem>> -> memref<1x120x128xf32, #tpu.memory_space<vmem>>
      %dma_start3A_842 = tpu.memref_squeeze %dma_start3A_841 : memref<1x120x128xf32, #tpu.memory_space<vmem>> -> memref<120x128xf32, #tpu.memory_space<vmem>>
      %dma_start3A_843 = arith.constant 0 : i32
      %dma_start3A_844 = tpu.memref_slice %arg6[%dma_start3A_835, %dma_start3A_836, %dma_start3A_837, %dma_start3A_843] : memref<3x2x3x120xi32, #tpu.memory_space<vmem>> -> memref<1x1x1x120xi32, #tpu.memory_space<vmem>>
      %dma_start3A_845 = tpu.memref_squeeze %dma_start3A_844 : memref<1x1x1x120xi32, #tpu.memory_space<vmem>> -> memref<120xi32, #tpu.memory_space<vmem>>
      %dma_start3A_846 = arith.constant 0 : i32
      %dma_start3A_847 = arith.constant 0 : i32
      %dma_start3A_848 = tpu.memref_slice %arg8[%dma_start3A_846, %dma_start3A_847] : memref<10240x128xf32, #tpu.memory_space<vmem_shared>> -> memref<10240x128xf32, #tpu.memory_space<vmem_shared>>
      %dma_start3A_849 = tpu.memref_slice %arg11[%dma_start3A_838] : memref<3x!tpu.dma_semaphore, #tpu.memory_space<semaphore_mem>> -> memref<1x!tpu.dma_semaphore, #tpu.memory_space<semaphore_mem>>
      %dma_start3A_850 = tpu.memref_squeeze %dma_start3A_849 : memref<1x!tpu.dma_semaphore, #tpu.memory_space<semaphore_mem>> -> memref<!tpu.dma_semaphore, #tpu.memory_space<semaphore_mem>>
      tpu.enqueue_indirect_dma source(%dma_start3A_842 : memref<120x128xf32, #tpu.memory_space<vmem>>) target(%dma_start3A_848 : memref<10240x128xf32, #tpu.memory_space<vmem_shared>>) offsets(%dma_start3A_845 : memref<120xi32, #tpu.memory_space<vmem>>) semaphore(%dma_start3A_850 : memref<!tpu.dma_semaphore, #tpu.memory_space<semaphore_mem>>) {add = true}
      %dma_wait3A_851 = arith.constant 0 : i32
      %dma_wait3A_852 = arith.constant 0 : i32
      %dma_wait3A_853 = arith.constant 0 : i32
      %dma_wait3A_854 = arith.constant 0 : i32
      %dma_wait3A_855 = arith.constant 0 : i32
      %dma_wait3A_856 = arith.constant 0 : i32
      %dma_wait3A_857 = arith.constant 0 : i32
      %dma_wait3A_858 = tpu.memref_slice %arg6[%dma_wait3A_853, %dma_wait3A_855, %dma_wait3A_856, %dma_wait3A_857] : memref<3x2x3x120xi32, #tpu.memory_space<vmem>> -> memref<1x2x3x120xi32, #tpu.memory_space<vmem>>
      %dma_wait3A_859 = tpu.memref_squeeze %dma_wait3A_858 : memref<1x2x3x120xi32, #tpu.memory_space<vmem>> -> memref<2x3x120xi32, #tpu.memory_space<vmem>>
      %dma_wait3A_860 = arith.constant 0 : i32
      %dma_wait3A_861 = arith.constant 0 : i32
      %dma_wait3A_862 = arith.constant 0 : i32
      %dma_wait3A_863 = tpu.memref_slice %arg3[%dma_wait3A_851, %dma_wait3A_852, %dma_wait3A_860, %dma_wait3A_861, %dma_wait3A_862] : memref<32x56x2x3x120xi32, #tpu.memory_space<hbm>> -> memref<1x1x2x3x120xi32, #tpu.memory_space<hbm>>
      %dma_wait3A_864 = tpu.memref_squeeze %dma_wait3A_863 : memref<1x1x2x3x120xi32, #tpu.memory_space<hbm>> -> memref<2x3x120xi32, #tpu.memory_space<hbm>>
      %dma_wait3A_865 = tpu.memref_slice %arg9[%dma_wait3A_854] : memref<3x!tpu.dma_semaphore, #tpu.memory_space<semaphore_mem>> -> memref<1x!tpu.dma_semaphore, #tpu.memory_space<semaphore_mem>>
      %dma_wait3A_866 = tpu.memref_squeeze %dma_wait3A_865 : memref<1x!tpu.dma_semaphore, #tpu.memory_space<semaphore_mem>> -> memref<!tpu.dma_semaphore, #tpu.memory_space<semaphore_mem>>
      %dma_wait3A_867 = arith.constant 0 : i32
      %dma_wait3A_868 = arith.constant 0 : i32
      %dma_wait3A_869 = arith.constant 0 : i32
      %dma_wait3A_870 = tpu.memref_slice %arg6[%dma_wait3A_853, %dma_wait3A_867, %dma_wait3A_868, %dma_wait3A_869] : memref<3x2x3x120xi32, #tpu.memory_space<vmem>> -> memref<1x2x3x120xi32, #tpu.memory_space<vmem>>
      %dma_wait3A_871 = tpu.memref_squeeze %dma_wait3A_870 : memref<1x2x3x120xi32, #tpu.memory_space<vmem>> -> memref<2x3x120xi32, #tpu.memory_space<vmem>>
      %dma_wait3A_872 = arith.constant 0 : i32
      %dma_wait3A_873 = arith.constant 0 : i32
      %dma_wait3A_874 = arith.constant 0 : i32
      %dma_wait3A_875 = tpu.memref_slice %arg3[%dma_wait3A_851, %dma_wait3A_852, %dma_wait3A_872, %dma_wait3A_873, %dma_wait3A_874] : memref<32x56x2x3x120xi32, #tpu.memory_space<hbm>> -> memref<1x1x2x3x120xi32, #tpu.memory_space<hbm>>
      %dma_wait3A_876 = tpu.memref_squeeze %dma_wait3A_875 : memref<1x1x2x3x120xi32, #tpu.memory_space<hbm>> -> memref<2x3x120xi32, #tpu.memory_space<hbm>>
      tpu.wait_dma2 semaphore(%dma_wait3A_866 : memref<!tpu.dma_semaphore, #tpu.memory_space<semaphore_mem>>) src(%dma_wait3A_876 : memref<2x3x120xi32, #tpu.memory_space<hbm>>) dst(%dma_wait3A_871 : memref<2x3x120xi32, #tpu.memory_space<vmem>>)
      %dma_wait3A_877 = arith.constant 0 : i32
      %dma_wait3A_878 = arith.constant 0 : i32
      %dma_wait3A_879 = arith.constant 0 : i32
      %dma_wait3A_880 = arith.constant 0 : i32
      %dma_wait3A_881 = tpu.memref_slice %arg7[%dma_wait3A_877, %dma_wait3A_879, %dma_wait3A_880] : memref<3x120x128xf32, #tpu.memory_space<vmem>> -> memref<1x120x128xf32, #tpu.memory_space<vmem>>
      %dma_wait3A_882 = tpu.memref_squeeze %dma_wait3A_881 : memref<1x120x128xf32, #tpu.memory_space<vmem>> -> memref<120x128xf32, #tpu.memory_space<vmem>>
      %dma_wait3A_883 = arith.constant 0 : i32
      %dma_wait3A_884 = arith.constant 0 : i32
      %dma_wait3A_885 = tpu.memref_slice %arg2[%dma_wait3A_883, %dma_wait3A_884] : memref<10240x128xf32, #tpu.memory_space<hbm>> -> memref<120x128xf32, #tpu.memory_space<hbm>>
      %dma_wait3A_886 = tpu.memref_slice %arg11[%dma_wait3A_878] : memref<3x!tpu.dma_semaphore, #tpu.memory_space<semaphore_mem>> -> memref<1x!tpu.dma_semaphore, #tpu.memory_space<semaphore_mem>>
      %dma_wait3A_887 = tpu.memref_squeeze %dma_wait3A_886 : memref<1x!tpu.dma_semaphore, #tpu.memory_space<semaphore_mem>> -> memref<!tpu.dma_semaphore, #tpu.memory_space<semaphore_mem>>
      %dma_wait3A_888 = arith.constant 0 : i32
      %dma_wait3A_889 = arith.constant 0 : i32
      %dma_wait3A_890 = tpu.memref_slice %arg7[%dma_wait3A_877, %dma_wait3A_888, %dma_wait3A_889] : memref<3x120x128xf32, #tpu.memory_space<vmem>> -> memref<1x120x128xf32, #tpu.memory_space<vmem>>
      %dma_wait3A_891 = tpu.memref_squeeze %dma_wait3A_890 : memref<1x120x128xf32, #tpu.memory_space<vmem>> -> memref<120x128xf32, #tpu.memory_space<vmem>>
      %dma_wait3A_892 = arith.constant 0 : i32
      %dma_wait3A_893 = arith.constant 0 : i32
      %dma_wait3A_894 = tpu.memref_slice %arg2[%dma_wait3A_892, %dma_wait3A_893] : memref<10240x128xf32, #tpu.memory_space<hbm>> -> memref<120x128xf32, #tpu.memory_space<hbm>>
      tpu.wait_dma2 semaphore(%dma_wait3A_887 : memref<!tpu.dma_semaphore, #tpu.memory_space<semaphore_mem>>) src(%dma_wait3A_894 : memref<120x128xf32, #tpu.memory_space<hbm>>) dst(%dma_wait3A_891 : memref<120x128xf32, #tpu.memory_space<vmem>>)
      %dma_start3A_895 = arith.constant 0 : i32
      %dma_start3A_896 = arith.constant 0 : i32
      %dma_start3A_897 = arith.constant 0 : i32
      %dma_start3A_898 = arith.constant 0 : i32
      %dma_start3A_899 = arith.constant 0 : i32
      %dma_start3A_900 = arith.constant 0 : i32
      %dma_start3A_901 = arith.constant 0 : i32
      %dma_start3A_902 = tpu.memref_slice %arg7[%dma_start3A_898, %dma_start3A_900, %dma_start3A_901] : memref<3x120x128xf32, #tpu.memory_space<vmem>> -> memref<1x120x128xf32, #tpu.memory_space<vmem>>
      %dma_start3A_903 = tpu.memref_squeeze %dma_start3A_902 : memref<1x120x128xf32, #tpu.memory_space<vmem>> -> memref<120x128xf32, #tpu.memory_space<vmem>>
      %dma_start3A_904 = arith.constant 0 : i32
      %dma_start3A_905 = tpu.memref_slice %arg6[%dma_start3A_895, %dma_start3A_896, %dma_start3A_897, %dma_start3A_904] : memref<3x2x3x120xi32, #tpu.memory_space<vmem>> -> memref<1x1x1x120xi32, #tpu.memory_space<vmem>>
      %dma_start3A_906 = tpu.memref_squeeze %dma_start3A_905 : memref<1x1x1x120xi32, #tpu.memory_space<vmem>> -> memref<120xi32, #tpu.memory_space<vmem>>
      %dma_start3A_907 = arith.constant 0 : i32
      %dma_start3A_908 = arith.constant 0 : i32
      %dma_start3A_909 = tpu.memref_slice %arg2[%dma_start3A_907, %dma_start3A_908] : memref<10240x128xf32, #tpu.memory_space<hbm>> -> memref<10240x128xf32, #tpu.memory_space<hbm>>
      %dma_start3A_910 = tpu.memref_slice %arg10[%dma_start3A_899] : memref<3x!tpu.dma_semaphore, #tpu.memory_space<semaphore_mem>> -> memref<1x!tpu.dma_semaphore, #tpu.memory_space<semaphore_mem>>
      %dma_start3A_911 = tpu.memref_squeeze %dma_start3A_910 : memref<1x!tpu.dma_semaphore, #tpu.memory_space<semaphore_mem>> -> memref<!tpu.dma_semaphore, #tpu.memory_space<semaphore_mem>>
      tpu.enqueue_indirect_dma source(%dma_start3A_909 : memref<10240x128xf32, #tpu.memory_space<hbm>>) target(%dma_start3A_903 : memref<120x128xf32, #tpu.memory_space<vmem>>) offsets(%dma_start3A_906 : memref<120xi32, #tpu.memory_space<vmem>>) semaphore(%dma_start3A_911 : memref<!tpu.dma_semaphore, #tpu.memory_space<semaphore_mem>>)
      %dma_wait3A_912 = arith.constant 1 : i32
      %dma_wait3A_913 = arith.constant 1 : i32
      %dma_wait3A_914 = arith.constant 0 : i32
      %dma_wait3A_915 = arith.constant 0 : i32
      %dma_wait3A_916 = tpu.memref_slice %arg7[%dma_wait3A_912, %dma_wait3A_914, %dma_wait3A_915] : memref<3x120x128xf32, #tpu.memory_space<vmem>> -> memref<1x120x128xf32, #tpu.memory_space<vmem>>
      %dma_wait3A_917 = tpu.memref_squeeze %dma_wait3A_916 : memref<1x120x128xf32, #tpu.memory_space<vmem>> -> memref<120x128xf32, #tpu.memory_space<vmem>>
      %dma_wait3A_918 = arith.constant 0 : i32
      %dma_wait3A_919 = arith.constant 0 : i32
      %dma_wait3A_920 = tpu.memref_slice %arg2[%dma_wait3A_918, %dma_wait3A_919] : memref<10240x128xf32, #tpu.memory_space<hbm>> -> memref<120x128xf32, #tpu.memory_space<hbm>>
      %dma_wait3A_921 = tpu.memref_slice %arg10[%dma_wait3A_913] : memref<3x!tpu.dma_semaphore, #tpu.memory_space<semaphore_mem>> -> memref<1x!tpu.dma_semaphore, #tpu.memory_space<semaphore_mem>>
      %dma_wait3A_922 = tpu.memref_squeeze %dma_wait3A_921 : memref<1x!tpu.dma_semaphore, #tpu.memory_space<semaphore_mem>> -> memref<!tpu.dma_semaphore, #tpu.memory_space<semaphore_mem>>
      %dma_wait3A_923 = arith.constant 0 : i32
      %dma_wait3A_924 = arith.constant 0 : i32
      %dma_wait3A_925 = tpu.memref_slice %arg7[%dma_wait3A_912, %dma_wait3A_923, %dma_wait3A_924] : memref<3x120x128xf32, #tpu.memory_space<vmem>> -> memref<1x120x128xf32, #tpu.memory_space<vmem>>
      %dma_wait3A_926 = tpu.memref_squeeze %dma_wait3A_925 : memref<1x120x128xf32, #tpu.memory_space<vmem>> -> memref<120x128xf32, #tpu.memory_space<vmem>>
      %dma_wait3A_927 = arith.constant 0 : i32
      %dma_wait3A_928 = arith.constant 0 : i32
      %dma_wait3A_929 = tpu.memref_slice %arg2[%dma_wait3A_927, %dma_wait3A_928] : memref<10240x128xf32, #tpu.memory_space<hbm>> -> memref<120x128xf32, #tpu.memory_space<hbm>>
      tpu.wait_dma2 semaphore(%dma_wait3A_922 : memref<!tpu.dma_semaphore, #tpu.memory_space<semaphore_mem>>) src(%dma_wait3A_929 : memref<120x128xf32, #tpu.memory_space<hbm>>) dst(%dma_wait3A_926 : memref<120x128xf32, #tpu.memory_space<vmem>>)
      %dma_start3A_930 = arith.constant 1 : i32
      %dma_start3A_931 = arith.constant 2 : i32
      %dma_start3A_932 = arith.constant 1 : i32
      %dma_start3A_933 = arith.constant 1 : i32
      %dma_start3A_934 = arith.constant 1 : i32
      %dma_start3A_935 = arith.constant 0 : i32
      %dma_start3A_936 = arith.constant 0 : i32
      %dma_start3A_937 = tpu.memref_slice %arg7[%dma_start3A_930, %dma_start3A_935, %dma_start3A_936] : memref<3x120x128xf32, #tpu.memory_space<vmem>> -> memref<1x120x128xf32, #tpu.memory_space<vmem>>
      %dma_start3A_938 = tpu.memref_squeeze %dma_start3A_937 : memref<1x120x128xf32, #tpu.memory_space<vmem>> -> memref<120x128xf32, #tpu.memory_space<vmem>>
      %dma_start3A_939 = arith.constant 0 : i32
      %dma_start3A_940 = tpu.memref_slice %arg6[%dma_start3A_931, %dma_start3A_932, %dma_start3A_933, %dma_start3A_939] : memref<3x2x3x120xi32, #tpu.memory_space<vmem>> -> memref<1x1x1x120xi32, #tpu.memory_space<vmem>>
      %dma_start3A_941 = tpu.memref_squeeze %dma_start3A_940 : memref<1x1x1x120xi32, #tpu.memory_space<vmem>> -> memref<120xi32, #tpu.memory_space<vmem>>
      %dma_start3A_942 = arith.constant 0 : i32
      %dma_start3A_943 = arith.constant 0 : i32
      %dma_start3A_944 = tpu.memref_slice %arg8[%dma_start3A_942, %dma_start3A_943] : memref<10240x128xf32, #tpu.memory_space<vmem_shared>> -> memref<10240x128xf32, #tpu.memory_space<vmem_shared>>
      %dma_start3A_945 = tpu.memref_slice %arg11[%dma_start3A_934] : memref<3x!tpu.dma_semaphore, #tpu.memory_space<semaphore_mem>> -> memref<1x!tpu.dma_semaphore, #tpu.memory_space<semaphore_mem>>
      %dma_start3A_946 = tpu.memref_squeeze %dma_start3A_945 : memref<1x!tpu.dma_semaphore, #tpu.memory_space<semaphore_mem>> -> memref<!tpu.dma_semaphore, #tpu.memory_space<semaphore_mem>>
      tpu.enqueue_indirect_dma source(%dma_start3A_938 : memref<120x128xf32, #tpu.memory_space<vmem>>) target(%dma_start3A_944 : memref<10240x128xf32, #tpu.memory_space<vmem_shared>>) offsets(%dma_start3A_941 : memref<120xi32, #tpu.memory_space<vmem>>) semaphore(%dma_start3A_946 : memref<!tpu.dma_semaphore, #tpu.memory_space<semaphore_mem>>) {add = true}
      %dma_wait3A_947 = arith.constant 1 : i32
      %dma_wait3A_948 = arith.constant 1 : i32
      %dma_wait3A_949 = arith.constant 0 : i32
      %dma_wait3A_950 = arith.constant 0 : i32
      %dma_wait3A_951 = tpu.memref_slice %arg7[%dma_wait3A_947, %dma_wait3A_949, %dma_wait3A_950] : memref<3x120x128xf32, #tpu.memory_space<vmem>> -> memref<1x120x128xf32, #tpu.memory_space<vmem>>
      %dma_wait3A_952 = tpu.memref_squeeze %dma_wait3A_951 : memref<1x120x128xf32, #tpu.memory_space<vmem>> -> memref<120x128xf32, #tpu.memory_space<vmem>>
      %dma_wait3A_953 = arith.constant 0 : i32
      %dma_wait3A_954 = arith.constant 0 : i32
      %dma_wait3A_955 = tpu.memref_slice %arg2[%dma_wait3A_953, %dma_wait3A_954] : memref<10240x128xf32, #tpu.memory_space<hbm>> -> memref<120x128xf32, #tpu.memory_space<hbm>>
      %dma_wait3A_956 = tpu.memref_slice %arg11[%dma_wait3A_948] : memref<3x!tpu.dma_semaphore, #tpu.memory_space<semaphore_mem>> -> memref<1x!tpu.dma_semaphore, #tpu.memory_space<semaphore_mem>>
      %dma_wait3A_957 = tpu.memref_squeeze %dma_wait3A_956 : memref<1x!tpu.dma_semaphore, #tpu.memory_space<semaphore_mem>> -> memref<!tpu.dma_semaphore, #tpu.memory_space<semaphore_mem>>
      %dma_wait3A_958 = arith.constant 0 : i32
      %dma_wait3A_959 = arith.constant 0 : i32
      %dma_wait3A_960 = tpu.memref_slice %arg7[%dma_wait3A_947, %dma_wait3A_958, %dma_wait3A_959] : memref<3x120x128xf32, #tpu.memory_space<vmem>> -> memref<1x120x128xf32, #tpu.memory_space<vmem>>
      %dma_wait3A_961 = tpu.memref_squeeze %dma_wait3A_960 : memref<1x120x128xf32, #tpu.memory_space<vmem>> -> memref<120x128xf32, #tpu.memory_space<vmem>>
      %dma_wait3A_962 = arith.constant 0 : i32
      %dma_wait3A_963 = arith.constant 0 : i32
      %dma_wait3A_964 = tpu.memref_slice %arg2[%dma_wait3A_962, %dma_wait3A_963] : memref<10240x128xf32, #tpu.memory_space<hbm>> -> memref<120x128xf32, #tpu.memory_space<hbm>>
      tpu.wait_dma2 semaphore(%dma_wait3A_957 : memref<!tpu.dma_semaphore, #tpu.memory_space<semaphore_mem>>) src(%dma_wait3A_964 : memref<120x128xf32, #tpu.memory_space<hbm>>) dst(%dma_wait3A_961 : memref<120x128xf32, #tpu.memory_space<vmem>>)
      %dma_start3A_965 = arith.constant 0 : i32
      %dma_start3A_966 = arith.constant 0 : i32
      %dma_start3A_967 = arith.constant 1 : i32
      %dma_start3A_968 = arith.constant 1 : i32
      %dma_start3A_969 = arith.constant 1 : i32
      %dma_start3A_970 = arith.constant 0 : i32
      %dma_start3A_971 = arith.constant 0 : i32
      %dma_start3A_972 = tpu.memref_slice %arg7[%dma_start3A_968, %dma_start3A_970, %dma_start3A_971] : memref<3x120x128xf32, #tpu.memory_space<vmem>> -> memref<1x120x128xf32, #tpu.memory_space<vmem>>
      %dma_start3A_973 = tpu.memref_squeeze %dma_start3A_972 : memref<1x120x128xf32, #tpu.memory_space<vmem>> -> memref<120x128xf32, #tpu.memory_space<vmem>>
      %dma_start3A_974 = arith.constant 0 : i32
      %dma_start3A_975 = tpu.memref_slice %arg6[%dma_start3A_965, %dma_start3A_966, %dma_start3A_967, %dma_start3A_974] : memref<3x2x3x120xi32, #tpu.memory_space<vmem>> -> memref<1x1x1x120xi32, #tpu.memory_space<vmem>>
      %dma_start3A_976 = tpu.memref_squeeze %dma_start3A_975 : memref<1x1x1x120xi32, #tpu.memory_space<vmem>> -> memref<120xi32, #tpu.memory_space<vmem>>
      %dma_start3A_977 = arith.constant 0 : i32
      %dma_start3A_978 = arith.constant 0 : i32
      %dma_start3A_979 = tpu.memref_slice %arg2[%dma_start3A_977, %dma_start3A_978] : memref<10240x128xf32, #tpu.memory_space<hbm>> -> memref<10240x128xf32, #tpu.memory_space<hbm>>
      %dma_start3A_980 = tpu.memref_slice %arg10[%dma_start3A_969] : memref<3x!tpu.dma_semaphore, #tpu.memory_space<semaphore_mem>> -> memref<1x!tpu.dma_semaphore, #tpu.memory_space<semaphore_mem>>
      %dma_start3A_981 = tpu.memref_squeeze %dma_start3A_980 : memref<1x!tpu.dma_semaphore, #tpu.memory_space<semaphore_mem>> -> memref<!tpu.dma_semaphore, #tpu.memory_space<semaphore_mem>>
      tpu.enqueue_indirect_dma source(%dma_start3A_979 : memref<10240x128xf32, #tpu.memory_space<hbm>>) target(%dma_start3A_973 : memref<120x128xf32, #tpu.memory_space<vmem>>) offsets(%dma_start3A_976 : memref<120xi32, #tpu.memory_space<vmem>>) semaphore(%dma_start3A_981 : memref<!tpu.dma_semaphore, #tpu.memory_space<semaphore_mem>>)
      %dma_wait3A_982 = arith.constant 2 : i32
      %dma_wait3A_983 = arith.constant 2 : i32
      %dma_wait3A_984 = arith.constant 0 : i32
      %dma_wait3A_985 = arith.constant 0 : i32
      %dma_wait3A_986 = tpu.memref_slice %arg7[%dma_wait3A_982, %dma_wait3A_984, %dma_wait3A_985] : memref<3x120x128xf32, #tpu.memory_space<vmem>> -> memref<1x120x128xf32, #tpu.memory_space<vmem>>
      %dma_wait3A_987 = tpu.memref_squeeze %dma_wait3A_986 : memref<1x120x128xf32, #tpu.memory_space<vmem>> -> memref<120x128xf32, #tpu.memory_space<vmem>>
      %dma_wait3A_988 = arith.constant 0 : i32
      %dma_wait3A_989 = arith.constant 0 : i32
      %dma_wait3A_990 = tpu.memref_slice %arg2[%dma_wait3A_988, %dma_wait3A_989] : memref<10240x128xf32, #tpu.memory_space<hbm>> -> memref<120x128xf32, #tpu.memory_space<hbm>>
      %dma_wait3A_991 = tpu.memref_slice %arg10[%dma_wait3A_983] : memref<3x!tpu.dma_semaphore, #tpu.memory_space<semaphore_mem>> -> memref<1x!tpu.dma_semaphore, #tpu.memory_space<semaphore_mem>>
      %dma_wait3A_992 = tpu.memref_squeeze %dma_wait3A_991 : memref<1x!tpu.dma_semaphore, #tpu.memory_space<semaphore_mem>> -> memref<!tpu.dma_semaphore, #tpu.memory_space<semaphore_mem>>
      %dma_wait3A_993 = arith.constant 0 : i32
      %dma_wait3A_994 = arith.constant 0 : i32
      %dma_wait3A_995 = tpu.memref_slice %arg7[%dma_wait3A_982, %dma_wait3A_993, %dma_wait3A_994] : memref<3x120x128xf32, #tpu.memory_space<vmem>> -> memref<1x120x128xf32, #tpu.memory_space<vmem>>
      %dma_wait3A_996 = tpu.memref_squeeze %dma_wait3A_995 : memref<1x120x128xf32, #tpu.memory_space<vmem>> -> memref<120x128xf32, #tpu.memory_space<vmem>>
      %dma_wait3A_997 = arith.constant 0 : i32
      %dma_wait3A_998 = arith.constant 0 : i32
      %dma_wait3A_999 = tpu.memref_slice %arg2[%dma_wait3A_997, %dma_wait3A_998] : memref<10240x128xf32, #tpu.memory_space<hbm>> -> memref<120x128xf32, #tpu.memory_space<hbm>>
      tpu.wait_dma2 semaphore(%dma_wait3A_992 : memref<!tpu.dma_semaphore, #tpu.memory_space<semaphore_mem>>) src(%dma_wait3A_999 : memref<120x128xf32, #tpu.memory_space<hbm>>) dst(%dma_wait3A_996 : memref<120x128xf32, #tpu.memory_space<vmem>>)
      %dma_start3A_1000 = arith.constant 2 : i32
      %dma_start3A_1001 = arith.constant 2 : i32
      %dma_start3A_1002 = arith.constant 1 : i32
      %dma_start3A_1003 = arith.constant 2 : i32
      %dma_start3A_1004 = arith.constant 2 : i32
      %dma_start3A_1005 = arith.constant 0 : i32
      %dma_start3A_1006 = arith.constant 0 : i32
      %dma_start3A_1007 = tpu.memref_slice %arg7[%dma_start3A_1000, %dma_start3A_1005, %dma_start3A_1006] : memref<3x120x128xf32, #tpu.memory_space<vmem>> -> memref<1x120x128xf32, #tpu.memory_space<vmem>>
      %dma_start3A_1008 = tpu.memref_squeeze %dma_start3A_1007 : memref<1x120x128xf32, #tpu.memory_space<vmem>> -> memref<120x128xf32, #tpu.memory_space<vmem>>
      %dma_start3A_1009 = arith.constant 0 : i32
      %dma_start3A_1010 = tpu.memref_slice %arg6[%dma_start3A_1001, %dma_start3A_1002, %dma_start3A_1003, %dma_start3A_1009] : memref<3x2x3x120xi32, #tpu.memory_space<vmem>> -> memref<1x1x1x120xi32, #tpu.memory_space<vmem>>
      %dma_start3A_1011 = tpu.memref_squeeze %dma_start3A_1010 : memref<1x1x1x120xi32, #tpu.memory_space<vmem>> -> memref<120xi32, #tpu.memory_space<vmem>>
      %dma_start3A_1012 = arith.constant 0 : i32
      %dma_start3A_1013 = arith.constant 0 : i32
      %dma_start3A_1014 = tpu.memref_slice %arg8[%dma_start3A_1012, %dma_start3A_1013] : memref<10240x128xf32, #tpu.memory_space<vmem_shared>> -> memref<10240x128xf32, #tpu.memory_space<vmem_shared>>
      %dma_start3A_1015 = tpu.memref_slice %arg11[%dma_start3A_1004] : memref<3x!tpu.dma_semaphore, #tpu.memory_space<semaphore_mem>> -> memref<1x!tpu.dma_semaphore, #tpu.memory_space<semaphore_mem>>
      %dma_start3A_1016 = tpu.memref_squeeze %dma_start3A_1015 : memref<1x!tpu.dma_semaphore, #tpu.memory_space<semaphore_mem>> -> memref<!tpu.dma_semaphore, #tpu.memory_space<semaphore_mem>>
      tpu.enqueue_indirect_dma source(%dma_start3A_1008 : memref<120x128xf32, #tpu.memory_space<vmem>>) target(%dma_start3A_1014 : memref<10240x128xf32, #tpu.memory_space<vmem_shared>>) offsets(%dma_start3A_1011 : memref<120xi32, #tpu.memory_space<vmem>>) semaphore(%dma_start3A_1016 : memref<!tpu.dma_semaphore, #tpu.memory_space<semaphore_mem>>) {add = true}
      %add3A_1017 = arith.constant 2 : i32
      %add3A_1018 = arith.addi %add3A_490, %add3A_1017 : i32
      %add3A_1019 = arith.constant 1 : i32
      %add3A_1020 = arith.addi %add3A_1018, %add3A_1019 : i32
      %dma_start3A_1021 = arith.constant 1 : i32
      %dma_start3A_1022 = arith.constant 1 : i32
      %dma_start3A_1023 = arith.constant 0 : i32
      %dma_start3A_1024 = arith.constant 0 : i32
      %dma_start3A_1025 = arith.constant 0 : i32
      %dma_start3A_1026 = tpu.memref_slice %arg6[%dma_start3A_1021, %dma_start3A_1023, %dma_start3A_1024, %dma_start3A_1025] : memref<3x2x3x120xi32, #tpu.memory_space<vmem>> -> memref<1x2x3x120xi32, #tpu.memory_space<vmem>>
      %dma_start3A_1027 = tpu.memref_squeeze %dma_start3A_1026 : memref<1x2x3x120xi32, #tpu.memory_space<vmem>> -> memref<2x3x120xi32, #tpu.memory_space<vmem>>
      %dma_start3A_1028 = arith.constant 0 : i32
      %dma_start3A_1029 = arith.constant 0 : i32
      %dma_start3A_1030 = arith.constant 0 : i32
      %dma_start3A_1031 = tpu.memref_slice %arg3[%add3A, %add3A_1020, %dma_start3A_1028, %dma_start3A_1029, %dma_start3A_1030] : memref<32x56x2x3x120xi32, #tpu.memory_space<hbm>> -> memref<1x1x2x3x120xi32, #tpu.memory_space<hbm>>
      %dma_start3A_1032 = tpu.memref_squeeze %dma_start3A_1031 : memref<1x1x2x3x120xi32, #tpu.memory_space<hbm>> -> memref<2x3x120xi32, #tpu.memory_space<hbm>>
      %dma_start3A_1033 = tpu.memref_slice %arg9[%dma_start3A_1022] : memref<3x!tpu.dma_semaphore, #tpu.memory_space<semaphore_mem>> -> memref<1x!tpu.dma_semaphore, #tpu.memory_space<semaphore_mem>>
      %dma_start3A_1034 = tpu.memref_squeeze %dma_start3A_1033 : memref<1x!tpu.dma_semaphore, #tpu.memory_space<semaphore_mem>> -> memref<!tpu.dma_semaphore, #tpu.memory_space<semaphore_mem>>
      %dma_start3A_1035 = arith.constant 0 : i32
      %dma_start3A_1036 = arith.constant 0 : i32
      %dma_start3A_1037 = arith.constant 0 : i32
      %dma_start3A_1038 = tpu.memref_slice %arg6[%dma_start3A_1021, %dma_start3A_1035, %dma_start3A_1036, %dma_start3A_1037] : memref<3x2x3x120xi32, #tpu.memory_space<vmem>> -> memref<1x2x3x120xi32, #tpu.memory_space<vmem>>
      %dma_start3A_1039 = tpu.memref_squeeze %dma_start3A_1038 : memref<1x2x3x120xi32, #tpu.memory_space<vmem>> -> memref<2x3x120xi32, #tpu.memory_space<vmem>>
      %dma_start3A_1040 = arith.constant 0 : i32
      %dma_start3A_1041 = arith.constant 0 : i32
      %dma_start3A_1042 = arith.constant 0 : i32
      %dma_start3A_1043 = tpu.memref_slice %arg3[%add3A, %add3A_1020, %dma_start3A_1040, %dma_start3A_1041, %dma_start3A_1042] : memref<32x56x2x3x120xi32, #tpu.memory_space<hbm>> -> memref<1x1x2x3x120xi32, #tpu.memory_space<hbm>>
      %dma_start3A_1044 = tpu.memref_squeeze %dma_start3A_1043 : memref<1x1x2x3x120xi32, #tpu.memory_space<hbm>> -> memref<2x3x120xi32, #tpu.memory_space<hbm>>
      tpu.enqueue_dma source(%dma_start3A_1044 : memref<2x3x120xi32, #tpu.memory_space<hbm>>) target(%dma_start3A_1039 : memref<2x3x120xi32, #tpu.memory_space<vmem>>) target_semaphore(%dma_start3A_1034 : memref<!tpu.dma_semaphore, #tpu.memory_space<semaphore_mem>>)
      %dma_wait3A_1045 = arith.constant 2 : i32
      %dma_wait3A_1046 = arith.constant 2 : i32
      %dma_wait3A_1047 = arith.constant 0 : i32
      %dma_wait3A_1048 = arith.constant 0 : i32
      %dma_wait3A_1049 = tpu.memref_slice %arg7[%dma_wait3A_1045, %dma_wait3A_1047, %dma_wait3A_1048] : memref<3x120x128xf32, #tpu.memory_space<vmem>> -> memref<1x120x128xf32, #tpu.memory_space<vmem>>
      %dma_wait3A_1050 = tpu.memref_squeeze %dma_wait3A_1049 : memref<1x120x128xf32, #tpu.memory_space<vmem>> -> memref<120x128xf32, #tpu.memory_space<vmem>>
      %dma_wait3A_1051 = arith.constant 0 : i32
      %dma_wait3A_1052 = arith.constant 0 : i32
      %dma_wait3A_1053 = tpu.memref_slice %arg2[%dma_wait3A_1051, %dma_wait3A_1052] : memref<10240x128xf32, #tpu.memory_space<hbm>> -> memref<120x128xf32, #tpu.memory_space<hbm>>
      %dma_wait3A_1054 = tpu.memref_slice %arg11[%dma_wait3A_1046] : memref<3x!tpu.dma_semaphore, #tpu.memory_space<semaphore_mem>> -> memref<1x!tpu.dma_semaphore, #tpu.memory_space<semaphore_mem>>
      %dma_wait3A_1055 = tpu.memref_squeeze %dma_wait3A_1054 : memref<1x!tpu.dma_semaphore, #tpu.memory_space<semaphore_mem>> -> memref<!tpu.dma_semaphore, #tpu.memory_space<semaphore_mem>>
      %dma_wait3A_1056 = arith.constant 0 : i32
      %dma_wait3A_1057 = arith.constant 0 : i32
      %dma_wait3A_1058 = tpu.memref_slice %arg7[%dma_wait3A_1045, %dma_wait3A_1056, %dma_wait3A_1057] : memref<3x120x128xf32, #tpu.memory_space<vmem>> -> memref<1x120x128xf32, #tpu.memory_space<vmem>>
      %dma_wait3A_1059 = tpu.memref_squeeze %dma_wait3A_1058 : memref<1x120x128xf32, #tpu.memory_space<vmem>> -> memref<120x128xf32, #tpu.memory_space<vmem>>
      %dma_wait3A_1060 = arith.constant 0 : i32
      %dma_wait3A_1061 = arith.constant 0 : i32
      %dma_wait3A_1062 = tpu.memref_slice %arg2[%dma_wait3A_1060, %dma_wait3A_1061] : memref<10240x128xf32, #tpu.memory_space<hbm>> -> memref<120x128xf32, #tpu.memory_space<hbm>>
      tpu.wait_dma2 semaphore(%dma_wait3A_1055 : memref<!tpu.dma_semaphore, #tpu.memory_space<semaphore_mem>>) src(%dma_wait3A_1062 : memref<120x128xf32, #tpu.memory_space<hbm>>) dst(%dma_wait3A_1059 : memref<120x128xf32, #tpu.memory_space<vmem>>)
      %dma_start3A_1063 = arith.constant 0 : i32
      %dma_start3A_1064 = arith.constant 0 : i32
      %dma_start3A_1065 = arith.constant 2 : i32
      %dma_start3A_1066 = arith.constant 2 : i32
      %dma_start3A_1067 = arith.constant 2 : i32
      %dma_start3A_1068 = arith.constant 0 : i32
      %dma_start3A_1069 = arith.constant 0 : i32
      %dma_start3A_1070 = tpu.memref_slice %arg7[%dma_start3A_1066, %dma_start3A_1068, %dma_start3A_1069] : memref<3x120x128xf32, #tpu.memory_space<vmem>> -> memref<1x120x128xf32, #tpu.memory_space<vmem>>
      %dma_start3A_1071 = tpu.memref_squeeze %dma_start3A_1070 : memref<1x120x128xf32, #tpu.memory_space<vmem>> -> memref<120x128xf32, #tpu.memory_space<vmem>>
      %dma_start3A_1072 = arith.constant 0 : i32
      %dma_start3A_1073 = tpu.memref_slice %arg6[%dma_start3A_1063, %dma_start3A_1064, %dma_start3A_1065, %dma_start3A_1072] : memref<3x2x3x120xi32, #tpu.memory_space<vmem>> -> memref<1x1x1x120xi32, #tpu.memory_space<vmem>>
      %dma_start3A_1074 = tpu.memref_squeeze %dma_start3A_1073 : memref<1x1x1x120xi32, #tpu.memory_space<vmem>> -> memref<120xi32, #tpu.memory_space<vmem>>
      %dma_start3A_1075 = arith.constant 0 : i32
      %dma_start3A_1076 = arith.constant 0 : i32
      %dma_start3A_1077 = tpu.memref_slice %arg2[%dma_start3A_1075, %dma_start3A_1076] : memref<10240x128xf32, #tpu.memory_space<hbm>> -> memref<10240x128xf32, #tpu.memory_space<hbm>>
      %dma_start3A_1078 = tpu.memref_slice %arg10[%dma_start3A_1067] : memref<3x!tpu.dma_semaphore, #tpu.memory_space<semaphore_mem>> -> memref<1x!tpu.dma_semaphore, #tpu.memory_space<semaphore_mem>>
      %dma_start3A_1079 = tpu.memref_squeeze %dma_start3A_1078 : memref<1x!tpu.dma_semaphore, #tpu.memory_space<semaphore_mem>> -> memref<!tpu.dma_semaphore, #tpu.memory_space<semaphore_mem>>
      tpu.enqueue_indirect_dma source(%dma_start3A_1077 : memref<10240x128xf32, #tpu.memory_space<hbm>>) target(%dma_start3A_1071 : memref<120x128xf32, #tpu.memory_space<vmem>>) offsets(%dma_start3A_1074 : memref<120xi32, #tpu.memory_space<vmem>>) semaphore(%dma_start3A_1079 : memref<!tpu.dma_semaphore, #tpu.memory_space<semaphore_mem>>)
      %dma_wait3A_1080 = arith.constant 0 : i32
      %dma_wait3A_1081 = arith.constant 0 : i32
      %dma_wait3A_1082 = arith.constant 0 : i32
      %dma_wait3A_1083 = arith.constant 0 : i32
      %dma_wait3A_1084 = tpu.memref_slice %arg7[%dma_wait3A_1080, %dma_wait3A_1082, %dma_wait3A_1083] : memref<3x120x128xf32, #tpu.memory_space<vmem>> -> memref<1x120x128xf32, #tpu.memory_space<vmem>>
      %dma_wait3A_1085 = tpu.memref_squeeze %dma_wait3A_1084 : memref<1x120x128xf32, #tpu.memory_space<vmem>> -> memref<120x128xf32, #tpu.memory_space<vmem>>
      %dma_wait3A_1086 = arith.constant 0 : i32
      %dma_wait3A_1087 = arith.constant 0 : i32
      %dma_wait3A_1088 = tpu.memref_slice %arg2[%dma_wait3A_1086, %dma_wait3A_1087] : memref<10240x128xf32, #tpu.memory_space<hbm>> -> memref<120x128xf32, #tpu.memory_space<hbm>>
      %dma_wait3A_1089 = tpu.memref_slice %arg10[%dma_wait3A_1081] : memref<3x!tpu.dma_semaphore, #tpu.memory_space<semaphore_mem>> -> memref<1x!tpu.dma_semaphore, #tpu.memory_space<semaphore_mem>>
      %dma_wait3A_1090 = tpu.memref_squeeze %dma_wait3A_1089 : memref<1x!tpu.dma_semaphore, #tpu.memory_space<semaphore_mem>> -> memref<!tpu.dma_semaphore, #tpu.memory_space<semaphore_mem>>
      %dma_wait3A_1091 = arith.constant 0 : i32
      %dma_wait3A_1092 = arith.constant 0 : i32
      %dma_wait3A_1093 = tpu.memref_slice %arg7[%dma_wait3A_1080, %dma_wait3A_1091, %dma_wait3A_1092] : memref<3x120x128xf32, #tpu.memory_space<vmem>> -> memref<1x120x128xf32, #tpu.memory_space<vmem>>
      %dma_wait3A_1094 = tpu.memref_squeeze %dma_wait3A_1093 : memref<1x120x128xf32, #tpu.memory_space<vmem>> -> memref<120x128xf32, #tpu.memory_space<vmem>>
      %dma_wait3A_1095 = arith.constant 0 : i32
      %dma_wait3A_1096 = arith.constant 0 : i32
      %dma_wait3A_1097 = tpu.memref_slice %arg2[%dma_wait3A_1095, %dma_wait3A_1096] : memref<10240x128xf32, #tpu.memory_space<hbm>> -> memref<120x128xf32, #tpu.memory_space<hbm>>
      tpu.wait_dma2 semaphore(%dma_wait3A_1090 : memref<!tpu.dma_semaphore, #tpu.memory_space<semaphore_mem>>) src(%dma_wait3A_1097 : memref<120x128xf32, #tpu.memory_space<hbm>>) dst(%dma_wait3A_1094 : memref<120x128xf32, #tpu.memory_space<vmem>>)
      %dma_start3A_1098 = arith.constant 0 : i32
      %dma_start3A_1099 = arith.constant 0 : i32
      %dma_start3A_1100 = arith.constant 1 : i32
      %dma_start3A_1101 = arith.constant 0 : i32
      %dma_start3A_1102 = arith.constant 0 : i32
      %dma_start3A_1103 = arith.constant 0 : i32
      %dma_start3A_1104 = arith.constant 0 : i32
      %dma_start3A_1105 = tpu.memref_slice %arg7[%dma_start3A_1098, %dma_start3A_1103, %dma_start3A_1104] : memref<3x120x128xf32, #tpu.memory_space<vmem>> -> memref<1x120x128xf32, #tpu.memory_space<vmem>>
      %dma_start3A_1106 = tpu.memref_squeeze %dma_start3A_1105 : memref<1x120x128xf32, #tpu.memory_space<vmem>> -> memref<120x128xf32, #tpu.memory_space<vmem>>
      %dma_start3A_1107 = arith.constant 0 : i32
      %dma_start3A_1108 = tpu.memref_slice %arg6[%dma_start3A_1099, %dma_start3A_1100, %dma_start3A_1101, %dma_start3A_1107] : memref<3x2x3x120xi32, #tpu.memory_space<vmem>> -> memref<1x1x1x120xi32, #tpu.memory_space<vmem>>
      %dma_start3A_1109 = tpu.memref_squeeze %dma_start3A_1108 : memref<1x1x1x120xi32, #tpu.memory_space<vmem>> -> memref<120xi32, #tpu.memory_space<vmem>>
      %dma_start3A_1110 = arith.constant 0 : i32
      %dma_start3A_1111 = arith.constant 0 : i32
      %dma_start3A_1112 = tpu.memref_slice %arg8[%dma_start3A_1110, %dma_start3A_1111] : memref<10240x128xf32, #tpu.memory_space<vmem_shared>> -> memref<10240x128xf32, #tpu.memory_space<vmem_shared>>
      %dma_start3A_1113 = tpu.memref_slice %arg11[%dma_start3A_1102] : memref<3x!tpu.dma_semaphore, #tpu.memory_space<semaphore_mem>> -> memref<1x!tpu.dma_semaphore, #tpu.memory_space<semaphore_mem>>
      %dma_start3A_1114 = tpu.memref_squeeze %dma_start3A_1113 : memref<1x!tpu.dma_semaphore, #tpu.memory_space<semaphore_mem>> -> memref<!tpu.dma_semaphore, #tpu.memory_space<semaphore_mem>>
      tpu.enqueue_indirect_dma source(%dma_start3A_1106 : memref<120x128xf32, #tpu.memory_space<vmem>>) target(%dma_start3A_1112 : memref<10240x128xf32, #tpu.memory_space<vmem_shared>>) offsets(%dma_start3A_1109 : memref<120xi32, #tpu.memory_space<vmem>>) semaphore(%dma_start3A_1114 : memref<!tpu.dma_semaphore, #tpu.memory_space<semaphore_mem>>) {add = true}
      %dma_wait3A_1115 = arith.constant 0 : i32
      %dma_wait3A_1116 = arith.constant 0 : i32
      %dma_wait3A_1117 = arith.constant 1 : i32
      %dma_wait3A_1118 = arith.constant 1 : i32
      %dma_wait3A_1119 = arith.constant 0 : i32
      %dma_wait3A_1120 = arith.constant 0 : i32
      %dma_wait3A_1121 = arith.constant 0 : i32
      %dma_wait3A_1122 = tpu.memref_slice %arg6[%dma_wait3A_1117, %dma_wait3A_1119, %dma_wait3A_1120, %dma_wait3A_1121] : memref<3x2x3x120xi32, #tpu.memory_space<vmem>> -> memref<1x2x3x120xi32, #tpu.memory_space<vmem>>
      %dma_wait3A_1123 = tpu.memref_squeeze %dma_wait3A_1122 : memref<1x2x3x120xi32, #tpu.memory_space<vmem>> -> memref<2x3x120xi32, #tpu.memory_space<vmem>>
      %dma_wait3A_1124 = arith.constant 0 : i32
      %dma_wait3A_1125 = arith.constant 0 : i32
      %dma_wait3A_1126 = arith.constant 0 : i32
      %dma_wait3A_1127 = tpu.memref_slice %arg3[%dma_wait3A_1115, %dma_wait3A_1116, %dma_wait3A_1124, %dma_wait3A_1125, %dma_wait3A_1126] : memref<32x56x2x3x120xi32, #tpu.memory_space<hbm>> -> memref<1x1x2x3x120xi32, #tpu.memory_space<hbm>>
      %dma_wait3A_1128 = tpu.memref_squeeze %dma_wait3A_1127 : memref<1x1x2x3x120xi32, #tpu.memory_space<hbm>> -> memref<2x3x120xi32, #tpu.memory_space<hbm>>
      %dma_wait3A_1129 = tpu.memref_slice %arg9[%dma_wait3A_1118] : memref<3x!tpu.dma_semaphore, #tpu.memory_space<semaphore_mem>> -> memref<1x!tpu.dma_semaphore, #tpu.memory_space<semaphore_mem>>
      %dma_wait3A_1130 = tpu.memref_squeeze %dma_wait3A_1129 : memref<1x!tpu.dma_semaphore, #tpu.memory_space<semaphore_mem>> -> memref<!tpu.dma_semaphore, #tpu.memory_space<semaphore_mem>>
      %dma_wait3A_1131 = arith.constant 0 : i32
      %dma_wait3A_1132 = arith.constant 0 : i32
      %dma_wait3A_1133 = arith.constant 0 : i32
      %dma_wait3A_1134 = tpu.memref_slice %arg6[%dma_wait3A_1117, %dma_wait3A_1131, %dma_wait3A_1132, %dma_wait3A_1133] : memref<3x2x3x120xi32, #tpu.memory_space<vmem>> -> memref<1x2x3x120xi32, #tpu.memory_space<vmem>>
      %dma_wait3A_1135 = tpu.memref_squeeze %dma_wait3A_1134 : memref<1x2x3x120xi32, #tpu.memory_space<vmem>> -> memref<2x3x120xi32, #tpu.memory_space<vmem>>
      %dma_wait3A_1136 = arith.constant 0 : i32
      %dma_wait3A_1137 = arith.constant 0 : i32
      %dma_wait3A_1138 = arith.constant 0 : i32
      %dma_wait3A_1139 = tpu.memref_slice %arg3[%dma_wait3A_1115, %dma_wait3A_1116, %dma_wait3A_1136, %dma_wait3A_1137, %dma_wait3A_1138] : memref<32x56x2x3x120xi32, #tpu.memory_space<hbm>> -> memref<1x1x2x3x120xi32, #tpu.memory_space<hbm>>
      %dma_wait3A_1140 = tpu.memref_squeeze %dma_wait3A_1139 : memref<1x1x2x3x120xi32, #tpu.memory_space<hbm>> -> memref<2x3x120xi32, #tpu.memory_space<hbm>>
      tpu.wait_dma2 semaphore(%dma_wait3A_1130 : memref<!tpu.dma_semaphore, #tpu.memory_space<semaphore_mem>>) src(%dma_wait3A_1140 : memref<2x3x120xi32, #tpu.memory_space<hbm>>) dst(%dma_wait3A_1135 : memref<2x3x120xi32, #tpu.memory_space<vmem>>)
      %dma_wait3A_1141 = arith.constant 0 : i32
      %dma_wait3A_1142 = arith.constant 0 : i32
      %dma_wait3A_1143 = arith.constant 0 : i32
      %dma_wait3A_1144 = arith.constant 0 : i32
      %dma_wait3A_1145 = tpu.memref_slice %arg7[%dma_wait3A_1141, %dma_wait3A_1143, %dma_wait3A_1144] : memref<3x120x128xf32, #tpu.memory_space<vmem>> -> memref<1x120x128xf32, #tpu.memory_space<vmem>>
      %dma_wait3A_1146 = tpu.memref_squeeze %dma_wait3A_1145 : memref<1x120x128xf32, #tpu.memory_space<vmem>> -> memref<120x128xf32, #tpu.memory_space<vmem>>
      %dma_wait3A_1147 = arith.constant 0 : i32
      %dma_wait3A_1148 = arith.constant 0 : i32
      %dma_wait3A_1149 = tpu.memref_slice %arg2[%dma_wait3A_1147, %dma_wait3A_1148] : memref<10240x128xf32, #tpu.memory_space<hbm>> -> memref<120x128xf32, #tpu.memory_space<hbm>>
      %dma_wait3A_1150 = tpu.memref_slice %arg11[%dma_wait3A_1142] : memref<3x!tpu.dma_semaphore, #tpu.memory_space<semaphore_mem>> -> memref<1x!tpu.dma_semaphore, #tpu.memory_space<semaphore_mem>>
      %dma_wait3A_1151 = tpu.memref_squeeze %dma_wait3A_1150 : memref<1x!tpu.dma_semaphore, #tpu.memory_space<semaphore_mem>> -> memref<!tpu.dma_semaphore, #tpu.memory_space<semaphore_mem>>
      %dma_wait3A_1152 = arith.constant 0 : i32
      %dma_wait3A_1153 = arith.constant 0 : i32
      %dma_wait3A_1154 = tpu.memref_slice %arg7[%dma_wait3A_1141, %dma_wait3A_1152, %dma_wait3A_1153] : memref<3x120x128xf32, #tpu.memory_space<vmem>> -> memref<1x120x128xf32, #tpu.memory_space<vmem>>
      %dma_wait3A_1155 = tpu.memref_squeeze %dma_wait3A_1154 : memref<1x120x128xf32, #tpu.memory_space<vmem>> -> memref<120x128xf32, #tpu.memory_space<vmem>>
      %dma_wait3A_1156 = arith.constant 0 : i32
      %dma_wait3A_1157 = arith.constant 0 : i32
      %dma_wait3A_1158 = tpu.memref_slice %arg2[%dma_wait3A_1156, %dma_wait3A_1157] : memref<10240x128xf32, #tpu.memory_space<hbm>> -> memref<120x128xf32, #tpu.memory_space<hbm>>
      tpu.wait_dma2 semaphore(%dma_wait3A_1151 : memref<!tpu.dma_semaphore, #tpu.memory_space<semaphore_mem>>) src(%dma_wait3A_1158 : memref<120x128xf32, #tpu.memory_space<hbm>>) dst(%dma_wait3A_1155 : memref<120x128xf32, #tpu.memory_space<vmem>>)
      %dma_start3A_1159 = arith.constant 1 : i32
      %dma_start3A_1160 = arith.constant 0 : i32
      %dma_start3A_1161 = arith.constant 0 : i32
      %dma_start3A_1162 = arith.constant 0 : i32
      %dma_start3A_1163 = arith.constant 0 : i32
      %dma_start3A_1164 = arith.constant 0 : i32
      %dma_start3A_1165 = arith.constant 0 : i32
      %dma_start3A_1166 = tpu.memref_slice %arg7[%dma_start3A_1162, %dma_start3A_1164, %dma_start3A_1165] : memref<3x120x128xf32, #tpu.memory_space<vmem>> -> memref<1x120x128xf32, #tpu.memory_space<vmem>>
      %dma_start3A_1167 = tpu.memref_squeeze %dma_start3A_1166 : memref<1x120x128xf32, #tpu.memory_space<vmem>> -> memref<120x128xf32, #tpu.memory_space<vmem>>
      %dma_start3A_1168 = arith.constant 0 : i32
      %dma_start3A_1169 = tpu.memref_slice %arg6[%dma_start3A_1159, %dma_start3A_1160, %dma_start3A_1161, %dma_start3A_1168] : memref<3x2x3x120xi32, #tpu.memory_space<vmem>> -> memref<1x1x1x120xi32, #tpu.memory_space<vmem>>
      %dma_start3A_1170 = tpu.memref_squeeze %dma_start3A_1169 : memref<1x1x1x120xi32, #tpu.memory_space<vmem>> -> memref<120xi32, #tpu.memory_space<vmem>>
      %dma_start3A_1171 = arith.constant 0 : i32
      %dma_start3A_1172 = arith.constant 0 : i32
      %dma_start3A_1173 = tpu.memref_slice %arg2[%dma_start3A_1171, %dma_start3A_1172] : memref<10240x128xf32, #tpu.memory_space<hbm>> -> memref<10240x128xf32, #tpu.memory_space<hbm>>
      %dma_start3A_1174 = tpu.memref_slice %arg10[%dma_start3A_1163] : memref<3x!tpu.dma_semaphore, #tpu.memory_space<semaphore_mem>> -> memref<1x!tpu.dma_semaphore, #tpu.memory_space<semaphore_mem>>
      %dma_start3A_1175 = tpu.memref_squeeze %dma_start3A_1174 : memref<1x!tpu.dma_semaphore, #tpu.memory_space<semaphore_mem>> -> memref<!tpu.dma_semaphore, #tpu.memory_space<semaphore_mem>>
      tpu.enqueue_indirect_dma source(%dma_start3A_1173 : memref<10240x128xf32, #tpu.memory_space<hbm>>) target(%dma_start3A_1167 : memref<120x128xf32, #tpu.memory_space<vmem>>) offsets(%dma_start3A_1170 : memref<120xi32, #tpu.memory_space<vmem>>) semaphore(%dma_start3A_1175 : memref<!tpu.dma_semaphore, #tpu.memory_space<semaphore_mem>>)
      %dma_wait3A_1176 = arith.constant 1 : i32
      %dma_wait3A_1177 = arith.constant 1 : i32
      %dma_wait3A_1178 = arith.constant 0 : i32
      %dma_wait3A_1179 = arith.constant 0 : i32
      %dma_wait3A_1180 = tpu.memref_slice %arg7[%dma_wait3A_1176, %dma_wait3A_1178, %dma_wait3A_1179] : memref<3x120x128xf32, #tpu.memory_space<vmem>> -> memref<1x120x128xf32, #tpu.memory_space<vmem>>
      %dma_wait3A_1181 = tpu.memref_squeeze %dma_wait3A_1180 : memref<1x120x128xf32, #tpu.memory_space<vmem>> -> memref<120x128xf32, #tpu.memory_space<vmem>>
      %dma_wait3A_1182 = arith.constant 0 : i32
      %dma_wait3A_1183 = arith.constant 0 : i32
      %dma_wait3A_1184 = tpu.memref_slice %arg2[%dma_wait3A_1182, %dma_wait3A_1183] : memref<10240x128xf32, #tpu.memory_space<hbm>> -> memref<120x128xf32, #tpu.memory_space<hbm>>
      %dma_wait3A_1185 = tpu.memref_slice %arg10[%dma_wait3A_1177] : memref<3x!tpu.dma_semaphore, #tpu.memory_space<semaphore_mem>> -> memref<1x!tpu.dma_semaphore, #tpu.memory_space<semaphore_mem>>
      %dma_wait3A_1186 = tpu.memref_squeeze %dma_wait3A_1185 : memref<1x!tpu.dma_semaphore, #tpu.memory_space<semaphore_mem>> -> memref<!tpu.dma_semaphore, #tpu.memory_space<semaphore_mem>>
      %dma_wait3A_1187 = arith.constant 0 : i32
      %dma_wait3A_1188 = arith.constant 0 : i32
      %dma_wait3A_1189 = tpu.memref_slice %arg7[%dma_wait3A_1176, %dma_wait3A_1187, %dma_wait3A_1188] : memref<3x120x128xf32, #tpu.memory_space<vmem>> -> memref<1x120x128xf32, #tpu.memory_space<vmem>>
      %dma_wait3A_1190 = tpu.memref_squeeze %dma_wait3A_1189 : memref<1x120x128xf32, #tpu.memory_space<vmem>> -> memref<120x128xf32, #tpu.memory_space<vmem>>
      %dma_wait3A_1191 = arith.constant 0 : i32
      %dma_wait3A_1192 = arith.constant 0 : i32
      %dma_wait3A_1193 = tpu.memref_slice %arg2[%dma_wait3A_1191, %dma_wait3A_1192] : memref<10240x128xf32, #tpu.memory_space<hbm>> -> memref<120x128xf32, #tpu.memory_space<hbm>>
      tpu.wait_dma2 semaphore(%dma_wait3A_1186 : memref<!tpu.dma_semaphore, #tpu.memory_space<semaphore_mem>>) src(%dma_wait3A_1193 : memref<120x128xf32, #tpu.memory_space<hbm>>) dst(%dma_wait3A_1190 : memref<120x128xf32, #tpu.memory_space<vmem>>)
      %dma_start3A_1194 = arith.constant 1 : i32
      %dma_start3A_1195 = arith.constant 0 : i32
      %dma_start3A_1196 = arith.constant 1 : i32
      %dma_start3A_1197 = arith.constant 1 : i32
      %dma_start3A_1198 = arith.constant 1 : i32
      %dma_start3A_1199 = arith.constant 0 : i32
      %dma_start3A_1200 = arith.constant 0 : i32
      %dma_start3A_1201 = tpu.memref_slice %arg7[%dma_start3A_1194, %dma_start3A_1199, %dma_start3A_1200] : memref<3x120x128xf32, #tpu.memory_space<vmem>> -> memref<1x120x128xf32, #tpu.memory_space<vmem>>
      %dma_start3A_1202 = tpu.memref_squeeze %dma_start3A_1201 : memref<1x120x128xf32, #tpu.memory_space<vmem>> -> memref<120x128xf32, #tpu.memory_space<vmem>>
      %dma_start3A_1203 = arith.constant 0 : i32
      %dma_start3A_1204 = tpu.memref_slice %arg6[%dma_start3A_1195, %dma_start3A_1196, %dma_start3A_1197, %dma_start3A_1203] : memref<3x2x3x120xi32, #tpu.memory_space<vmem>> -> memref<1x1x1x120xi32, #tpu.memory_space<vmem>>
      %dma_start3A_1205 = tpu.memref_squeeze %dma_start3A_1204 : memref<1x1x1x120xi32, #tpu.memory_space<vmem>> -> memref<120xi32, #tpu.memory_space<vmem>>
      %dma_start3A_1206 = arith.constant 0 : i32
      %dma_start3A_1207 = arith.constant 0 : i32
      %dma_start3A_1208 = tpu.memref_slice %arg8[%dma_start3A_1206, %dma_start3A_1207] : memref<10240x128xf32, #tpu.memory_space<vmem_shared>> -> memref<10240x128xf32, #tpu.memory_space<vmem_shared>>
      %dma_start3A_1209 = tpu.memref_slice %arg11[%dma_start3A_1198] : memref<3x!tpu.dma_semaphore, #tpu.memory_space<semaphore_mem>> -> memref<1x!tpu.dma_semaphore, #tpu.memory_space<semaphore_mem>>
      %dma_start3A_1210 = tpu.memref_squeeze %dma_start3A_1209 : memref<1x!tpu.dma_semaphore, #tpu.memory_space<semaphore_mem>> -> memref<!tpu.dma_semaphore, #tpu.memory_space<semaphore_mem>>
      tpu.enqueue_indirect_dma source(%dma_start3A_1202 : memref<120x128xf32, #tpu.memory_space<vmem>>) target(%dma_start3A_1208 : memref<10240x128xf32, #tpu.memory_space<vmem_shared>>) offsets(%dma_start3A_1205 : memref<120xi32, #tpu.memory_space<vmem>>) semaphore(%dma_start3A_1210 : memref<!tpu.dma_semaphore, #tpu.memory_space<semaphore_mem>>) {add = true}
      %dma_wait3A_1211 = arith.constant 1 : i32
      %dma_wait3A_1212 = arith.constant 1 : i32
      %dma_wait3A_1213 = arith.constant 0 : i32
      %dma_wait3A_1214 = arith.constant 0 : i32
      %dma_wait3A_1215 = tpu.memref_slice %arg7[%dma_wait3A_1211, %dma_wait3A_1213, %dma_wait3A_1214] : memref<3x120x128xf32, #tpu.memory_space<vmem>> -> memref<1x120x128xf32, #tpu.memory_space<vmem>>
      %dma_wait3A_1216 = tpu.memref_squeeze %dma_wait3A_1215 : memref<1x120x128xf32, #tpu.memory_space<vmem>> -> memref<120x128xf32, #tpu.memory_space<vmem>>
      %dma_wait3A_1217 = arith.constant 0 : i32
      %dma_wait3A_1218 = arith.constant 0 : i32
      %dma_wait3A_1219 = tpu.memref_slice %arg2[%dma_wait3A_1217, %dma_wait3A_1218] : memref<10240x128xf32, #tpu.memory_space<hbm>> -> memref<120x128xf32, #tpu.memory_space<hbm>>
      %dma_wait3A_1220 = tpu.memref_slice %arg11[%dma_wait3A_1212] : memref<3x!tpu.dma_semaphore, #tpu.memory_space<semaphore_mem>> -> memref<1x!tpu.dma_semaphore, #tpu.memory_space<semaphore_mem>>
      %dma_wait3A_1221 = tpu.memref_squeeze %dma_wait3A_1220 : memref<1x!tpu.dma_semaphore, #tpu.memory_space<semaphore_mem>> -> memref<!tpu.dma_semaphore, #tpu.memory_space<semaphore_mem>>
      %dma_wait3A_1222 = arith.constant 0 : i32
      %dma_wait3A_1223 = arith.constant 0 : i32
      %dma_wait3A_1224 = tpu.memref_slice %arg7[%dma_wait3A_1211, %dma_wait3A_1222, %dma_wait3A_1223] : memref<3x120x128xf32, #tpu.memory_space<vmem>> -> memref<1x120x128xf32, #tpu.memory_space<vmem>>
      %dma_wait3A_1225 = tpu.memref_squeeze %dma_wait3A_1224 : memref<1x120x128xf32, #tpu.memory_space<vmem>> -> memref<120x128xf32, #tpu.memory_space<vmem>>
      %dma_wait3A_1226 = arith.constant 0 : i32
      %dma_wait3A_1227 = arith.constant 0 : i32
      %dma_wait3A_1228 = tpu.memref_slice %arg2[%dma_wait3A_1226, %dma_wait3A_1227] : memref<10240x128xf32, #tpu.memory_space<hbm>> -> memref<120x128xf32, #tpu.memory_space<hbm>>
      tpu.wait_dma2 semaphore(%dma_wait3A_1221 : memref<!tpu.dma_semaphore, #tpu.memory_space<semaphore_mem>>) src(%dma_wait3A_1228 : memref<120x128xf32, #tpu.memory_space<hbm>>) dst(%dma_wait3A_1225 : memref<120x128xf32, #tpu.memory_space<vmem>>)
      %dma_start3A_1229 = arith.constant 1 : i32
      %dma_start3A_1230 = arith.constant 0 : i32
      %dma_start3A_1231 = arith.constant 1 : i32
      %dma_start3A_1232 = arith.constant 1 : i32
      %dma_start3A_1233 = arith.constant 1 : i32
      %dma_start3A_1234 = arith.constant 0 : i32
      %dma_start3A_1235 = arith.constant 0 : i32
      %dma_start3A_1236 = tpu.memref_slice %arg7[%dma_start3A_1232, %dma_start3A_1234, %dma_start3A_1235] : memref<3x120x128xf32, #tpu.memory_space<vmem>> -> memref<1x120x128xf32, #tpu.memory_space<vmem>>
      %dma_start3A_1237 = tpu.memref_squeeze %dma_start3A_1236 : memref<1x120x128xf32, #tpu.memory_space<vmem>> -> memref<120x128xf32, #tpu.memory_space<vmem>>
      %dma_start3A_1238 = arith.constant 0 : i32
      %dma_start3A_1239 = tpu.memref_slice %arg6[%dma_start3A_1229, %dma_start3A_1230, %dma_start3A_1231, %dma_start3A_1238] : memref<3x2x3x120xi32, #tpu.memory_space<vmem>> -> memref<1x1x1x120xi32, #tpu.memory_space<vmem>>
      %dma_start3A_1240 = tpu.memref_squeeze %dma_start3A_1239 : memref<1x1x1x120xi32, #tpu.memory_space<vmem>> -> memref<120xi32, #tpu.memory_space<vmem>>
      %dma_start3A_1241 = arith.constant 0 : i32
      %dma_start3A_1242 = arith.constant 0 : i32
      %dma_start3A_1243 = tpu.memref_slice %arg2[%dma_start3A_1241, %dma_start3A_1242] : memref<10240x128xf32, #tpu.memory_space<hbm>> -> memref<10240x128xf32, #tpu.memory_space<hbm>>
      %dma_start3A_1244 = tpu.memref_slice %arg10[%dma_start3A_1233] : memref<3x!tpu.dma_semaphore, #tpu.memory_space<semaphore_mem>> -> memref<1x!tpu.dma_semaphore, #tpu.memory_space<semaphore_mem>>
      %dma_start3A_1245 = tpu.memref_squeeze %dma_start3A_1244 : memref<1x!tpu.dma_semaphore, #tpu.memory_space<semaphore_mem>> -> memref<!tpu.dma_semaphore, #tpu.memory_space<semaphore_mem>>
      tpu.enqueue_indirect_dma source(%dma_start3A_1243 : memref<10240x128xf32, #tpu.memory_space<hbm>>) target(%dma_start3A_1237 : memref<120x128xf32, #tpu.memory_space<vmem>>) offsets(%dma_start3A_1240 : memref<120xi32, #tpu.memory_space<vmem>>) semaphore(%dma_start3A_1245 : memref<!tpu.dma_semaphore, #tpu.memory_space<semaphore_mem>>)
      %dma_wait3A_1246 = arith.constant 2 : i32
      %dma_wait3A_1247 = arith.constant 2 : i32
      %dma_wait3A_1248 = arith.constant 0 : i32
      %dma_wait3A_1249 = arith.constant 0 : i32
      %dma_wait3A_1250 = tpu.memref_slice %arg7[%dma_wait3A_1246, %dma_wait3A_1248, %dma_wait3A_1249] : memref<3x120x128xf32, #tpu.memory_space<vmem>> -> memref<1x120x128xf32, #tpu.memory_space<vmem>>
      %dma_wait3A_1251 = tpu.memref_squeeze %dma_wait3A_1250 : memref<1x120x128xf32, #tpu.memory_space<vmem>> -> memref<120x128xf32, #tpu.memory_space<vmem>>
      %dma_wait3A_1252 = arith.constant 0 : i32
      %dma_wait3A_1253 = arith.constant 0 : i32
      %dma_wait3A_1254 = tpu.memref_slice %arg2[%dma_wait3A_1252, %dma_wait3A_1253] : memref<10240x128xf32, #tpu.memory_space<hbm>> -> memref<120x128xf32, #tpu.memory_space<hbm>>
      %dma_wait3A_1255 = tpu.memref_slice %arg10[%dma_wait3A_1247] : memref<3x!tpu.dma_semaphore, #tpu.memory_space<semaphore_mem>> -> memref<1x!tpu.dma_semaphore, #tpu.memory_space<semaphore_mem>>
      %dma_wait3A_1256 = tpu.memref_squeeze %dma_wait3A_1255 : memref<1x!tpu.dma_semaphore, #tpu.memory_space<semaphore_mem>> -> memref<!tpu.dma_semaphore, #tpu.memory_space<semaphore_mem>>
      %dma_wait3A_1257 = arith.constant 0 : i32
      %dma_wait3A_1258 = arith.constant 0 : i32
      %dma_wait3A_1259 = tpu.memref_slice %arg7[%dma_wait3A_1246, %dma_wait3A_1257, %dma_wait3A_1258] : memref<3x120x128xf32, #tpu.memory_space<vmem>> -> memref<1x120x128xf32, #tpu.memory_space<vmem>>
      %dma_wait3A_1260 = tpu.memref_squeeze %dma_wait3A_1259 : memref<1x120x128xf32, #tpu.memory_space<vmem>> -> memref<120x128xf32, #tpu.memory_space<vmem>>
      %dma_wait3A_1261 = arith.constant 0 : i32
      %dma_wait3A_1262 = arith.constant 0 : i32
      %dma_wait3A_1263 = tpu.memref_slice %arg2[%dma_wait3A_1261, %dma_wait3A_1262] : memref<10240x128xf32, #tpu.memory_space<hbm>> -> memref<120x128xf32, #tpu.memory_space<hbm>>
      tpu.wait_dma2 semaphore(%dma_wait3A_1256 : memref<!tpu.dma_semaphore, #tpu.memory_space<semaphore_mem>>) src(%dma_wait3A_1263 : memref<120x128xf32, #tpu.memory_space<hbm>>) dst(%dma_wait3A_1260 : memref<120x128xf32, #tpu.memory_space<vmem>>)
      %dma_start3A_1264 = arith.constant 2 : i32
      %dma_start3A_1265 = arith.constant 0 : i32
      %dma_start3A_1266 = arith.constant 1 : i32
      %dma_start3A_1267 = arith.constant 2 : i32
      %dma_start3A_1268 = arith.constant 2 : i32
      %dma_start3A_1269 = arith.constant 0 : i32
      %dma_start3A_1270 = arith.constant 0 : i32
      %dma_start3A_1271 = tpu.memref_slice %arg7[%dma_start3A_1264, %dma_start3A_1269, %dma_start3A_1270] : memref<3x120x128xf32, #tpu.memory_space<vmem>> -> memref<1x120x128xf32, #tpu.memory_space<vmem>>
      %dma_start3A_1272 = tpu.memref_squeeze %dma_start3A_1271 : memref<1x120x128xf32, #tpu.memory_space<vmem>> -> memref<120x128xf32, #tpu.memory_space<vmem>>
      %dma_start3A_1273 = arith.constant 0 : i32
      %dma_start3A_1274 = tpu.memref_slice %arg6[%dma_start3A_1265, %dma_start3A_1266, %dma_start3A_1267, %dma_start3A_1273] : memref<3x2x3x120xi32, #tpu.memory_space<vmem>> -> memref<1x1x1x120xi32, #tpu.memory_space<vmem>>
      %dma_start3A_1275 = tpu.memref_squeeze %dma_start3A_1274 : memref<1x1x1x120xi32, #tpu.memory_space<vmem>> -> memref<120xi32, #tpu.memory_space<vmem>>
      %dma_start3A_1276 = arith.constant 0 : i32
      %dma_start3A_1277 = arith.constant 0 : i32
      %dma_start3A_1278 = tpu.memref_slice %arg8[%dma_start3A_1276, %dma_start3A_1277] : memref<10240x128xf32, #tpu.memory_space<vmem_shared>> -> memref<10240x128xf32, #tpu.memory_space<vmem_shared>>
      %dma_start3A_1279 = tpu.memref_slice %arg11[%dma_start3A_1268] : memref<3x!tpu.dma_semaphore, #tpu.memory_space<semaphore_mem>> -> memref<1x!tpu.dma_semaphore, #tpu.memory_space<semaphore_mem>>
      %dma_start3A_1280 = tpu.memref_squeeze %dma_start3A_1279 : memref<1x!tpu.dma_semaphore, #tpu.memory_space<semaphore_mem>> -> memref<!tpu.dma_semaphore, #tpu.memory_space<semaphore_mem>>
      tpu.enqueue_indirect_dma source(%dma_start3A_1272 : memref<120x128xf32, #tpu.memory_space<vmem>>) target(%dma_start3A_1278 : memref<10240x128xf32, #tpu.memory_space<vmem_shared>>) offsets(%dma_start3A_1275 : memref<120xi32, #tpu.memory_space<vmem>>) semaphore(%dma_start3A_1280 : memref<!tpu.dma_semaphore, #tpu.memory_space<semaphore_mem>>) {add = true}
    }
    %scan3A_282 = arith.constant 18 : i32
    %dma_wait3A_283 = arith.constant 2 : i32
    %dma_wait3A_284 = arith.constant 2 : i32
    %dma_wait3A_285 = arith.constant 0 : i32
    %dma_wait3A_286 = arith.constant 0 : i32
    %dma_wait3A_287 = tpu.memref_slice %arg7[%dma_wait3A_283, %dma_wait3A_285, %dma_wait3A_286] : memref<3x120x128xf32, #tpu.memory_space<vmem>> -> memref<1x120x128xf32, #tpu.memory_space<vmem>>
    %dma_wait3A_288 = tpu.memref_squeeze %dma_wait3A_287 : memref<1x120x128xf32, #tpu.memory_space<vmem>> -> memref<120x128xf32, #tpu.memory_space<vmem>>
    %dma_wait3A_289 = arith.constant 0 : i32
    %dma_wait3A_290 = arith.constant 0 : i32
    %dma_wait3A_291 = tpu.memref_slice %arg2[%dma_wait3A_289, %dma_wait3A_290] : memref<10240x128xf32, #tpu.memory_space<hbm>> -> memref<120x128xf32, #tpu.memory_space<hbm>>
    %dma_wait3A_292 = tpu.memref_slice %arg11[%dma_wait3A_284] : memref<3x!tpu.dma_semaphore, #tpu.memory_space<semaphore_mem>> -> memref<1x!tpu.dma_semaphore, #tpu.memory_space<semaphore_mem>>
    %dma_wait3A_293 = tpu.memref_squeeze %dma_wait3A_292 : memref<1x!tpu.dma_semaphore, #tpu.memory_space<semaphore_mem>> -> memref<!tpu.dma_semaphore, #tpu.memory_space<semaphore_mem>>
    %dma_wait3A_294 = arith.constant 0 : i32
    %dma_wait3A_295 = arith.constant 0 : i32
    %dma_wait3A_296 = tpu.memref_slice %arg7[%dma_wait3A_283, %dma_wait3A_294, %dma_wait3A_295] : memref<3x120x128xf32, #tpu.memory_space<vmem>> -> memref<1x120x128xf32, #tpu.memory_space<vmem>>
    %dma_wait3A_297 = tpu.memref_squeeze %dma_wait3A_296 : memref<1x120x128xf32, #tpu.memory_space<vmem>> -> memref<120x128xf32, #tpu.memory_space<vmem>>
    %dma_wait3A_298 = arith.constant 0 : i32
    %dma_wait3A_299 = arith.constant 0 : i32
    %dma_wait3A_300 = tpu.memref_slice %arg2[%dma_wait3A_298, %dma_wait3A_299] : memref<10240x128xf32, #tpu.memory_space<hbm>> -> memref<120x128xf32, #tpu.memory_space<hbm>>
    tpu.wait_dma2 semaphore(%dma_wait3A_293 : memref<!tpu.dma_semaphore, #tpu.memory_space<semaphore_mem>>) src(%dma_wait3A_300 : memref<120x128xf32, #tpu.memory_space<hbm>>) dst(%dma_wait3A_297 : memref<120x128xf32, #tpu.memory_space<vmem>>)
    %dma_start3A_301 = arith.constant 1 : i32
    %dma_start3A_302 = arith.constant 0 : i32
    %dma_start3A_303 = arith.constant 2 : i32
    %dma_start3A_304 = arith.constant 2 : i32
    %dma_start3A_305 = arith.constant 2 : i32
    %dma_start3A_306 = arith.constant 0 : i32
    %dma_start3A_307 = arith.constant 0 : i32
    %dma_start3A_308 = tpu.memref_slice %arg7[%dma_start3A_304, %dma_start3A_306, %dma_start3A_307] : memref<3x120x128xf32, #tpu.memory_space<vmem>> -> memref<1x120x128xf32, #tpu.memory_space<vmem>>
    %dma_start3A_309 = tpu.memref_squeeze %dma_start3A_308 : memref<1x120x128xf32, #tpu.memory_space<vmem>> -> memref<120x128xf32, #tpu.memory_space<vmem>>
    %dma_start3A_310 = arith.constant 0 : i32
    %dma_start3A_311 = tpu.memref_slice %arg6[%dma_start3A_301, %dma_start3A_302, %dma_start3A_303, %dma_start3A_310] : memref<3x2x3x120xi32, #tpu.memory_space<vmem>> -> memref<1x1x1x120xi32, #tpu.memory_space<vmem>>
    %dma_start3A_312 = tpu.memref_squeeze %dma_start3A_311 : memref<1x1x1x120xi32, #tpu.memory_space<vmem>> -> memref<120xi32, #tpu.memory_space<vmem>>
    %dma_start3A_313 = arith.constant 0 : i32
    %dma_start3A_314 = arith.constant 0 : i32
    %dma_start3A_315 = tpu.memref_slice %arg2[%dma_start3A_313, %dma_start3A_314] : memref<10240x128xf32, #tpu.memory_space<hbm>> -> memref<10240x128xf32, #tpu.memory_space<hbm>>
    %dma_start3A_316 = tpu.memref_slice %arg10[%dma_start3A_305] : memref<3x!tpu.dma_semaphore, #tpu.memory_space<semaphore_mem>> -> memref<1x!tpu.dma_semaphore, #tpu.memory_space<semaphore_mem>>
    %dma_start3A_317 = tpu.memref_squeeze %dma_start3A_316 : memref<1x!tpu.dma_semaphore, #tpu.memory_space<semaphore_mem>> -> memref<!tpu.dma_semaphore, #tpu.memory_space<semaphore_mem>>
    tpu.enqueue_indirect_dma source(%dma_start3A_315 : memref<10240x128xf32, #tpu.memory_space<hbm>>) target(%dma_start3A_309 : memref<120x128xf32, #tpu.memory_space<vmem>>) offsets(%dma_start3A_312 : memref<120xi32, #tpu.memory_space<vmem>>) semaphore(%dma_start3A_317 : memref<!tpu.dma_semaphore, #tpu.memory_space<semaphore_mem>>)
    %dma_wait3A_318 = arith.constant 0 : i32
    %dma_wait3A_319 = arith.constant 0 : i32
    %dma_wait3A_320 = arith.constant 0 : i32
    %dma_wait3A_321 = arith.constant 0 : i32
    %dma_wait3A_322 = tpu.memref_slice %arg7[%dma_wait3A_318, %dma_wait3A_320, %dma_wait3A_321] : memref<3x120x128xf32, #tpu.memory_space<vmem>> -> memref<1x120x128xf32, #tpu.memory_space<vmem>>
    %dma_wait3A_323 = tpu.memref_squeeze %dma_wait3A_322 : memref<1x120x128xf32, #tpu.memory_space<vmem>> -> memref<120x128xf32, #tpu.memory_space<vmem>>
    %dma_wait3A_324 = arith.constant 0 : i32
    %dma_wait3A_325 = arith.constant 0 : i32
    %dma_wait3A_326 = tpu.memref_slice %arg2[%dma_wait3A_324, %dma_wait3A_325] : memref<10240x128xf32, #tpu.memory_space<hbm>> -> memref<120x128xf32, #tpu.memory_space<hbm>>
    %dma_wait3A_327 = tpu.memref_slice %arg10[%dma_wait3A_319] : memref<3x!tpu.dma_semaphore, #tpu.memory_space<semaphore_mem>> -> memref<1x!tpu.dma_semaphore, #tpu.memory_space<semaphore_mem>>
    %dma_wait3A_328 = tpu.memref_squeeze %dma_wait3A_327 : memref<1x!tpu.dma_semaphore, #tpu.memory_space<semaphore_mem>> -> memref<!tpu.dma_semaphore, #tpu.memory_space<semaphore_mem>>
    %dma_wait3A_329 = arith.constant 0 : i32
    %dma_wait3A_330 = arith.constant 0 : i32
    %dma_wait3A_331 = tpu.memref_slice %arg7[%dma_wait3A_318, %dma_wait3A_329, %dma_wait3A_330] : memref<3x120x128xf32, #tpu.memory_space<vmem>> -> memref<1x120x128xf32, #tpu.memory_space<vmem>>
    %dma_wait3A_332 = tpu.memref_squeeze %dma_wait3A_331 : memref<1x120x128xf32, #tpu.memory_space<vmem>> -> memref<120x128xf32, #tpu.memory_space<vmem>>
    %dma_wait3A_333 = arith.constant 0 : i32
    %dma_wait3A_334 = arith.constant 0 : i32
    %dma_wait3A_335 = tpu.memref_slice %arg2[%dma_wait3A_333, %dma_wait3A_334] : memref<10240x128xf32, #tpu.memory_space<hbm>> -> memref<120x128xf32, #tpu.memory_space<hbm>>
    tpu.wait_dma2 semaphore(%dma_wait3A_328 : memref<!tpu.dma_semaphore, #tpu.memory_space<semaphore_mem>>) src(%dma_wait3A_335 : memref<120x128xf32, #tpu.memory_space<hbm>>) dst(%dma_wait3A_332 : memref<120x128xf32, #tpu.memory_space<vmem>>)
    %dma_start3A_336 = arith.constant 0 : i32
    %dma_start3A_337 = arith.constant 1 : i32
    %dma_start3A_338 = arith.constant 1 : i32
    %dma_start3A_339 = arith.constant 0 : i32
    %dma_start3A_340 = arith.constant 0 : i32
    %dma_start3A_341 = arith.constant 0 : i32
    %dma_start3A_342 = arith.constant 0 : i32
    %dma_start3A_343 = tpu.memref_slice %arg7[%dma_start3A_336, %dma_start3A_341, %dma_start3A_342] : memref<3x120x128xf32, #tpu.memory_space<vmem>> -> memref<1x120x128xf32, #tpu.memory_space<vmem>>
    %dma_start3A_344 = tpu.memref_squeeze %dma_start3A_343 : memref<1x120x128xf32, #tpu.memory_space<vmem>> -> memref<120x128xf32, #tpu.memory_space<vmem>>
    %dma_start3A_345 = arith.constant 0 : i32
    %dma_start3A_346 = tpu.memref_slice %arg6[%dma_start3A_337, %dma_start3A_338, %dma_start3A_339, %dma_start3A_345] : memref<3x2x3x120xi32, #tpu.memory_space<vmem>> -> memref<1x1x1x120xi32, #tpu.memory_space<vmem>>
    %dma_start3A_347 = tpu.memref_squeeze %dma_start3A_346 : memref<1x1x1x120xi32, #tpu.memory_space<vmem>> -> memref<120xi32, #tpu.memory_space<vmem>>
    %dma_start3A_348 = arith.constant 0 : i32
    %dma_start3A_349 = arith.constant 0 : i32
    %dma_start3A_350 = tpu.memref_slice %arg8[%dma_start3A_348, %dma_start3A_349] : memref<10240x128xf32, #tpu.memory_space<vmem_shared>> -> memref<10240x128xf32, #tpu.memory_space<vmem_shared>>
    %dma_start3A_351 = tpu.memref_slice %arg11[%dma_start3A_340] : memref<3x!tpu.dma_semaphore, #tpu.memory_space<semaphore_mem>> -> memref<1x!tpu.dma_semaphore, #tpu.memory_space<semaphore_mem>>
    %dma_start3A_352 = tpu.memref_squeeze %dma_start3A_351 : memref<1x!tpu.dma_semaphore, #tpu.memory_space<semaphore_mem>> -> memref<!tpu.dma_semaphore, #tpu.memory_space<semaphore_mem>>
    tpu.enqueue_indirect_dma source(%dma_start3A_344 : memref<120x128xf32, #tpu.memory_space<vmem>>) target(%dma_start3A_350 : memref<10240x128xf32, #tpu.memory_space<vmem_shared>>) offsets(%dma_start3A_347 : memref<120xi32, #tpu.memory_space<vmem>>) semaphore(%dma_start3A_352 : memref<!tpu.dma_semaphore, #tpu.memory_space<semaphore_mem>>) {add = true}
    %dma_wait3A_353 = arith.constant 1 : i32
    %dma_wait3A_354 = arith.constant 1 : i32
    %dma_wait3A_355 = arith.constant 0 : i32
    %dma_wait3A_356 = arith.constant 0 : i32
    %dma_wait3A_357 = tpu.memref_slice %arg7[%dma_wait3A_353, %dma_wait3A_355, %dma_wait3A_356] : memref<3x120x128xf32, #tpu.memory_space<vmem>> -> memref<1x120x128xf32, #tpu.memory_space<vmem>>
    %dma_wait3A_358 = tpu.memref_squeeze %dma_wait3A_357 : memref<1x120x128xf32, #tpu.memory_space<vmem>> -> memref<120x128xf32, #tpu.memory_space<vmem>>
    %dma_wait3A_359 = arith.constant 0 : i32
    %dma_wait3A_360 = arith.constant 0 : i32
    %dma_wait3A_361 = tpu.memref_slice %arg2[%dma_wait3A_359, %dma_wait3A_360] : memref<10240x128xf32, #tpu.memory_space<hbm>> -> memref<120x128xf32, #tpu.memory_space<hbm>>
    %dma_wait3A_362 = tpu.memref_slice %arg10[%dma_wait3A_354] : memref<3x!tpu.dma_semaphore, #tpu.memory_space<semaphore_mem>> -> memref<1x!tpu.dma_semaphore, #tpu.memory_space<semaphore_mem>>
    %dma_wait3A_363 = tpu.memref_squeeze %dma_wait3A_362 : memref<1x!tpu.dma_semaphore, #tpu.memory_space<semaphore_mem>> -> memref<!tpu.dma_semaphore, #tpu.memory_space<semaphore_mem>>
    %dma_wait3A_364 = arith.constant 0 : i32
    %dma_wait3A_365 = arith.constant 0 : i32
    %dma_wait3A_366 = tpu.memref_slice %arg7[%dma_wait3A_353, %dma_wait3A_364, %dma_wait3A_365] : memref<3x120x128xf32, #tpu.memory_space<vmem>> -> memref<1x120x128xf32, #tpu.memory_space<vmem>>
    %dma_wait3A_367 = tpu.memref_squeeze %dma_wait3A_366 : memref<1x120x128xf32, #tpu.memory_space<vmem>> -> memref<120x128xf32, #tpu.memory_space<vmem>>
    %dma_wait3A_368 = arith.constant 0 : i32
    %dma_wait3A_369 = arith.constant 0 : i32
    %dma_wait3A_370 = tpu.memref_slice %arg2[%dma_wait3A_368, %dma_wait3A_369] : memref<10240x128xf32, #tpu.memory_space<hbm>> -> memref<120x128xf32, #tpu.memory_space<hbm>>
    tpu.wait_dma2 semaphore(%dma_wait3A_363 : memref<!tpu.dma_semaphore, #tpu.memory_space<semaphore_mem>>) src(%dma_wait3A_370 : memref<120x128xf32, #tpu.memory_space<hbm>>) dst(%dma_wait3A_367 : memref<120x128xf32, #tpu.memory_space<vmem>>)
    %dma_start3A_371 = arith.constant 1 : i32
    %dma_start3A_372 = arith.constant 1 : i32
    %dma_start3A_373 = arith.constant 1 : i32
    %dma_start3A_374 = arith.constant 1 : i32
    %dma_start3A_375 = arith.constant 1 : i32
    %dma_start3A_376 = arith.constant 0 : i32
    %dma_start3A_377 = arith.constant 0 : i32
    %dma_start3A_378 = tpu.memref_slice %arg7[%dma_start3A_371, %dma_start3A_376, %dma_start3A_377] : memref<3x120x128xf32, #tpu.memory_space<vmem>> -> memref<1x120x128xf32, #tpu.memory_space<vmem>>
    %dma_start3A_379 = tpu.memref_squeeze %dma_start3A_378 : memref<1x120x128xf32, #tpu.memory_space<vmem>> -> memref<120x128xf32, #tpu.memory_space<vmem>>
    %dma_start3A_380 = arith.constant 0 : i32
    %dma_start3A_381 = tpu.memref_slice %arg6[%dma_start3A_372, %dma_start3A_373, %dma_start3A_374, %dma_start3A_380] : memref<3x2x3x120xi32, #tpu.memory_space<vmem>> -> memref<1x1x1x120xi32, #tpu.memory_space<vmem>>
    %dma_start3A_382 = tpu.memref_squeeze %dma_start3A_381 : memref<1x1x1x120xi32, #tpu.memory_space<vmem>> -> memref<120xi32, #tpu.memory_space<vmem>>
    %dma_start3A_383 = arith.constant 0 : i32
    %dma_start3A_384 = arith.constant 0 : i32
    %dma_start3A_385 = tpu.memref_slice %arg8[%dma_start3A_383, %dma_start3A_384] : memref<10240x128xf32, #tpu.memory_space<vmem_shared>> -> memref<10240x128xf32, #tpu.memory_space<vmem_shared>>
    %dma_start3A_386 = tpu.memref_slice %arg11[%dma_start3A_375] : memref<3x!tpu.dma_semaphore, #tpu.memory_space<semaphore_mem>> -> memref<1x!tpu.dma_semaphore, #tpu.memory_space<semaphore_mem>>
    %dma_start3A_387 = tpu.memref_squeeze %dma_start3A_386 : memref<1x!tpu.dma_semaphore, #tpu.memory_space<semaphore_mem>> -> memref<!tpu.dma_semaphore, #tpu.memory_space<semaphore_mem>>
    tpu.enqueue_indirect_dma source(%dma_start3A_379 : memref<120x128xf32, #tpu.memory_space<vmem>>) target(%dma_start3A_385 : memref<10240x128xf32, #tpu.memory_space<vmem_shared>>) offsets(%dma_start3A_382 : memref<120xi32, #tpu.memory_space<vmem>>) semaphore(%dma_start3A_387 : memref<!tpu.dma_semaphore, #tpu.memory_space<semaphore_mem>>) {add = true}
    %dma_wait3A_388 = arith.constant 2 : i32
    %dma_wait3A_389 = arith.constant 2 : i32
    %dma_wait3A_390 = arith.constant 0 : i32
    %dma_wait3A_391 = arith.constant 0 : i32
    %dma_wait3A_392 = tpu.memref_slice %arg7[%dma_wait3A_388, %dma_wait3A_390, %dma_wait3A_391] : memref<3x120x128xf32, #tpu.memory_space<vmem>> -> memref<1x120x128xf32, #tpu.memory_space<vmem>>
    %dma_wait3A_393 = tpu.memref_squeeze %dma_wait3A_392 : memref<1x120x128xf32, #tpu.memory_space<vmem>> -> memref<120x128xf32, #tpu.memory_space<vmem>>
    %dma_wait3A_394 = arith.constant 0 : i32
    %dma_wait3A_395 = arith.constant 0 : i32
    %dma_wait3A_396 = tpu.memref_slice %arg2[%dma_wait3A_394, %dma_wait3A_395] : memref<10240x128xf32, #tpu.memory_space<hbm>> -> memref<120x128xf32, #tpu.memory_space<hbm>>
    %dma_wait3A_397 = tpu.memref_slice %arg10[%dma_wait3A_389] : memref<3x!tpu.dma_semaphore, #tpu.memory_space<semaphore_mem>> -> memref<1x!tpu.dma_semaphore, #tpu.memory_space<semaphore_mem>>
    %dma_wait3A_398 = tpu.memref_squeeze %dma_wait3A_397 : memref<1x!tpu.dma_semaphore, #tpu.memory_space<semaphore_mem>> -> memref<!tpu.dma_semaphore, #tpu.memory_space<semaphore_mem>>
    %dma_wait3A_399 = arith.constant 0 : i32
    %dma_wait3A_400 = arith.constant 0 : i32
    %dma_wait3A_401 = tpu.memref_slice %arg7[%dma_wait3A_388, %dma_wait3A_399, %dma_wait3A_400] : memref<3x120x128xf32, #tpu.memory_space<vmem>> -> memref<1x120x128xf32, #tpu.memory_space<vmem>>
    %dma_wait3A_402 = tpu.memref_squeeze %dma_wait3A_401 : memref<1x120x128xf32, #tpu.memory_space<vmem>> -> memref<120x128xf32, #tpu.memory_space<vmem>>
    %dma_wait3A_403 = arith.constant 0 : i32
    %dma_wait3A_404 = arith.constant 0 : i32
    %dma_wait3A_405 = tpu.memref_slice %arg2[%dma_wait3A_403, %dma_wait3A_404] : memref<10240x128xf32, #tpu.memory_space<hbm>> -> memref<120x128xf32, #tpu.memory_space<hbm>>
    tpu.wait_dma2 semaphore(%dma_wait3A_398 : memref<!tpu.dma_semaphore, #tpu.memory_space<semaphore_mem>>) src(%dma_wait3A_405 : memref<120x128xf32, #tpu.memory_space<hbm>>) dst(%dma_wait3A_402 : memref<120x128xf32, #tpu.memory_space<vmem>>)
    %dma_start3A_406 = arith.constant 2 : i32
    %dma_start3A_407 = arith.constant 1 : i32
    %dma_start3A_408 = arith.constant 1 : i32
    %dma_start3A_409 = arith.constant 2 : i32
    %dma_start3A_410 = arith.constant 2 : i32
    %dma_start3A_411 = arith.constant 0 : i32
    %dma_start3A_412 = arith.constant 0 : i32
    %dma_start3A_413 = tpu.memref_slice %arg7[%dma_start3A_406, %dma_start3A_411, %dma_start3A_412] : memref<3x120x128xf32, #tpu.memory_space<vmem>> -> memref<1x120x128xf32, #tpu.memory_space<vmem>>
    %dma_start3A_414 = tpu.memref_squeeze %dma_start3A_413 : memref<1x120x128xf32, #tpu.memory_space<vmem>> -> memref<120x128xf32, #tpu.memory_space<vmem>>
    %dma_start3A_415 = arith.constant 0 : i32
    %dma_start3A_416 = tpu.memref_slice %arg6[%dma_start3A_407, %dma_start3A_408, %dma_start3A_409, %dma_start3A_415] : memref<3x2x3x120xi32, #tpu.memory_space<vmem>> -> memref<1x1x1x120xi32, #tpu.memory_space<vmem>>
    %dma_start3A_417 = tpu.memref_squeeze %dma_start3A_416 : memref<1x1x1x120xi32, #tpu.memory_space<vmem>> -> memref<120xi32, #tpu.memory_space<vmem>>
    %dma_start3A_418 = arith.constant 0 : i32
    %dma_start3A_419 = arith.constant 0 : i32
    %dma_start3A_420 = tpu.memref_slice %arg8[%dma_start3A_418, %dma_start3A_419] : memref<10240x128xf32, #tpu.memory_space<vmem_shared>> -> memref<10240x128xf32, #tpu.memory_space<vmem_shared>>
    %dma_start3A_421 = tpu.memref_slice %arg11[%dma_start3A_410] : memref<3x!tpu.dma_semaphore, #tpu.memory_space<semaphore_mem>> -> memref<1x!tpu.dma_semaphore, #tpu.memory_space<semaphore_mem>>
    %dma_start3A_422 = tpu.memref_squeeze %dma_start3A_421 : memref<1x!tpu.dma_semaphore, #tpu.memory_space<semaphore_mem>> -> memref<!tpu.dma_semaphore, #tpu.memory_space<semaphore_mem>>
    tpu.enqueue_indirect_dma source(%dma_start3A_414 : memref<120x128xf32, #tpu.memory_space<vmem>>) target(%dma_start3A_420 : memref<10240x128xf32, #tpu.memory_space<vmem_shared>>) offsets(%dma_start3A_417 : memref<120xi32, #tpu.memory_space<vmem>>) semaphore(%dma_start3A_422 : memref<!tpu.dma_semaphore, #tpu.memory_space<semaphore_mem>>) {add = true}
    %dma_wait3A_423 = arith.constant 0 : i32
    %dma_wait3A_424 = arith.constant 0 : i32
    %dma_wait3A_425 = arith.constant 0 : i32
    %dma_wait3A_426 = arith.constant 0 : i32
    %dma_wait3A_427 = tpu.memref_slice %arg7[%dma_wait3A_423, %dma_wait3A_425, %dma_wait3A_426] : memref<3x120x128xf32, #tpu.memory_space<vmem>> -> memref<1x120x128xf32, #tpu.memory_space<vmem>>
    %dma_wait3A_428 = tpu.memref_squeeze %dma_wait3A_427 : memref<1x120x128xf32, #tpu.memory_space<vmem>> -> memref<120x128xf32, #tpu.memory_space<vmem>>
    %dma_wait3A_429 = arith.constant 0 : i32
    %dma_wait3A_430 = arith.constant 0 : i32
    %dma_wait3A_431 = tpu.memref_slice %arg2[%dma_wait3A_429, %dma_wait3A_430] : memref<10240x128xf32, #tpu.memory_space<hbm>> -> memref<120x128xf32, #tpu.memory_space<hbm>>
    %dma_wait3A_432 = tpu.memref_slice %arg11[%dma_wait3A_424] : memref<3x!tpu.dma_semaphore, #tpu.memory_space<semaphore_mem>> -> memref<1x!tpu.dma_semaphore, #tpu.memory_space<semaphore_mem>>
    %dma_wait3A_433 = tpu.memref_squeeze %dma_wait3A_432 : memref<1x!tpu.dma_semaphore, #tpu.memory_space<semaphore_mem>> -> memref<!tpu.dma_semaphore, #tpu.memory_space<semaphore_mem>>
    %dma_wait3A_434 = arith.constant 0 : i32
    %dma_wait3A_435 = arith.constant 0 : i32
    %dma_wait3A_436 = tpu.memref_slice %arg7[%dma_wait3A_423, %dma_wait3A_434, %dma_wait3A_435] : memref<3x120x128xf32, #tpu.memory_space<vmem>> -> memref<1x120x128xf32, #tpu.memory_space<vmem>>
    %dma_wait3A_437 = tpu.memref_squeeze %dma_wait3A_436 : memref<1x120x128xf32, #tpu.memory_space<vmem>> -> memref<120x128xf32, #tpu.memory_space<vmem>>
    %dma_wait3A_438 = arith.constant 0 : i32
    %dma_wait3A_439 = arith.constant 0 : i32
    %dma_wait3A_440 = tpu.memref_slice %arg2[%dma_wait3A_438, %dma_wait3A_439] : memref<10240x128xf32, #tpu.memory_space<hbm>> -> memref<120x128xf32, #tpu.memory_space<hbm>>
    tpu.wait_dma2 semaphore(%dma_wait3A_433 : memref<!tpu.dma_semaphore, #tpu.memory_space<semaphore_mem>>) src(%dma_wait3A_440 : memref<120x128xf32, #tpu.memory_space<hbm>>) dst(%dma_wait3A_437 : memref<120x128xf32, #tpu.memory_space<vmem>>)
    %dma_wait3A_441 = arith.constant 1 : i32
    %dma_wait3A_442 = arith.constant 1 : i32
    %dma_wait3A_443 = arith.constant 0 : i32
    %dma_wait3A_444 = arith.constant 0 : i32
    %dma_wait3A_445 = tpu.memref_slice %arg7[%dma_wait3A_441, %dma_wait3A_443, %dma_wait3A_444] : memref<3x120x128xf32, #tpu.memory_space<vmem>> -> memref<1x120x128xf32, #tpu.memory_space<vmem>>
    %dma_wait3A_446 = tpu.memref_squeeze %dma_wait3A_445 : memref<1x120x128xf32, #tpu.memory_space<vmem>> -> memref<120x128xf32, #tpu.memory_space<vmem>>
    %dma_wait3A_447 = arith.constant 0 : i32
    %dma_wait3A_448 = arith.constant 0 : i32
    %dma_wait3A_449 = tpu.memref_slice %arg2[%dma_wait3A_447, %dma_wait3A_448] : memref<10240x128xf32, #tpu.memory_space<hbm>> -> memref<120x128xf32, #tpu.memory_space<hbm>>
    %dma_wait3A_450 = tpu.memref_slice %arg11[%dma_wait3A_442] : memref<3x!tpu.dma_semaphore, #tpu.memory_space<semaphore_mem>> -> memref<1x!tpu.dma_semaphore, #tpu.memory_space<semaphore_mem>>
    %dma_wait3A_451 = tpu.memref_squeeze %dma_wait3A_450 : memref<1x!tpu.dma_semaphore, #tpu.memory_space<semaphore_mem>> -> memref<!tpu.dma_semaphore, #tpu.memory_space<semaphore_mem>>
    %dma_wait3A_452 = arith.constant 0 : i32
    %dma_wait3A_453 = arith.constant 0 : i32
    %dma_wait3A_454 = tpu.memref_slice %arg7[%dma_wait3A_441, %dma_wait3A_452, %dma_wait3A_453] : memref<3x120x128xf32, #tpu.memory_space<vmem>> -> memref<1x120x128xf32, #tpu.memory_space<vmem>>
    %dma_wait3A_455 = tpu.memref_squeeze %dma_wait3A_454 : memref<1x120x128xf32, #tpu.memory_space<vmem>> -> memref<120x128xf32, #tpu.memory_space<vmem>>
    %dma_wait3A_456 = arith.constant 0 : i32
    %dma_wait3A_457 = arith.constant 0 : i32
    %dma_wait3A_458 = tpu.memref_slice %arg2[%dma_wait3A_456, %dma_wait3A_457] : memref<10240x128xf32, #tpu.memory_space<hbm>> -> memref<120x128xf32, #tpu.memory_space<hbm>>
    tpu.wait_dma2 semaphore(%dma_wait3A_451 : memref<!tpu.dma_semaphore, #tpu.memory_space<semaphore_mem>>) src(%dma_wait3A_458 : memref<120x128xf32, #tpu.memory_space<hbm>>) dst(%dma_wait3A_455 : memref<120x128xf32, #tpu.memory_space<vmem>>)
    %dma_wait3A_459 = arith.constant 2 : i32
    %dma_wait3A_460 = arith.constant 2 : i32
    %dma_wait3A_461 = arith.constant 0 : i32
    %dma_wait3A_462 = arith.constant 0 : i32
    %dma_wait3A_463 = tpu.memref_slice %arg7[%dma_wait3A_459, %dma_wait3A_461, %dma_wait3A_462] : memref<3x120x128xf32, #tpu.memory_space<vmem>> -> memref<1x120x128xf32, #tpu.memory_space<vmem>>
    %dma_wait3A_464 = tpu.memref_squeeze %dma_wait3A_463 : memref<1x120x128xf32, #tpu.memory_space<vmem>> -> memref<120x128xf32, #tpu.memory_space<vmem>>
    %dma_wait3A_465 = arith.constant 0 : i32
    %dma_wait3A_466 = arith.constant 0 : i32
    %dma_wait3A_467 = tpu.memref_slice %arg2[%dma_wait3A_465, %dma_wait3A_466] : memref<10240x128xf32, #tpu.memory_space<hbm>> -> memref<120x128xf32, #tpu.memory_space<hbm>>
    %dma_wait3A_468 = tpu.memref_slice %arg11[%dma_wait3A_460] : memref<3x!tpu.dma_semaphore, #tpu.memory_space<semaphore_mem>> -> memref<1x!tpu.dma_semaphore, #tpu.memory_space<semaphore_mem>>
    %dma_wait3A_469 = tpu.memref_squeeze %dma_wait3A_468 : memref<1x!tpu.dma_semaphore, #tpu.memory_space<semaphore_mem>> -> memref<!tpu.dma_semaphore, #tpu.memory_space<semaphore_mem>>
    %dma_wait3A_470 = arith.constant 0 : i32
    %dma_wait3A_471 = arith.constant 0 : i32
    %dma_wait3A_472 = tpu.memref_slice %arg7[%dma_wait3A_459, %dma_wait3A_470, %dma_wait3A_471] : memref<3x120x128xf32, #tpu.memory_space<vmem>> -> memref<1x120x128xf32, #tpu.memory_space<vmem>>
    %dma_wait3A_473 = tpu.memref_squeeze %dma_wait3A_472 : memref<1x120x128xf32, #tpu.memory_space<vmem>> -> memref<120x128xf32, #tpu.memory_space<vmem>>
    %dma_wait3A_474 = arith.constant 0 : i32
    %dma_wait3A_475 = arith.constant 0 : i32
    %dma_wait3A_476 = tpu.memref_slice %arg2[%dma_wait3A_474, %dma_wait3A_475] : memref<10240x128xf32, #tpu.memory_space<hbm>> -> memref<120x128xf32, #tpu.memory_space<hbm>>
    tpu.wait_dma2 semaphore(%dma_wait3A_469 : memref<!tpu.dma_semaphore, #tpu.memory_space<semaphore_mem>>) src(%dma_wait3A_476 : memref<120x128xf32, #tpu.memory_space<hbm>>) dst(%dma_wait3A_473 : memref<120x128xf32, #tpu.memory_space<vmem>>)
    %barrier3A_477 = arith.constant 0 : index
    tpu.barrier barrier_id(%barrier3A_477)
    %mul3A_478 = arith.constant 640 : i32
    %mul3A_479 = arith.muli %arg1, %mul3A_478 : i32
    %mul3A_480 = arith.constant 640 : i32
    %mul3A_481 = arith.muli %arg1, %mul3A_480 : i32
    "tpu.region"() ({
      %run_scoped3A_482 = tpu.sem_alloc : memref<!tpu.dma_semaphore, #tpu.memory_space<semaphore_mem>>
      %dma_start3A_483 = arith.constant 0 : i32
      %dma_start3A_484 = tpu.memref_slice %arg5[%arg0, %mul3A_481, %dma_start3A_483] : memref<2x10240x128xf32, #tpu.memory_space<hbm>> -> memref<1x640x128xf32, #tpu.memory_space<hbm>>
      %dma_start3A_485 = tpu.memref_squeeze %dma_start3A_484 : memref<1x640x128xf32, #tpu.memory_space<hbm>> -> memref<640x128xf32, #tpu.memory_space<hbm>>
      %dma_start3A_486 = arith.constant 0 : i32
      %dma_start3A_487 = tpu.memref_slice %arg8[%mul3A_479, %dma_start3A_486] : memref<10240x128xf32, #tpu.memory_space<vmem_shared>> -> memref<640x128xf32, #tpu.memory_space<vmem_shared>>
      tpu.enqueue_dma source(%dma_start3A_487 : memref<640x128xf32, #tpu.memory_space<vmem_shared>>) target(%dma_start3A_485 : memref<640x128xf32, #tpu.memory_space<hbm>>) target_semaphore(%run_scoped3A_482 : memref<!tpu.dma_semaphore, #tpu.memory_space<semaphore_mem>>)
      %dma_wait3A_488 = arith.constant 0 : i32
      %dma_wait3A_489 = tpu.memref_slice %arg5[%arg0, %mul3A_481, %dma_wait3A_488] : memref<2x10240x128xf32, #tpu.memory_space<hbm>> -> memref<1x640x128xf32, #tpu.memory_space<hbm>>
      %dma_wait3A_490 = tpu.memref_squeeze %dma_wait3A_489 : memref<1x640x128xf32, #tpu.memory_space<hbm>> -> memref<640x128xf32, #tpu.memory_space<hbm>>
      %dma_wait3A_491 = arith.constant 0 : i32
      %dma_wait3A_492 = tpu.memref_slice %arg8[%mul3A_479, %dma_wait3A_491] : memref<10240x128xf32, #tpu.memory_space<vmem_shared>> -> memref<640x128xf32, #tpu.memory_space<vmem_shared>>
      tpu.wait_dma2 semaphore(%run_scoped3A_482 : memref<!tpu.dma_semaphore, #tpu.memory_space<semaphore_mem>>) src(%dma_wait3A_492 : memref<640x128xf32, #tpu.memory_space<vmem_shared>>) dst(%dma_wait3A_490 : memref<640x128xf32, #tpu.memory_space<hbm>>)
      tpu.yield
    }) : () -> ()
    return
  }
}

module attributes {stable_mosaic.version = 14 : i64} {
  func.func @body(%arg0: i32, %arg1: memref<2x2048x128xf32, #tpu.memory_space<vmem>>, %arg2: memref<2048x128xf32, #tpu.memory_space<vmem>>, %arg3: memref<128x128xf32, #tpu.memory_space<vmem>>, %arg4: memref<128x128xf32, #tpu.memory_space<vmem>>, %arg5: memref<1x128xf32, #tpu.memory_space<vmem>>, %arg6: memref<1x128xf32, #tpu.memory_space<vmem>>, %arg7: memref<1x128xf32, #tpu.memory_space<vmem>>, %arg8: memref<128x128xf32, #tpu.memory_space<vmem>>, %arg9: memref<1x128xf32, #tpu.memory_space<vmem>>, %arg10: memref<2048x128xf32, #tpu.memory_space<vmem>>) attributes {dimension_semantics = [#tpu.dimension_semantics<arbitrary>], iteration_bounds = array<i64: 5>, scalar_prefetch = 0 : i64, scratch_operands = 0 : i64, tpu.core_type = #tpu.core_type<tc>, window_params = [{transform_indices = @transform_0, window_bounds = array<i64: 2, 2048, 128>}, {transform_indices = @transform_1, window_bounds = array<i64: 2048, 128>}, {pipeline_mode = #tpu.pipeline_mode<synchronous>, transform_indices = @transform_2, window_bounds = array<i64: 128, 128>}, {pipeline_mode = #tpu.pipeline_mode<synchronous>, transform_indices = @transform_3, window_bounds = array<i64: 128, 128>}, {pipeline_mode = #tpu.pipeline_mode<synchronous>, transform_indices = @transform_4, window_bounds = array<i64: 1, 128>}, {pipeline_mode = #tpu.pipeline_mode<synchronous>, transform_indices = @transform_5, window_bounds = array<i64: 1, 128>}, {pipeline_mode = #tpu.pipeline_mode<synchronous>, transform_indices = @transform_6, window_bounds = array<i64: 1, 128>}, {pipeline_mode = #tpu.pipeline_mode<synchronous>, transform_indices = @transform_7, window_bounds = array<i64: 128, 128>}, {pipeline_mode = #tpu.pipeline_mode<synchronous>, transform_indices = @transform_8, window_bounds = array<i64: 1, 128>}, {transform_indices = @transform_9, window_bounds = array<i64: 2048, 128>}]} {
    %get3A = arith.constant 0 : index
    %get3A_0 = arith.constant 0 : index
    %get3A_1 = arith.constant 0 : index
    %get3A_2 = vector.load %arg1[%get3A, %get3A_0, %get3A_1] : memref<2x2048x128xf32, #tpu.memory_space<vmem>>, vector<1x2048x128xf32>
    %get3A_3 = vector.shape_cast %get3A_2 : vector<1x2048x128xf32> to vector<2048x128xf32>
    %get3A_4 = arith.constant 1 : index
    %get3A_5 = arith.constant 0 : index
    %get3A_6 = arith.constant 0 : index
    %get3A_7 = vector.load %arg1[%get3A_4, %get3A_5, %get3A_6] : memref<2x2048x128xf32, #tpu.memory_space<vmem>>, vector<1x2048x128xf32>
    %get3A_8 = vector.shape_cast %get3A_7 : vector<1x2048x128xf32> to vector<2048x128xf32>
    %add3A = arith.addf %get3A_3, %get3A_8 : vector<2048x128xf32>
    %get3A_9 = arith.constant 0 : index
    %get3A_10 = arith.constant 0 : index
    %get3A_11 = vector.load %arg3[%get3A_9, %get3A_10] : memref<128x128xf32, #tpu.memory_space<vmem>>, vector<128x128xf32>
    %dot_general3A = arith.constant dense<0.000000e+00> : vector<2048x128xf32>
    %dot_general3A_12 = tpu.matmul %add3A, %get3A_11, %dot_general3A {dimension_numbers = #tpu.dot_dimension_numbers<[1], [0], [0], [1], [0, 0, 1, 1], [], []>, transpose_lhs_hint = false} : vector<2048x128xf32>, vector<128x128xf32>, vector<2048x128xf32> -> vector<2048x128xf32>
    %get3A_13 = arith.constant 0 : index
    %get3A_14 = arith.constant 0 : index
    %get3A_15 = vector.load %arg2[%get3A_13, %get3A_14] : memref<2048x128xf32, #tpu.memory_space<vmem>>, vector<2048x128xf32>
    %get3A_16 = arith.constant 0 : index
    %get3A_17 = arith.constant 0 : index
    %get3A_18 = vector.load %arg4[%get3A_16, %get3A_17] : memref<128x128xf32, #tpu.memory_space<vmem>>, vector<128x128xf32>
    %dot_general3A_19 = arith.constant dense<0.000000e+00> : vector<2048x128xf32>
    %dot_general3A_20 = tpu.matmul %get3A_15, %get3A_18, %dot_general3A_19 {dimension_numbers = #tpu.dot_dimension_numbers<[1], [0], [0], [1], [0, 0, 1, 1], [], []>, transpose_lhs_hint = false} : vector<2048x128xf32>, vector<128x128xf32>, vector<2048x128xf32> -> vector<2048x128xf32>
    %add3A_21 = arith.addf %dot_general3A_12, %dot_general3A_20 : vector<2048x128xf32>
    %get3A_22 = arith.constant 0 : index
    %get3A_23 = arith.constant 0 : index
    %get3A_24 = vector.load %arg5[%get3A_22, %get3A_23] : memref<1x128xf32, #tpu.memory_space<vmem>>, vector<1x128xf32>
    %add3A_25 = vector.broadcast %get3A_24 : vector<1x128xf32> to vector<2048x128xf32>
    %add3A_26 = arith.addf %add3A_21, %add3A_25 : vector<2048x128xf32>
    %reduce_sum3A = arith.constant dense<0.000000e+00> : vector<2048xf32>
    %reduce_sum3A_27 = vector.multi_reduction <add>, %add3A_26, %reduce_sum3A [1] : vector<2048x128xf32> to vector<2048xf32>
    %broadcast_in_dim3A = vector.shape_cast %reduce_sum3A_27 : vector<2048xf32> to vector<2048x1xf32>
    %div3A = arith.constant 1.280000e+02 : f32
    %div3A_28 = vector.broadcast %div3A : f32 to vector<2048x1xf32>
    %div3A_29 = arith.divf %broadcast_in_dim3A, %div3A_28 : vector<2048x1xf32>
    %sub3A = vector.broadcast %div3A_29 : vector<2048x1xf32> to vector<2048x128xf32>
    %sub3A_30 = arith.subf %add3A_26, %sub3A : vector<2048x128xf32>
    %integer_pow3A = arith.mulf %sub3A_30, %sub3A_30 : vector<2048x128xf32>
    %reduce_sum3A_31 = arith.constant dense<0.000000e+00> : vector<2048xf32>
    %reduce_sum3A_32 = vector.multi_reduction <add>, %integer_pow3A, %reduce_sum3A_31 [1] : vector<2048x128xf32> to vector<2048xf32>
    %broadcast_in_dim3A_33 = vector.shape_cast %reduce_sum3A_32 : vector<2048xf32> to vector<2048x1xf32>
    %div3A_34 = arith.constant 1.280000e+02 : f32
    %div3A_35 = vector.broadcast %div3A_34 : f32 to vector<2048x1xf32>
    %div3A_36 = arith.divf %broadcast_in_dim3A_33, %div3A_35 : vector<2048x1xf32>
    %sub3A_37 = vector.broadcast %div3A_29 : vector<2048x1xf32> to vector<2048x128xf32>
    %sub3A_38 = arith.subf %add3A_26, %sub3A_37 : vector<2048x128xf32>
    %add3A_39 = arith.constant 9.99999974E-6 : f32
    %add3A_40 = vector.broadcast %add3A_39 : f32 to vector<2048x1xf32>
    %add3A_41 = arith.addf %div3A_36, %add3A_40 : vector<2048x1xf32>
    %rsqrt3A = math.rsqrt %add3A_41 : vector<2048x1xf32>
    %mul3A = vector.broadcast %rsqrt3A : vector<2048x1xf32> to vector<2048x128xf32>
    %mul3A_42 = arith.mulf %sub3A_38, %mul3A : vector<2048x128xf32>
    %get3A_43 = arith.constant 0 : index
    %get3A_44 = arith.constant 0 : index
    %get3A_45 = vector.load %arg6[%get3A_43, %get3A_44] : memref<1x128xf32, #tpu.memory_space<vmem>>, vector<1x128xf32>
    %mul3A_46 = vector.broadcast %get3A_45 : vector<1x128xf32> to vector<2048x128xf32>
    %mul3A_47 = arith.mulf %mul3A_42, %mul3A_46 : vector<2048x128xf32>
    %get3A_48 = arith.constant 0 : index
    %get3A_49 = arith.constant 0 : index
    %get3A_50 = vector.load %arg7[%get3A_48, %get3A_49] : memref<1x128xf32, #tpu.memory_space<vmem>>, vector<1x128xf32>
    %add3A_51 = vector.broadcast %get3A_50 : vector<1x128xf32> to vector<2048x128xf32>
    %add3A_52 = arith.addf %mul3A_47, %add3A_51 : vector<2048x128xf32>
    %tanh3A = math.tanh %add3A_52 : vector<2048x128xf32>
    %get3A_53 = arith.constant 0 : index
    %get3A_54 = arith.constant 0 : index
    %get3A_55 = vector.load %arg8[%get3A_53, %get3A_54] : memref<128x128xf32, #tpu.memory_space<vmem>>, vector<128x128xf32>
    %dot_general3A_56 = arith.constant dense<0.000000e+00> : vector<2048x128xf32>
    %dot_general3A_57 = tpu.matmul %tanh3A, %get3A_55, %dot_general3A_56 {dimension_numbers = #tpu.dot_dimension_numbers<[1], [0], [0], [1], [0, 0, 1, 1], [], []>, transpose_lhs_hint = false} : vector<2048x128xf32>, vector<128x128xf32>, vector<2048x128xf32> -> vector<2048x128xf32>
    %get3A_58 = arith.constant 0 : index
    %get3A_59 = arith.constant 0 : index
    %get3A_60 = vector.load %arg9[%get3A_58, %get3A_59] : memref<1x128xf32, #tpu.memory_space<vmem>>, vector<1x128xf32>
    %add3A_61 = vector.broadcast %get3A_60 : vector<1x128xf32> to vector<2048x128xf32>
    %add3A_62 = arith.addf %dot_general3A_57, %add3A_61 : vector<2048x128xf32>
    %swap3A = arith.constant 0 : index
    %swap3A_63 = arith.constant 0 : index
    %swap3A_64 = vector.load %arg10[%swap3A, %swap3A_63] : memref<2048x128xf32, #tpu.memory_space<vmem>>, vector<2048x128xf32>
    tpu.vector_store %arg10[%swap3A, %swap3A_63], %add3A_62 {strides = array<i32>} : memref<2048x128xf32, #tpu.memory_space<vmem>>, vector<2048x128xf32>,
    return
  }
  func.func @transform_0(%arg0: i32) -> (i32, i32, i32) {
    %c0_i32 = arith.constant 0 : i32
    %c0_i32_0 = arith.constant 0 : i32
    %c0_i32_1 = arith.constant 0 : i32
    return %c0_i32, %arg0, %c0_i32_0 : i32, i32, i32
  }
  func.func @transform_1(%arg0: i32) -> (i32, i32) {
    %c0_i32 = arith.constant 0 : i32
    %c0_i32_0 = arith.constant 0 : i32
    return %arg0, %c0_i32 : i32, i32
  }
  func.func @transform_2(%arg0: i32) -> (i32, i32) {
    %c0_i32 = arith.constant 0 : i32
    %c0_i32_0 = arith.constant 0 : i32
    %c0_i32_1 = arith.constant 0 : i32
    return %c0_i32, %c0_i32_0 : i32, i32
  }
  func.func @transform_3(%arg0: i32) -> (i32, i32) {
    %c0_i32 = arith.constant 0 : i32
    %c0_i32_0 = arith.constant 0 : i32
    %c0_i32_1 = arith.constant 0 : i32
    return %c0_i32, %c0_i32_0 : i32, i32
  }
  func.func @transform_4(%arg0: i32) -> (i32, i32) {
    %c0_i32 = arith.constant 0 : i32
    %c0_i32_0 = arith.constant 0 : i32
    %c0_i32_1 = arith.constant 0 : i32
    return %c0_i32, %c0_i32_0 : i32, i32
  }
  func.func @transform_5(%arg0: i32) -> (i32, i32) {
    %c0_i32 = arith.constant 0 : i32
    %c0_i32_0 = arith.constant 0 : i32
    %c0_i32_1 = arith.constant 0 : i32
    return %c0_i32, %c0_i32_0 : i32, i32
  }
  func.func @transform_6(%arg0: i32) -> (i32, i32) {
    %c0_i32 = arith.constant 0 : i32
    %c0_i32_0 = arith.constant 0 : i32
    %c0_i32_1 = arith.constant 0 : i32
    return %c0_i32, %c0_i32_0 : i32, i32
  }
  func.func @transform_7(%arg0: i32) -> (i32, i32) {
    %c0_i32 = arith.constant 0 : i32
    %c0_i32_0 = arith.constant 0 : i32
    %c0_i32_1 = arith.constant 0 : i32
    return %c0_i32, %c0_i32_0 : i32, i32
  }
  func.func @transform_8(%arg0: i32) -> (i32, i32) {
    %c0_i32 = arith.constant 0 : i32
    %c0_i32_0 = arith.constant 0 : i32
    %c0_i32_1 = arith.constant 0 : i32
    return %c0_i32, %c0_i32_0 : i32, i32
  }
  func.func @transform_9(%arg0: i32) -> (i32, i32) {
    %c0_i32 = arith.constant 0 : i32
    %c0_i32_0 = arith.constant 0 : i32
    return %arg0, %c0_i32 : i32, i32
  }
}

</mosaic_0001>

<sc_bundles>
// kernel: kernel.4.cloned.1.call-start
scs
__scs_entry_jumppad:
0x0: {  	(pc) =	sbr.rel $0x88, $3  }
0x1: {  	(tag) =	ssettag $0x0;
	lr =	simm.s32 $0x1  }
0x2: {  	[smem:$0x3F99] =	sst lr;
	_ =	strace $0xD0000000  }
0x3: {  	_ = 	snop  }
0x4: {  	_ = 	snop  }
0x5: {  	_ = 	snop  }
0x6: {  	_ = 	snop  }
0x7: {  	_ = 	snop  }
__scs_overlays_trampoline_lowered:
0x8: {  	[smem:$0x3FA8] =	sst s0  }
0x9: {  	[smem:$0x3FA9] =	sst s1  }
0xa: {  	[smem:$0x3FAA] =	sst s2  }
0xb: {  	[smem:$0x3FAB] =	sst s3  }
0xc: {  	[smem:$0x3FAC] =	sst s4  }
0xd: {  	[smem:$0x3FAD] =	sst s5  }
0xe: {  	[smem:$0x3FAE] =	sst s6  }
0xf: {  	[smem:$0x3FAF] =	sst s7  }
0x10: {  	[smem:$0x3FB0] =	sst s8  }
0x11: {  	[smem:$0x3FB1] =	sst s9;
	s0 =	simm.s32 @!p0 $0x0  }
0x12: {  	s1 =	sld [smem:$0x3F97];
	s0 =	simm.s32 @p0 $0x1  }
0x13: {  	[smem:$0x3FB2] =	sst s0;
	s0 =	simm.s32 @!p1 $0x0  }
0x14: {  	s2 =	sld [smem:$0x3F96];
	s0 =	simm.s32 @p1 $0x1  }
0x15: {  	[smem:$0x3FB3] =	sst s0;
	s0 =	simm.s32 @!p2 $0x0  }
0x16: {  	s3 =	sld [smem:$0x3FDB];
	s0 =	simm.s32 @p2 $0x1  }
0x17: {  	s4 =	simm.s32 $0x1BF5;
	[smem:$0x3FB5] =	sst s0  }
0x18: {  	s0 =	sld [smem:$0x3F98];
	_ =	swait.ge [sflag:s4], $0x0  }
0x19: {  	s7 =	sld [smem:$0x3F99]  }
0x1a: {  	s8 =	sadd.s32 $0xFFFFE003, lr  }
0x1b: {  	s9 =	sadd.s32 $0xFFFFFEF7, lr;
	s5 =	simm.s32 $0xFFFFFFFF;
	p2 =	slt.u32 s8, $0xFFFFF086  }
0x1c: {  	p1 =	slt.u32 s9, $0xF7A;
	s5 =	simm.s32 @!p2 $0x0  }
0x1d: {  	s5 =	simm.s32 @p1 $0x1;
	p0 =	seq.s32 s7, s2  }
0x1e: {  	s7 =	smul.u32 @!p0 $0xF7A, s2;
	p2 =	seq.s32 @!p0 s5, $0x0  }
0x1f: {  	s9 =	smul.u32 $0xF7A, s1;
	s8 =	simm.s32 @!p0 $0x1BF5;
	p2 =	por !p2, p0  }
0x20: {  	[sflag:s8] =	ssyncset.s32 @!p0 $0xFFFFF086;
	s6 =	sadd.s32 @!p0 s3, s7;
	s7 =	simm.s32 @!p0 $0x108  }
0x21: {  	s3 =	sadd.s32 s3, s9;
	s6 =	sadd.s32 @!p0 $0x88, s6;
	s7 =	simm.s32 @p2 $0x1082  }
0x22: {  	[simem:s7], [sflag:s8] =	dma.local @!p0 [hbm:s6], $0xF7A  }
0x23: {  	s9 =	sor.u32 $0xD0000000, s2;
	s6 =	simm.s32 $0x108;
	_ =	swait.ge @!p0 [sflag:s8], $0x0  }
0x24: {  	s3 =	sadd.s32 $0x88, s3;
	s6 =	simm.s32 @!p1 $0x1082;
	[sflag:s4] =	ssyncset.s32 $0xFFFFF086  }
0x25: {  	[simem:s6], [sflag:s4] =	dma.local [hbm:s3], $0xF7A  }
0x26: {  	[smem:$0x3F99] =	sst s1;
	(tag) =	ssettag s2;
	_ =	strace s9  }
0x27: {  	s1 =	sld [smem:$0x3FA9]  }
0x28: {  	s2 =	sld [smem:$0x3FAA]  }
0x29: {  	s4 =	sld [smem:$0x3FAC]  }
0x2a: {  	p0 =	seq.s32 s5, $0x0;
	s5 =	sld [smem:$0x3FAD]  }
0x2b: {  	s6 =	sld [smem:$0x3FAE]  }
0x2c: {  	s7 =	sld [smem:$0x3FAF]  }
0x2d: {  	s3 =	simm.s32 $0x108;
	s8 =	sld [smem:$0x3FB0]  }
0x2e: {  	s3 =	simm.s32 @!p0 $0x1082;
	s9 =	sld [smem:$0x3FB1]  }
0x2f: {  	lr =	sadd.s32 s0, s3;
	s0 =	sld [smem:$0x3FA8]  }
0x30: {  	s3 =	sld [smem:$0x3FAB]  }
0x31: {  	[smem:$0x3FB4] =	sst s10  }
0x32: {  	s10 =	sld [smem:$0x3FB2];
	_ =	sdelay $0x3  }
0x33: {  	p0 =	seq.s32 s10, $0x1;
	s10 =	sld [smem:$0x3FB4];
	_ =	sdelay $0x3  }
0x34: {  	[smem:$0x3FB4] =	sst s10  }
0x35: {  	s10 =	sld [smem:$0x3FB3];
	_ =	sdelay $0x3  }
0x36: {  	p1 =	seq.s32 s10, $0x1;
	s10 =	sld [smem:$0x3FB4];
	_ =	sdelay $0x3  }
0x37: {  	[smem:$0x3FB4] =	sst s10  }
0x38: {  	s10 =	sld [smem:$0x3FB5]  }
0x39: {  	_ = 	snop;
	(pc) =	sbr.ind lr, $3  }
0x3a: {  	_ = 	snop  }
0x3b: {  	_ = 	snop  }
0x3c: {  	p2 =	seq.s32 s10, $0x1;
	s10 =	sld [smem:$0x3FB4]  }
0x3d: {  	_ =	shalt  }
0x3e: {  	_ =	shalt  }
0x3f: {  	_ =	shalt  }
0x40: {  	_ =	shalt  }
0x41: {  	_ =	shalt  }
0x42: {  	_ =	shalt  }
0x43: {  	_ =	shalt  }
0x44: {  	_ =	shalt  }
0x45: {  	_ =	shalt  }
0x46: {  	_ =	shalt  }
0x47: {  	_ =	shalt  }
0x48: {  	_ =	shalt  }
0x49: {  	_ =	shalt  }
0x4a: {  	_ =	shalt  }
0x4b: {  	_ =	shalt  }
0x4c: {  	_ =	shalt  }
0x4d: {  	_ =	shalt  }
0x4e: {  	_ =	shalt  }
0x4f: {  	_ =	shalt  }
0x50: {  	_ =	shalt  }
0x51: {  	_ =	shalt  }
0x52: {  	_ =	shalt  }
0x53: {  	_ =	shalt  }
0x54: {  	_ =	shalt  }
0x55: {  	_ =	shalt  }
0x56: {  	_ =	shalt  }
0x57: {  	_ =	shalt  }
0x58: {  	_ =	shalt  }
0x59: {  	_ =	shalt  }
0x5a: {  	_ =	shalt  }
0x5b: {  	_ =	shalt  }
0x5c: {  	_ =	shalt  }
0x5d: {  	_ =	shalt  }
0x5e: {  	_ =	shalt  }
0x5f: {  	_ =	shalt  }
0x60: {  	_ =	shalt  }
0x61: {  	_ =	shalt  }
0x62: {  	_ =	shalt  }
0x63: {  	_ =	shalt  }
0x64: {  	_ =	shalt  }
0x65: {  	_ =	shalt  }
0x66: {  	_ =	shalt  }
0x67: {  	_ =	shalt  }
0x68: {  	_ =	shalt  }
0x69: {  	_ =	shalt  }
0x6a: {  	_ =	shalt  }
0x6b: {  	_ =	shalt  }
0x6c: {  	_ =	shalt  }
0x6d: {  	_ =	shalt  }
0x6e: {  	_ =	shalt  }
0x6f: {  	_ =	shalt  }
0x70: {  	_ =	shalt  }
0x71: {  	_ =	shalt  }
0x72: {  	_ =	shalt  }
0x73: {  	_ =	shalt  }
0x74: {  	_ =	shalt  }
0x75: {  	_ =	shalt  }
0x76: {  	_ =	shalt  }
0x77: {  	_ =	shalt  }
0x78: {  	_ =	shalt  }
0x79: {  	_ =	shalt  }
0x7a: {  	_ =	shalt  }
0x7b: {  	_ =	shalt  }
0x7c: {  	_ =	shalt  }
0x7d: {  	_ =	shalt  }
0x7e: {  	_ =	shalt  }
0x7f: {  	_ =	shalt  }
0x80: {  	_ =	shalt  }
0x81: {  	_ =	shalt  }
0x82: {  	_ =	shalt  }
0x83: {  	_ =	shalt  }
0x84: {  	_ =	shalt  }
0x85: {  	_ =	shalt  }
0x86: {  	_ =	shalt  }
0x87: {  	_ =	shalt  }
.Lfunc_end0:
.L_simem_size_0:
called_computation_lowered:
.L_overlay_start_0:
0x88: {  	s2 =	sld [smem:$0x3FD9]  }
0x89: {  	s3 =	sld [smem:$0x3FFE];
	_ =	sdelay $0x1  }
0x8a: {  	s1 =	srdreg.scid  }
0x8b: {  	s0 =	sand.u32 $0x1, s1  }
0x8c: {  	s17 =	sshll.u32 s0, $0xA;
	s2 =	sadd.s32 s3, s2  }
0x8d: {  	s2 =	sadd.s32 s2, s17  }
0x8e: {  	[smem:$0x3FC0] =	sst s2  }
0x8f: {  	_ = 	snop  }
0x90: {  	s2 =	sld [smem:$0x3FD0];
	(tm) =	ssettm $0x1  }
0x91: {  	s18 =	sld [smem:$0x3FFB];
	_ =	sdelay $0x3  }
0x92: {  	_ =	strace s18  }
0x93: {  	s3 =	sld [smem:$0x3FFC];
	_ =	sdelay $0x3  }
0x94: {  	_ =	strace s3  }
0x95: {  	s3 =	sld [smem:$0x3FFD];
	_ =	sdelay $0x3  }
0x96: {  	_ =	strace s3  }
0x97: {  	_ =	strace $0x8FFFFFFF  }
0x98: {  	s19 =	sld [smem:$0x3FDB];
	_ =	sdelay $0x1  }
0x99: {  	s4 =	simm.s32 $_scs_section_size  }
0x9a: {  	s5 =	simm.s32 $_size__tile_overlayer_lowered;
	s6 =	simm.s32 $_tile_overlayer_lowered  }
0x9b: {  	s22 =	simm.s32 $0x1BFF;
	s21 =	sshll.u32 s6, $0x1;
	s3 =	sadd.s32 s4, s19  }
0x9c: {  	s7 =	simm.s32 $0x0;
	s20 =	sshll.u32 s5, $0x1;
	s5 =	sadd.s32 s21, s3  }
0x9d: {  	[timem:s7], [sflag:s22] =	dma.local [hbm:s5], s20  }
0x9e: {  	_ =	swait.ge [sflag:s22], s20  }
0x9f: {  	s4 =	ssub.s32 $0x0, s20;
	[sflag:s22] =	ssyncset.done $0x0  }
0xa0: {  	[sflag:s22] =	ssyncadd.s32 s4;
	_ =	sdelay $0x1  }
0xa1: {  	s23 =	simm.s32 $0x1B8B  }
0xa2: {  	_ =	swait.ge [sflag:s23], $0x1  }
0xa3: {  	[sflag:s23] =	ssyncset.done $0x0  }
0xa4: {  	s25 =	simm.s32 $0x1B8E;
	s24 =	sld [smem:$0x3FFE];
	[sflag:s23] =	ssyncadd.s32 $0xFFFFFFFF  }
0xa5: {  	s26 =	simm.s32 $execute0_lowered;
	[smem:$0x3FD2] =	sst s25  }
0xa6: {  	s5 =	sshll.u32 s26, $0x1;
	_ =	strace $0x80000046;
	[dreg:$0x1] =	wrdreg $0xFFFFFFFF  }
0xa7: {  	s28 =	simm.s32 $_size_execute0_lowered;
	s3 =	sadd.s32 s3, s5;
	[dreg:$0x0] =	wrdreg $0x0  }
0xa8: {  	s5 =	sshll.u32 s28, $0x1;
	[dreg:$0x2] =	wrdreg s3  }
0xa9: {  	[dreg:$0x3] =	wrdreg s5  }
0xaa: {  	[dreg:$0x4] =	wrdreg $0xC0  }
0xab: {  	_ =	task [dreg:s7], $0x5FFFF  }
0xac: {  	[dreg:$0x1] =	wrdreg $0xFFFFFFFF  }
0xad: {  	[dreg:$0x0] =	wrdreg $0x60  }
0xae: {  	[dreg:$0x2] =	wrdreg s24  }
0xaf: {  	[dreg:$0x3] =	wrdreg s2  }
0xb0: {  	[dreg:$0x4] =	wrdreg $0xC0000  }
0xb1: {  	[dreg:$0x5] =	wrdreg $0x9  }
0xb2: {  	_ =	task.clear_ibuf [dreg:s7], $0x6FFFF;
	_ =	strace $0x90000046  }
0xb3: {  	s29 =	simm.s32 $0x9;
	_ =	strace $0x80000048  }
0xb4: {  	_ =	swait.ge [sflag:s29], $0x1  }
0xb5: {  	[sflag:s29] =	ssyncadd.s32 $0xFFFFFFFF  }
0xb6: {  	_ =	strace $0x90000048  }
0xb7: {  	_ =	sfence  }
0xb8: {  	s30 =	sld [smem:$0x0];
	_ =	sdelay $0x2  }
0xb9: {  	s31 =	sshll.u32 s1, $0xD;
	s1 =	sshrl.u32 s1, $0x2  }
0xba: {  	s3 =	sand.u32 $0x4000, s31;
	s1 =	sadd.s32 s1, s30  }
0xbb: {  	s0 =	sor.u32 s3, s0;
	s1 =	sshll.u32 s1, $0x11  }
0xbc: {  	s0 =	sor.u32 s1, s0  }
0xbd: {  	s0 =	sadd.s32 $0x8F2B, s0  }
0xbe: {  	[sflag:s0] =	ssyncadd.remote.s32 $0x1  }
0xbf: {  	_ =	sfence.sel $0xFFFF  }
0xc0: {  	[dreg:$0x0] =	wrdreg $0xFFFFFFFF;
	(pc) =	sbr.abs _section_cstart, $3  }
0xc1: {  	[dreg:$0x1] =	wrdreg $0xFFFFFFFF  }
0xc2: {  	_ =	task.clear_ibuf [dreg:s7], $0x2FFFF;
	_ =	strace $0x9FFFFFFF  }
0xc3: {  	(tm) =	ssettm $0x7FFFFFFF  }
tec
execute0_lowered:
.L_overlay_start_1:
0x0: {  	(tag) =	ssettag $0x1  }
0x1: {  	s0 =	rddreg [dreg:$0x0]  }
0x2: {  	s1 =	srdreg.scid;
	s11 =	stileid.u32  }
0x3: {  	s3 =	rddreg [dreg:$0x2];
	s4 =	simm.s32 $0x0;
	s14 =	simm.s32 $0x200  }
0x4: {  	s15 =	simm.s32 $0x78;
	s16 =	simm.s32 $0xC00;
	s18 =	simm.s32 $0x4800  }
0x5: {  	s28 =	simm.s32 $0x5;
	s30 =	simm.s32 $0x8;
	s29 =	simm.s32 $0x0  }
0x6: {  	s31 =	simm.s32 $0x80;
	s1 =	sand.u32 $0x1, s1;
	s5 =	smul.u32 $0x14000, s11  }
0x7: {  	[smem:$0x7FF] =	sst s4;
	s6 =	sadd.s32 $0x2000, s0;
	s22 =	smul.u32 $0x50000, s11  }
0x8: {  	s8 =	sshll.u32 s11, $0x1;
	s9 =	smul.u32 $0x1C000, s11;
	s23 =	sshll.u32 s11, $0x6  }
0x9: {  	s2 =	smul.u32 $0x140000, s1;
	_ =	strace $0x80000047;
	s7 =	ssub.s32 $0x2, s1  }
0xa: {  	s8 =	sor.u32 s1, s8;
	s12 =	sor.u32 $0x1C0A, s23;
	s23 =	simm.s32 $0x880  }
0xb: {  	s1 =	smul.u32 $0xE000, s1;
	s10 =	sshrl.u32 s7, $0x1;
	[dreg:$0x7] =	wrdreg s23  }
0xc: {  	s8 =	smul.u32 $0xE000, s8;
	s23 =	simm.s32 $0x8400;
	[dreg:$0xb] =	wrdreg s12  }
0xd: {  	s2 =	sadd.s32 s5, s2;
	s5 =	sadd.s32 $0x3A000, s0;
	s7 =	ssub.s32 s7, s10  }
0xe: {  	s1 =	sadd.s32 s1, s9;
	s10 =	simm.s32 $0x9;
	s2 =	sshrl.u32 s2, $0x3  }
0xf: {  	s8 =	sshrl.u32 s8, $0x3;
	s9 =	sor.u32 $0x1000, s1;
	s26 =	sor.u32 $0xC00, s1  }
0x10: {  	s1 =	sor.u32 $0x800, s1;
	s19 =	smax.u32 s7, $0x1;
	s7 =	simm.s32 $0x300  }
0x11: {  	s0 =	sadd.s32 s2, s0;
	s2 =	sshrl.u32 s22, $0x2;
	s24 =	sadd.s32 s6, s8  }
0x12: {  	s25 =	sshrl.u32 s9, $0x3;
	s9 =	sshrl.u32 s26, $0x3;
	[dreg:$0xf] =	wrdreg s19  }
0x13: {  	s1 =	sshrl.u32 s1, $0x3;
	s26 =	simm.s32 $0xB00;
	[dreg:$0xc] =	wrdreg s24  }
0x14: {  	s22 =	simm.s32 $0xA;
	s8 =	sadd.s32 s25, s6;
	[dreg:$0xa] =	wrdreg s26  }
0x15: {  	s19 =	simm.s32 $0x400;
	s11 =	sadd.s32 s9, s6;
	[dreg:$0x4] =	wrdreg s8  }
0x16: {  	s2 =	sadd.s32 s2, s3;
	s0 =	sadd.s32 $0x62000, s0;
	[dreg:$0x5] =	wrdreg s11  }
0x17: {  	s13 =	sadd.s32 $0x80, s24;
	s1 =	sadd.s32 s1, s6;
	[dreg:$0xe] =	wrdreg s0  }
0x18: {  	s20 =	sadd.s32 $0x40, s24;
	s24 =	simm.s32 $0x900;
	[dreg:$0x6] =	wrdreg s1  }
0x19: {  	s25 =	simm.s32 $0xA80;
	s26 =	simm.s32 $0x7;
	[dreg:$0x11] =	wrdreg s20  }
0x1a: {  	s9 =	simm.s32 $0xA00;
	s6 =	simm.s32 $0x1;
	[dreg:$0xd] =	wrdreg s13  }
0x1b: {  	s17 =	sshrl.u32 s2, $0x3;
	s21 =	sadd.s32 $0x40, s13;
	[dreg:$0x8] =	wrdreg s24  }
0x1c: {  	s24 =	simm.s32 $0x4;
	[dreg:$0x9] =	wrdreg s25;
	s25 =	simm.s32 $0x2  }
0x1d: {  	s1 =	simm.s32 $0x6;
	s2 =	simm.s32 $0x800;
	s0 =	simm.s32 $0x500  }
0x1e: {  	s20 =	simm.s32 $0x3;
	s8 =	simm.s32 $0x680;
	[dreg:$0x12] =	wrdreg s21  }
0x1f: {  	s13 =	simm.s32 $0x700;
	s21 =	simm.s32 $0x600;
	[dreg:$0x10] =	wrdreg s17  }
.LBB2_1:
0x20: {  	[dreg:$0x13] =	wrdreg s29  }
0x21: {  	s11 =	rddreg [dreg:$0x1]  }
0x22: {  	[spmem:s17], [sflag:s12] =	dma.local [hbm:s11], $0x2800  }
0x23: {  	_ =	swait.ge [sflag:s22], $0x2800  }
0x24: {  	[sflag:s22] =	ssyncset.done $0x0  }
0x25: {  	[sflag:s22] =	ssyncadd.s32 $0xFFFFD800  }
0x26: {  	[bflag:$0x0] =	sbarrier.arrive $0xFFFF  }
0x27: {  	s12 =	rddreg [dreg:$0xc]  }
0x28: {  	[tilespmem:s4], [sflag:$0xA] =	stream.linear.gather [hbm4b:s12+s4], $0x180, $0x38;
	v63 =	vld [tilespmem:$0x0]  }
0x29: {  	s17 =	rddreg [dreg:$0x11]  }
0x2a: {  	[tilespmem:s14], [sflag:$0xA] =	stream.linear.gather [hbm4b:s17+s4], $0x180, $0x38;
	v63 =	vld [tilespmem:$0x0]  }
0x2b: {  	_ =	swait.ge [sflag:s22], $0x300  }
0x2c: {  	[sflag:s22] =	ssyncset.done $0x0  }
0x2d: {  	[sflag:s22] =	ssyncadd.s32 $0xFFFFFD00  }
0x2e: {  	[tilespmem:s16], [sflag:$0x4] =	stream.indirect.gather [hbm4b:s5+s15], $0x80, s4, s15, $0xb8;
	v63 =	vld [tilespmem:$0x0]  }
0x2f: {  	s12 =	simm.s32 $0x80  }
0x30: {  	[tilespmem:s18], [sflag:$0x5] =	stream.indirect.gather [hbm4b:s5+s15], $0x80, s12, s15, $0xb8;
	v63 =	vld [tilespmem:$0x0]  }
0x31: {  	s22 =	rddreg [dreg:$0xd]  }
0x32: {  	[tilespmem:s19], [sflag:$0x2] =	stream.linear.gather [hbm4b:s22+s4], $0x180, $0x38;
	v63 =	vld [tilespmem:$0x0]  }
0x33: {  	s29 =	rddreg [dreg:$0x12]  }
0x34: {  	[tilespmem:s21], [sflag:$0x2] =	stream.linear.gather [hbm4b:s29+s4], $0x180, $0x38;
	v63 =	vld [tilespmem:$0x0]  }
0x35: {  	s17 =	simm.s32 $0x100  }
0x36: {  	[tilespmem:s23], [sflag:$0x6] =	stream.indirect.gather [hbm4b:s5+s15], $0x80, s17, s15, $0xb8;
	v63 =	vld [tilespmem:$0x0]  }
0x37: {  	_ =	swait.ge [sflag:s24], $0x3C00  }
0x38: {  	[sflag:s24] =	ssyncset.done $0x0  }
0x39: {  	[sflag:s24] =	ssyncadd.s32 $0xFFFFC400  }
0x3a: {  	[spmem:s3] =	stream.indirect.scatter.add.f32 [tilespmem:s16], [sflag:$0x7], $0x80, s14, s15, $0xb8;
	v63 =	vld [tilespmem:$0x0]  }
0x3b: {  	_ =	swait.ge [sflag:s25], $0x300  }
0x3c: {  	[sflag:s25] =	ssyncset.done $0x0  }
0x3d: {  	[sflag:s25] =	ssyncadd.s32 $0xFFFFFD00  }
0x3e: {  	_ =	swait.ge [sflag:s26], $0x3C00  }
0x3f: {  	[sflag:s26] =	ssyncset.done $0x0  }
0x40: {  	[sflag:s26] =	ssyncadd.s32 $0xFFFFC400  }
0x41: {  	[tilespmem:s16], [sflag:$0x4] =	stream.indirect.gather [hbm4b:s5+s15], $0x80, s19, s15, $0xb8;
	v63 =	vld [tilespmem:$0x0]  }
0x42: {  	_ =	swait.ge [sflag:s28], $0x3C00  }
0x43: {  	[sflag:s28] =	ssyncset.done $0x0  }
0x44: {  	s22 =	simm.s32 $0x280;
	[sflag:s28] =	ssyncadd.s32 $0xFFFFC400  }
0x45: {  	[spmem:s3] =	stream.indirect.scatter.add.f32 [tilespmem:s18], [sflag:$0x8], $0x80, s22, s15, $0xb8;
	v63 =	vld [tilespmem:$0x0]  }
0x46: {  	_ =	swait.ge [sflag:s30], $0x3C00  }
0x47: {  	[sflag:s30] =	ssyncset.done $0x0  }
0x48: {  	s29 =	simm.s32 $0x480;
	[sflag:s30] =	ssyncadd.s32 $0xFFFFC400  }
0x49: {  	[tilespmem:s18], [sflag:$0x5] =	stream.indirect.gather [hbm4b:s5+s15], $0x80, s29, s15, $0xb8;
	v63 =	vld [tilespmem:$0x0]  }
0x4a: {  	_ =	swait.ge [sflag:s1], $0x3C00  }
0x4b: {  	[sflag:s1] =	ssyncset.done $0x0  }
0x4c: {  	s11 =	rddreg [dreg:$0x6];
	[sflag:s1] =	ssyncadd.s32 $0xFFFFC400  }
0x4d: {  	[spmem:s3] =	stream.indirect.scatter.add.f32 [tilespmem:s23], [sflag:$0x9], $0x80, s7, s15, $0xb8;
	v63 =	vld [tilespmem:$0x0]  }
0x4e: {  	s11 =	sadd.s32 $0x0, s11  }
0x4f: {  	[tilespmem:s2], [sflag:$0x3] =	stream.linear.gather [hbm4b:s11+s4], $0x180, $0x38;
	v63 =	vld [tilespmem:$0x0]  }
0x50: {  	s11 =	sadd.s32 $0x40, s11  }
0x51: {  	[tilespmem:s9], [sflag:$0x3] =	stream.linear.gather [hbm4b:s11+s4], $0x180, $0x38;
	v63 =	vld [tilespmem:$0x0]  }
0x52: {  	_ =	swait.ge [sflag:s10], $0x3C00  }
0x53: {  	[sflag:s10] =	ssyncset.done $0x0  }
0x54: {  	[sflag:s10] =	ssyncadd.s32 $0xFFFFC400  }
0x55: {  	[tilespmem:s23], [sflag:$0x6] =	stream.indirect.gather [hbm4b:s5+s15], $0x80, s0, s15, $0xb8;
	v63 =	vld [tilespmem:$0x0]  }
0x56: {  	_ =	swait.ge [sflag:s24], $0x3C00  }
0x57: {  	[sflag:s24] =	ssyncset.done $0x0  }
0x58: {  	[sflag:s24] =	ssyncadd.s32 $0xFFFFC400  }
0x59: {  	[spmem:s3] =	stream.indirect.scatter.add.f32 [tilespmem:s16], [sflag:$0x7], $0x80, s21, s15, $0xb8;
	v63 =	vld [tilespmem:$0x0]  }
0x5a: {  	_ =	swait.ge [sflag:s20], $0x300  }
0x5b: {  	[sflag:s20] =	ssyncset.done $0x0  }
0x5c: {  	[sflag:s20] =	ssyncadd.s32 $0xFFFFFD00  }
0x5d: {  	_ =	swait.ge [sflag:s26], $0x3C00  }
0x5e: {  	[sflag:s26] =	ssyncset.done $0x0  }
0x5f: {  	[sflag:s26] =	ssyncadd.s32 $0xFFFFC400  }
0x60: {  	[tilespmem:s16], [sflag:$0x4] =	stream.indirect.gather [hbm4b:s5+s15], $0x80, s2, s15, $0xb8;
	v63 =	vld [tilespmem:$0x0]  }
0x61: {  	_ =	swait.ge [sflag:s28], $0x3C00  }
0x62: {  	[sflag:s28] =	ssyncset.done $0x0  }
0x63: {  	[sflag:s28] =	ssyncadd.s32 $0xFFFFC400  }
0x64: {  	[spmem:s3] =	stream.indirect.scatter.add.f32 [tilespmem:s18], [sflag:$0x8], $0x80, s8, s15, $0xb8;
	v63 =	vld [tilespmem:$0x0]  }
0x65: {  	_ =	swait.ge [sflag:s30], $0x3C00  }
0x66: {  	[sflag:s30] =	ssyncset.done $0x0  }
0x67: {  	s11 =	rddreg [dreg:$0x7];
	[sflag:s30] =	ssyncadd.s32 $0xFFFFC400  }
0x68: {  	[tilespmem:s18], [sflag:$0x5] =	stream.indirect.gather [hbm4b:s5+s15], $0x80, s11, s15, $0xb8;
	v63 =	vld [tilespmem:$0x0]  }
0x69: {  	_ =	swait.ge [sflag:s1], $0x3C00  }
0x6a: {  	[sflag:s1] =	ssyncset.done $0x0  }
0x6b: {  	s11 =	rddreg [dreg:$0x5];
	[sflag:s1] =	ssyncadd.s32 $0xFFFFC400  }
0x6c: {  	[spmem:s3] =	stream.indirect.scatter.add.f32 [tilespmem:s23], [sflag:$0x9], $0x80, s13, s15, $0xb8;
	v63 =	vld [tilespmem:$0x0]  }
0x6d: {  	s11 =	sadd.s32 $0x0, s11  }
0x6e: {  	[tilespmem:s4], [sflag:$0x1] =	stream.linear.gather [hbm4b:s11+s4], $0x180, $0x38;
	v63 =	vld [tilespmem:$0x0]  }
0x6f: {  	s11 =	sadd.s32 $0x40, s11  }
0x70: {  	[tilespmem:s14], [sflag:$0x1] =	stream.linear.gather [hbm4b:s11+s4], $0x180, $0x38;
	v63 =	vld [tilespmem:$0x0]  }
0x71: {  	_ =	swait.ge [sflag:s10], $0x3C00  }
0x72: {  	[sflag:s10] =	ssyncset.done $0x0  }
0x73: {  	s11 =	rddreg [dreg:$0x8];
	[sflag:s10] =	ssyncadd.s32 $0xFFFFC400  }
0x74: {  	[tilespmem:s23], [sflag:$0x6] =	stream.indirect.gather [hbm4b:s5+s15], $0x80, s11, s15, $0xb8;
	v63 =	vld [tilespmem:$0x0]  }
0x75: {  	_ =	swait.ge [sflag:s24], $0x3C00  }
0x76: {  	[sflag:s24] =	ssyncset.done $0x0  }
0x77: {  	[sflag:s24] =	ssyncadd.s32 $0xFFFFC400  }
0x78: {  	[spmem:s3] =	stream.indirect.scatter.add.f32 [tilespmem:s16], [sflag:$0x7], $0x80, s9, s15, $0xb8;
	v63 =	vld [tilespmem:$0x0]  }
0x79: {  	_ =	swait.ge [sflag:s6], $0x300  }
0x7a: {  	[sflag:s6] =	ssyncset.done $0x0  }
0x7b: {  	[sflag:s6] =	ssyncadd.s32 $0xFFFFFD00  }
0x7c: {  	_ =	swait.ge [sflag:s26], $0x3C00  }
0x7d: {  	[sflag:s26] =	ssyncset.done $0x0  }
0x7e: {  	[sflag:s26] =	ssyncadd.s32 $0xFFFFC400  }
0x7f: {  	[tilespmem:s16], [sflag:$0x4] =	stream.indirect.gather [hbm4b:s5+s15], $0x80, s4, s15, $0xb8;
	v63 =	vld [tilespmem:$0x0]  }
0x80: {  	_ =	swait.ge [sflag:s28], $0x3C00  }
0x81: {  	[sflag:s28] =	ssyncset.done $0x0  }
0x82: {  	s11 =	rddreg [dreg:$0x9];
	[sflag:s28] =	ssyncadd.s32 $0xFFFFC400  }
0x83: {  	[spmem:s3] =	stream.indirect.scatter.add.f32 [tilespmem:s18], [sflag:$0x8], $0x80, s11, s15, $0xb8;
	v63 =	vld [tilespmem:$0x0]  }
0x84: {  	_ =	swait.ge [sflag:s30], $0x3C00  }
0x85: {  	[sflag:s30] =	ssyncset.done $0x0  }
0x86: {  	[sflag:s30] =	ssyncadd.s32 $0xFFFFC400  }
0x87: {  	[tilespmem:s18], [sflag:$0x5] =	stream.indirect.gather [hbm4b:s5+s15], $0x80, s12, s15, $0xb8;
	v63 =	vld [tilespmem:$0x0]  }
0x88: {  	_ =	swait.ge [sflag:s1], $0x3C00  }
0x89: {  	s11 =	rddreg [dreg:$0xa];
	[sflag:s1] =	ssyncset.done $0x0  }
0x8a: {  	s12 =	rddreg [dreg:$0x4];
	[sflag:s1] =	ssyncadd.s32 $0xFFFFC400  }
0x8b: {  	[spmem:s3] =	stream.indirect.scatter.add.f32 [tilespmem:s23], [sflag:$0x9], $0x80, s11, s15, $0xb8;
	v63 =	vld [tilespmem:$0x0]  }
0x8c: {  	s12 =	sadd.s32 $0x0, s12  }
0x8d: {  	[tilespmem:s19], [sflag:$0x2] =	stream.linear.gather [hbm4b:s12+s4], $0x180, $0x38;
	v63 =	vld [tilespmem:$0x0]  }
0x8e: {  	s11 =	sadd.s32 $0x40, s12  }
0x8f: {  	[tilespmem:s21], [sflag:$0x2] =	stream.linear.gather [hbm4b:s11+s4], $0x180, $0x38;
	v63 =	vld [tilespmem:$0x0]  }
0x90: {  	_ =	swait.ge [sflag:s10], $0x3C00  }
0x91: {  	[sflag:s10] =	ssyncset.done $0x0  }
0x92: {  	[sflag:s10] =	ssyncadd.s32 $0xFFFFC400  }
0x93: {  	[tilespmem:s23], [sflag:$0x6] =	stream.indirect.gather [hbm4b:s5+s15], $0x80, s17, s15, $0xb8;
	v63 =	vld [tilespmem:$0x0]  }
0x94: {  	_ =	swait.ge [sflag:s24], $0x3C00  }
0x95: {  	[sflag:s24] =	ssyncset.done $0x0  }
0x96: {  	[sflag:s24] =	ssyncadd.s32 $0xFFFFC400  }
0x97: {  	[spmem:s3] =	stream.indirect.scatter.add.f32 [tilespmem:s16], [sflag:$0x7], $0x80, s14, s15, $0xb8;
	v63 =	vld [tilespmem:$0x0]  }
0x98: {  	_ =	swait.ge [sflag:s25], $0x300  }
0x99: {  	[sflag:s25] =	ssyncset.done $0x0  }
0x9a: {  	[sflag:s25] =	ssyncadd.s32 $0xFFFFFD00  }
0x9b: {  	_ =	swait.ge [sflag:s26], $0x3C00  }
0x9c: {  	[sflag:s26] =	ssyncset.done $0x0  }
0x9d: {  	[sflag:s26] =	ssyncadd.s32 $0xFFFFC400  }
0x9e: {  	[tilespmem:s16], [sflag:$0x4] =	stream.indirect.gather [hbm4b:s5+s15], $0x80, s19, s15, $0xb8;
	v63 =	vld [tilespmem:$0x0]  }
0x9f: {  	_ =	swait.ge [sflag:s28], $0x3C00  }
0xa0: {  	[sflag:s28] =	ssyncset.done $0x0  }
0xa1: {  	[sflag:s28] =	ssyncadd.s32 $0xFFFFC400  }
0xa2: {  	[spmem:s3] =	stream.indirect.scatter.add.f32 [tilespmem:s18], [sflag:$0x8], $0x80, s22, s15, $0xb8;
	v63 =	vld [tilespmem:$0x0]  }
0xa3: {  	_ =	swait.ge [sflag:s30], $0x3C00  }
0xa4: {  	[sflag:s30] =	ssyncset.done $0x0  }
0xa5: {  	[sflag:s30] =	ssyncadd.s32 $0xFFFFC400  }
0xa6: {  	[tilespmem:s18], [sflag:$0x5] =	stream.indirect.gather [hbm4b:s5+s15], $0x80, s29, s15, $0xb8;
	v63 =	vld [tilespmem:$0x0]  }
0xa7: {  	_ =	swait.ge [sflag:s1], $0x3C00  }
0xa8: {  	s12 =	simm.s32 $0x180;
	[sflag:s1] =	ssyncset.done $0x0  }
0xa9: {  	s11 =	simm.s32 $0x300;
	s22 =	rddreg [dreg:$0x6];
	[sflag:s1] =	ssyncadd.s32 $0xFFFFC400  }
.LBB2_2:
0xaa: {  	[spmem:s3] =	stream.indirect.scatter.add.f32 [tilespmem:s23], [sflag:$0x9], $0x80, s7, s15, $0xb8;
	v63 =	vld [tilespmem:$0x0]  }
0xab: {  	s22 =	sadd.s32 s12, s22  }
0xac: {  	[tilespmem:s2], [sflag:$0x3] =	stream.linear.gather [hbm4b:s22+s4], $0x180, $0x38;
	v63 =	vld [tilespmem:$0x0]  }
0xad: {  	s22 =	sadd.s32 $0x40, s22  }
0xae: {  	[tilespmem:s9], [sflag:$0x3] =	stream.linear.gather [hbm4b:s22+s4], $0x180, $0x38;
	v63 =	vld [tilespmem:$0x0]  }
0xaf: {  	_ =	swait.ge [sflag:s10], $0x3C00  }
0xb0: {  	[sflag:s10] =	ssyncset.done $0x0  }
0xb1: {  	[sflag:s10] =	ssyncadd.s32 $0xFFFFC400  }
0xb2: {  	[tilespmem:s23], [sflag:$0x6] =	stream.indirect.gather [hbm4b:s5+s15], $0x80, s0, s15, $0xb8;
	v63 =	vld [tilespmem:$0x0]  }
0xb3: {  	_ =	swait.ge [sflag:s24], $0x3C00  }
0xb4: {  	[sflag:s24] =	ssyncset.done $0x0  }
0xb5: {  	[sflag:s24] =	ssyncadd.s32 $0xFFFFC400  }
0xb6: {  	[spmem:s3] =	stream.indirect.scatter.add.f32 [tilespmem:s16], [sflag:$0x7], $0x80, s21, s15, $0xb8;
	v63 =	vld [tilespmem:$0x0]  }
0xb7: {  	_ =	swait.ge [sflag:s20], $0x300  }
0xb8: {  	[sflag:s20] =	ssyncset.done $0x0  }
0xb9: {  	[sflag:s20] =	ssyncadd.s32 $0xFFFFFD00  }
0xba: {  	_ =	swait.ge [sflag:s26], $0x3C00  }
0xbb: {  	[sflag:s26] =	ssyncset.done $0x0  }
0xbc: {  	[sflag:s26] =	ssyncadd.s32 $0xFFFFC400  }
0xbd: {  	[tilespmem:s16], [sflag:$0x4] =	stream.indirect.gather [hbm4b:s5+s15], $0x80, s2, s15, $0xb8;
	v63 =	vld [tilespmem:$0x0]  }
0xbe: {  	_ =	swait.ge [sflag:s28], $0x3C00  }
0xbf: {  	[sflag:s28] =	ssyncset.done $0x0  }
0xc0: {  	[sflag:s28] =	ssyncadd.s32 $0xFFFFC400  }
0xc1: {  	[spmem:s3] =	stream.indirect.scatter.add.f32 [tilespmem:s18], [sflag:$0x8], $0x80, s8, s15, $0xb8;
	v63 =	vld [tilespmem:$0x0]  }
0xc2: {  	_ =	swait.ge [sflag:s30], $0x3C00  }
0xc3: {  	[sflag:s30] =	ssyncset.done $0x0  }
0xc4: {  	s29 =	rddreg [dreg:$0x7];
	[sflag:s30] =	ssyncadd.s32 $0xFFFFC400  }
0xc5: {  	[tilespmem:s18], [sflag:$0x5] =	stream.indirect.gather [hbm4b:s5+s15], $0x80, s29, s15, $0xb8;
	v63 =	vld [tilespmem:$0x0]  }
0xc6: {  	_ =	swait.ge [sflag:s1], $0x3C00  }
0xc7: {  	[sflag:s1] =	ssyncset.done $0x0  }
0xc8: {  	s29 =	rddreg [dreg:$0x5];
	[sflag:s1] =	ssyncadd.s32 $0xFFFFC400  }
0xc9: {  	[spmem:s3] =	stream.indirect.scatter.add.f32 [tilespmem:s23], [sflag:$0x9], $0x80, s13, s15, $0xb8;
	v63 =	vld [tilespmem:$0x0]  }
0xca: {  	s22 =	sadd.s32 s12, s29  }
0xcb: {  	[tilespmem:s4], [sflag:$0x1] =	stream.linear.gather [hbm4b:s22+s4], $0x180, $0x38;
	v63 =	vld [tilespmem:$0x0]  }
0xcc: {  	s22 =	sadd.s32 $0x40, s22  }
0xcd: {  	[tilespmem:s14], [sflag:$0x1] =	stream.linear.gather [hbm4b:s22+s4], $0x180, $0x38;
	v63 =	vld [tilespmem:$0x0]  }
0xce: {  	_ =	swait.ge [sflag:s10], $0x3C00  }
0xcf: {  	[sflag:s10] =	ssyncset.done $0x0  }
0xd0: {  	s29 =	rddreg [dreg:$0x8];
	[sflag:s10] =	ssyncadd.s32 $0xFFFFC400  }
0xd1: {  	[tilespmem:s23], [sflag:$0x6] =	stream.indirect.gather [hbm4b:s5+s15], $0x80, s29, s15, $0xb8;
	v63 =	vld [tilespmem:$0x0]  }
0xd2: {  	_ =	swait.ge [sflag:s24], $0x3C00  }
0xd3: {  	[sflag:s24] =	ssyncset.done $0x0  }
0xd4: {  	[sflag:s24] =	ssyncadd.s32 $0xFFFFC400  }
0xd5: {  	[spmem:s3] =	stream.indirect.scatter.add.f32 [tilespmem:s16], [sflag:$0x7], $0x80, s9, s15, $0xb8;
	v63 =	vld [tilespmem:$0x0]  }
0xd6: {  	_ =	swait.ge [sflag:s6], $0x300  }
0xd7: {  	[sflag:s6] =	ssyncset.done $0x0  }
0xd8: {  	[sflag:s6] =	ssyncadd.s32 $0xFFFFFD00  }
0xd9: {  	_ =	swait.ge [sflag:s26], $0x3C00  }
0xda: {  	[sflag:s26] =	ssyncset.done $0x0  }
0xdb: {  	[sflag:s26] =	ssyncadd.s32 $0xFFFFC400  }
0xdc: {  	[tilespmem:s16], [sflag:$0x4] =	stream.indirect.gather [hbm4b:s5+s15], $0x80, s4, s15, $0xb8;
	v63 =	vld [tilespmem:$0x0]  }
0xdd: {  	_ =	swait.ge [sflag:s28], $0x3C00  }
0xde: {  	[sflag:s28] =	ssyncset.done $0x0  }
0xdf: {  	s29 =	rddreg [dreg:$0x9];
	[sflag:s28] =	ssyncadd.s32 $0xFFFFC400  }
0xe0: {  	[spmem:s3] =	stream.indirect.scatter.add.f32 [tilespmem:s18], [sflag:$0x8], $0x80, s29, s15, $0xb8;
	v63 =	vld [tilespmem:$0x0]  }
0xe1: {  	_ =	swait.ge [sflag:s30], $0x3C00  }
0xe2: {  	[sflag:s30] =	ssyncset.done $0x0  }
0xe3: {  	[sflag:s30] =	ssyncadd.s32 $0xFFFFC400  }
0xe4: {  	[tilespmem:s18], [sflag:$0x5] =	stream.indirect.gather [hbm4b:s5+s15], $0x80, s31, s15, $0xb8;
	v63 =	vld [tilespmem:$0x0]  }
0xe5: {  	_ =	swait.ge [sflag:s1], $0x3C00  }
0xe6: {  	s22 =	rddreg [dreg:$0xa];
	[sflag:s1] =	ssyncset.done $0x0  }
0xe7: {  	s29 =	rddreg [dreg:$0x4];
	[sflag:s1] =	ssyncadd.s32 $0xFFFFC400  }
0xe8: {  	[spmem:s3] =	stream.indirect.scatter.add.f32 [tilespmem:s23], [sflag:$0x9], $0x80, s22, s15, $0xb8;
	v63 =	vld [tilespmem:$0x0]  }
0xe9: {  	s29 =	sadd.s32 s12, s29  }
0xea: {  	[tilespmem:s19], [sflag:$0x2] =	stream.linear.gather [hbm4b:s29+s4], $0x180, $0x38;
	v63 =	vld [tilespmem:$0x0]  }
0xeb: {  	s22 =	sadd.s32 $0x40, s29  }
0xec: {  	[tilespmem:s21], [sflag:$0x2] =	stream.linear.gather [hbm4b:s22+s4], $0x180, $0x38;
	v63 =	vld [tilespmem:$0x0]  }
0xed: {  	_ =	swait.ge [sflag:s10], $0x3C00  }
0xee: {  	[sflag:s10] =	ssyncset.done $0x0  }
0xef: {  	s29 =	simm.s32 $0x100;
	[sflag:s10] =	ssyncadd.s32 $0xFFFFC400  }
0xf0: {  	[tilespmem:s23], [sflag:$0x6] =	stream.indirect.gather [hbm4b:s5+s15], $0x80, s29, s15, $0xb8;
	v63 =	vld [tilespmem:$0x0]  }
0xf1: {  	_ =	swait.ge [sflag:s24], $0x3C00  }
0xf2: {  	[sflag:s24] =	ssyncset.done $0x0  }
0xf3: {  	[sflag:s24] =	ssyncadd.s32 $0xFFFFC400  }
0xf4: {  	[spmem:s3] =	stream.indirect.scatter.add.f32 [tilespmem:s16], [sflag:$0x7], $0x80, s14, s15, $0xb8;
	v63 =	vld [tilespmem:$0x0]  }
0xf5: {  	_ =	swait.ge [sflag:s25], $0x300  }
0xf6: {  	[sflag:s25] =	ssyncset.done $0x0  }
0xf7: {  	[sflag:s25] =	ssyncadd.s32 $0xFFFFFD00  }
0xf8: {  	_ =	swait.ge [sflag:s26], $0x3C00  }
0xf9: {  	[sflag:s26] =	ssyncset.done $0x0  }
0xfa: {  	[sflag:s26] =	ssyncadd.s32 $0xFFFFC400  }
0xfb: {  	[tilespmem:s16], [sflag:$0x4] =	stream.indirect.gather [hbm4b:s5+s15], $0x80, s19, s15, $0xb8;
	v63 =	vld [tilespmem:$0x0]  }
0xfc: {  	_ =	swait.ge [sflag:s28], $0x3C00  }
0xfd: {  	[sflag:s28] =	ssyncset.done $0x0  }
0xfe: {  	s22 =	simm.s32 $0x280;
	[sflag:s28] =	ssyncadd.s32 $0xFFFFC400  }
0xff: {  	[spmem:s3] =	stream.indirect.scatter.add.f32 [tilespmem:s18], [sflag:$0x8], $0x80, s22, s15, $0xb8;
	v63 =	vld [tilespmem:$0x0]  }
0x100: {  	_ =	swait.ge [sflag:s30], $0x3C00  }
0x101: {  	p0 =	sne.s32 s11, $0x1980;
	[sflag:s30] =	ssyncset.done $0x0  }
.Ltmp0:
0x102: {  	s29 =	simm.s32 $0x480;
	[sflag:s30] =	ssyncadd.s32 $0xFFFFC400;
	(pc) =	sbr.rel @p0 .LBB2_2-.Ltmp0, $4  }
0x103: {  	[tilespmem:s18], [sflag:$0x5] =	stream.indirect.gather [hbm4b:s5+s15], $0x80, s29, s15, $0xb8;
	v63 =	vld [tilespmem:$0x0]  }
0x104: {  	_ =	swait.ge [sflag:s1], $0x3C00  }
0x105: {  	s17 =	smov.u32 s11;
	s11 =	sadd.s32 $0x180, s11;
	[sflag:s1] =	ssyncset.done $0x0  }
0x106: {  	s12 =	smov.u32 s17;
	s22 =	rddreg [dreg:$0x6];
	[sflag:s1] =	ssyncadd.s32 $0xFFFFC400  }
0x107: {  	s8 =	simm.s32 $0x300  }
0x108: {  	[spmem:s3] =	stream.indirect.scatter.add.f32 [tilespmem:s23], [sflag:$0x9], $0x80, s8, s15, $0xb8;
	v63 =	vld [tilespmem:$0x0]  }
0x109: {  	s11 =	sadd.s32 s12, s22  }
0x10a: {  	[tilespmem:s2], [sflag:$0x3] =	stream.linear.gather [hbm4b:s11+s4], $0x180, $0x38;
	v63 =	vld [tilespmem:$0x0]  }
0x10b: {  	s11 =	sadd.s32 $0x40, s11  }
0x10c: {  	[tilespmem:s9], [sflag:$0x3] =	stream.linear.gather [hbm4b:s11+s4], $0x180, $0x38;
	v63 =	vld [tilespmem:$0x0]  }
0x10d: {  	_ =	swait.ge [sflag:s10], $0x3C00  }
0x10e: {  	[sflag:s10] =	ssyncset.done $0x0  }
0x10f: {  	s13 =	simm.s32 $0x500;
	[sflag:s10] =	ssyncadd.s32 $0xFFFFC400  }
0x110: {  	[tilespmem:s23], [sflag:$0x6] =	stream.indirect.gather [hbm4b:s5+s15], $0x80, s13, s15, $0xb8;
	v63 =	vld [tilespmem:$0x0]  }
0x111: {  	_ =	swait.ge [sflag:s24], $0x3C00  }
0x112: {  	[sflag:s24] =	ssyncset.done $0x0  }
0x113: {  	[sflag:s24] =	ssyncadd.s32 $0xFFFFC400  }
0x114: {  	[spmem:s3] =	stream.indirect.scatter.add.f32 [tilespmem:s16], [sflag:$0x7], $0x80, s21, s15, $0xb8;
	v63 =	vld [tilespmem:$0x0]  }
0x115: {  	_ =	swait.ge [sflag:s20], $0x300  }
0x116: {  	[sflag:s20] =	ssyncset.done $0x0  }
0x117: {  	[sflag:s20] =	ssyncadd.s32 $0xFFFFFD00  }
0x118: {  	_ =	swait.ge [sflag:s26], $0x3C00  }
0x119: {  	[sflag:s26] =	ssyncset.done $0x0  }
0x11a: {  	[sflag:s26] =	ssyncadd.s32 $0xFFFFC400  }
0x11b: {  	[tilespmem:s16], [sflag:$0x4] =	stream.indirect.gather [hbm4b:s5+s15], $0x80, s2, s15, $0xb8;
	v63 =	vld [tilespmem:$0x0]  }
0x11c: {  	_ =	swait.ge [sflag:s28], $0x3C00  }
0x11d: {  	[sflag:s28] =	ssyncset.done $0x0  }
0x11e: {  	s29 =	simm.s32 $0x680;
	[sflag:s28] =	ssyncadd.s32 $0xFFFFC400  }
0x11f: {  	[spmem:s3] =	stream.indirect.scatter.add.f32 [tilespmem:s18], [sflag:$0x8], $0x80, s29, s15, $0xb8;
	v63 =	vld [tilespmem:$0x0]  }
0x120: {  	_ =	swait.ge [sflag:s30], $0x3C00  }
0x121: {  	[sflag:s30] =	ssyncset.done $0x0  }
0x122: {  	s22 =	rddreg [dreg:$0x7];
	[sflag:s30] =	ssyncadd.s32 $0xFFFFC400  }
0x123: {  	[tilespmem:s18], [sflag:$0x5] =	stream.indirect.gather [hbm4b:s5+s15], $0x80, s22, s15, $0xb8;
	v63 =	vld [tilespmem:$0x0]  }
0x124: {  	_ =	swait.ge [sflag:s1], $0x3C00  }
0x125: {  	[sflag:s1] =	ssyncset.done $0x0  }
0x126: {  	s22 =	simm.s32 $0x700;
	s0 =	rddreg [dreg:$0x5];
	[sflag:s1] =	ssyncadd.s32 $0xFFFFC400  }
0x127: {  	[spmem:s3] =	stream.indirect.scatter.add.f32 [tilespmem:s23], [sflag:$0x9], $0x80, s22, s15, $0xb8;
	v63 =	vld [tilespmem:$0x0]  }
0x128: {  	s11 =	sadd.s32 s12, s0  }
0x129: {  	[tilespmem:s4], [sflag:$0x1] =	stream.linear.gather [hbm4b:s11+s4], $0x180, $0x38;
	v63 =	vld [tilespmem:$0x0]  }
0x12a: {  	s11 =	sadd.s32 $0x40, s11  }
0x12b: {  	[tilespmem:s14], [sflag:$0x1] =	stream.linear.gather [hbm4b:s11+s4], $0x180, $0x38;
	v63 =	vld [tilespmem:$0x0]  }
0x12c: {  	_ =	swait.ge [sflag:s10], $0x3C00  }
0x12d: {  	[sflag:s10] =	ssyncset.done $0x0  }
0x12e: {  	s7 =	rddreg [dreg:$0x8];
	[sflag:s10] =	ssyncadd.s32 $0xFFFFC400  }
0x12f: {  	[tilespmem:s23], [sflag:$0x6] =	stream.indirect.gather [hbm4b:s5+s15], $0x80, s7, s15, $0xb8;
	v63 =	vld [tilespmem:$0x0]  }
0x130: {  	_ =	swait.ge [sflag:s24], $0x3C00  }
0x131: {  	[sflag:s24] =	ssyncset.done $0x0  }
0x132: {  	[sflag:s24] =	ssyncadd.s32 $0xFFFFC400  }
0x133: {  	[spmem:s3] =	stream.indirect.scatter.add.f32 [tilespmem:s16], [sflag:$0x7], $0x80, s9, s15, $0xb8;
	v63 =	vld [tilespmem:$0x0]  }
0x134: {  	_ =	swait.ge [sflag:s6], $0x300  }
0x135: {  	[sflag:s6] =	ssyncset.done $0x0  }
0x136: {  	[sflag:s6] =	ssyncadd.s32 $0xFFFFFD00  }
0x137: {  	_ =	swait.ge [sflag:s26], $0x3C00  }
0x138: {  	[sflag:s26] =	ssyncset.done $0x0  }
0x139: {  	[sflag:s26] =	ssyncadd.s32 $0xFFFFC400  }
0x13a: {  	[tilespmem:s16], [sflag:$0x4] =	stream.indirect.gather [hbm4b:s5+s15], $0x80, s4, s15, $0xb8;
	v63 =	vld [tilespmem:$0x0]  }
0x13b: {  	_ =	swait.ge [sflag:s28], $0x3C00  }
0x13c: {  	[sflag:s28] =	ssyncset.done $0x0  }
0x13d: {  	s17 =	rddreg [dreg:$0x9];
	[sflag:s28] =	ssyncadd.s32 $0xFFFFC400  }
0x13e: {  	[spmem:s3] =	stream.indirect.scatter.add.f32 [tilespmem:s18], [sflag:$0x8], $0x80, s17, s15, $0xb8;
	v63 =	vld [tilespmem:$0x0]  }
0x13f: {  	_ =	swait.ge [sflag:s30], $0x3C00  }
0x140: {  	[sflag:s30] =	ssyncset.done $0x0  }
0x141: {  	[sflag:s30] =	ssyncadd.s32 $0xFFFFC400  }
0x142: {  	[tilespmem:s18], [sflag:$0x5] =	stream.indirect.gather [hbm4b:s5+s15], $0x80, s31, s15, $0xb8;
	v63 =	vld [tilespmem:$0x0]  }
0x143: {  	_ =	swait.ge [sflag:s1], $0x3C00  }
0x144: {  	s0 =	rddreg [dreg:$0xa];
	[sflag:s1] =	ssyncset.done $0x0  }
0x145: {  	s17 =	rddreg [dreg:$0x4];
	[sflag:s1] =	ssyncadd.s32 $0xFFFFC400  }
0x146: {  	[spmem:s3] =	stream.indirect.scatter.add.f32 [tilespmem:s23], [sflag:$0x9], $0x80, s0, s15, $0xb8;
	v63 =	vld [tilespmem:$0x0]  }
0x147: {  	s7 =	sadd.s32 s12, s17  }
0x148: {  	[tilespmem:s19], [sflag:$0x2] =	stream.linear.gather [hbm4b:s7+s4], $0x180, $0x38;
	v63 =	vld [tilespmem:$0x0]  }
0x149: {  	s11 =	sadd.s32 $0x40, s7  }
0x14a: {  	[tilespmem:s21], [sflag:$0x2] =	stream.linear.gather [hbm4b:s11+s4], $0x180, $0x38;
	v63 =	vld [tilespmem:$0x0]  }
0x14b: {  	_ =	swait.ge [sflag:s10], $0x3C00  }
0x14c: {  	[sflag:s10] =	ssyncset.done $0x0  }
0x14d: {  	s0 =	simm.s32 $0x100;
	[sflag:s10] =	ssyncadd.s32 $0xFFFFC400  }
0x14e: {  	[tilespmem:s23], [sflag:$0x6] =	stream.indirect.gather [hbm4b:s5+s15], $0x80, s0, s15, $0xb8;
	v63 =	vld [tilespmem:$0x0]  }
0x14f: {  	_ =	swait.ge [sflag:s24], $0x3C00  }
0x150: {  	[sflag:s24] =	ssyncset.done $0x0  }
0x151: {  	[sflag:s24] =	ssyncadd.s32 $0xFFFFC400  }
0x152: {  	[spmem:s3] =	stream.indirect.scatter.add.f32 [tilespmem:s16], [sflag:$0x7], $0x80, s14, s15, $0xb8;
	v63 =	vld [tilespmem:$0x0]  }
0x153: {  	_ =	swait.ge [sflag:s25], $0x300  }
0x154: {  	[sflag:s25] =	ssyncset.done $0x0  }
0x155: {  	[sflag:s25] =	ssyncadd.s32 $0xFFFFFD00  }
0x156: {  	_ =	swait.ge [sflag:s26], $0x3C00  }
0x157: {  	[sflag:s26] =	ssyncset.done $0x0  }
0x158: {  	[sflag:s26] =	ssyncadd.s32 $0xFFFFC400  }
0x159: {  	[tilespmem:s16], [sflag:$0x4] =	stream.indirect.gather [hbm4b:s5+s15], $0x80, s19, s15, $0xb8;
	v63 =	vld [tilespmem:$0x0]  }
0x15a: {  	_ =	swait.ge [sflag:s28], $0x3C00  }
0x15b: {  	[sflag:s28] =	ssyncset.done $0x0  }
0x15c: {  	s12 =	simm.s32 $0x280;
	[sflag:s28] =	ssyncadd.s32 $0xFFFFC400  }
0x15d: {  	[spmem:s3] =	stream.indirect.scatter.add.f32 [tilespmem:s18], [sflag:$0x8], $0x80, s12, s15, $0xb8;
	v63 =	vld [tilespmem:$0x0]  }
0x15e: {  	_ =	swait.ge [sflag:s30], $0x3C00  }
0x15f: {  	[sflag:s30] =	ssyncset.done $0x0  }
0x160: {  	s17 =	simm.s32 $0x480;
	[sflag:s30] =	ssyncadd.s32 $0xFFFFC400  }
0x161: {  	[tilespmem:s18], [sflag:$0x5] =	stream.indirect.gather [hbm4b:s5+s15], $0x80, s17, s15, $0xb8;
	v63 =	vld [tilespmem:$0x0]  }
0x162: {  	_ =	swait.ge [sflag:s1], $0x3C00  }
0x163: {  	[sflag:s1] =	ssyncset.done $0x0  }
0x164: {  	[sflag:s1] =	ssyncadd.s32 $0xFFFFC400  }
0x165: {  	[spmem:s3] =	stream.indirect.scatter.add.f32 [tilespmem:s23], [sflag:$0x9], $0x80, s8, s15, $0xb8;
	v63 =	vld [tilespmem:$0x0]  }
0x166: {  	_ =	swait.ge [sflag:s10], $0x3C00  }
0x167: {  	[sflag:s10] =	ssyncset.done $0x0  }
0x168: {  	[sflag:s10] =	ssyncadd.s32 $0xFFFFC400  }
0x169: {  	[tilespmem:s23], [sflag:$0x6] =	stream.indirect.gather [hbm4b:s5+s15], $0x80, s13, s15, $0xb8;
	v63 =	vld [tilespmem:$0x0]  }
0x16a: {  	_ =	swait.ge [sflag:s24], $0x3C00  }
0x16b: {  	[sflag:s24] =	ssyncset.done $0x0  }
0x16c: {  	[sflag:s24] =	ssyncadd.s32 $0xFFFFC400  }
0x16d: {  	[spmem:s3] =	stream.indirect.scatter.add.f32 [tilespmem:s16], [sflag:$0x7], $0x80, s21, s15, $0xb8;
	v63 =	vld [tilespmem:$0x0]  }
0x16e: {  	_ =	swait.ge [sflag:s28], $0x3C00  }
0x16f: {  	[sflag:s28] =	ssyncset.done $0x0  }
0x170: {  	[sflag:s28] =	ssyncadd.s32 $0xFFFFC400  }
0x171: {  	[spmem:s3] =	stream.indirect.scatter.add.f32 [tilespmem:s18], [sflag:$0x8], $0x80, s29, s15, $0xb8;
	v63 =	vld [tilespmem:$0x0]  }
0x172: {  	_ =	swait.ge [sflag:s1], $0x3C00  }
0x173: {  	[sflag:s1] =	ssyncset.done $0x0  }
0x174: {  	[sflag:s1] =	ssyncadd.s32 $0xFFFFC400  }
0x175: {  	[spmem:s3] =	stream.indirect.scatter.add.f32 [tilespmem:s23], [sflag:$0x9], $0x80, s22, s15, $0xb8;
	v63 =	vld [tilespmem:$0x0]  }
0x176: {  	_ =	swait.ge [sflag:s26], $0x3C00  }
0x177: {  	[sflag:s26] =	ssyncset.done $0x0  }
0x178: {  	[sflag:s26] =	ssyncadd.s32 $0xFFFFC400  }
0x179: {  	_ =	swait.ge [sflag:s30], $0x3C00  }
0x17a: {  	[sflag:s30] =	ssyncset.done $0x0  }
0x17b: {  	[sflag:s30] =	ssyncadd.s32 $0xFFFFC400  }
0x17c: {  	_ =	swait.ge [sflag:s10], $0x3C00  }
0x17d: {  	[sflag:s10] =	ssyncset.done $0x0  }
0x17e: {  	[sflag:s10] =	ssyncadd.s32 $0xFFFFC400  }
0x17f: {  	[bflag:$0x0] =	sbarrier.arrive $0xFFFF  }
0x180: {  	s12 =	rddreg [dreg:$0xb]  }
0x181: {  	s22 =	rddreg [dreg:$0xe]  }
0x182: {  	s17 =	rddreg [dreg:$0x10]  }
0x183: {  	[hbm:s22], [sflag:s12] =	dma.local [spmem:s17], $0x2800  }
0x184: {  	s22 =	simm.s32 $0xA  }
0x185: {  	_ =	swait.ge [sflag:s22], $0x2800  }
0x186: {  	s29 =	rddreg [dreg:$0x13]  }
0x187: {  	s11 =	rddreg [dreg:$0xf];
	s29 =	sadd.s32 $0x1, s29  }
0x188: {  	p0 =	sne.s32 s29, s11  }
.Ltmp1:
0x189: {  	_ = 	snop;
	(pc) =	sbr.rel @p0 .LBB2_1-.Ltmp1, $3  }
0x18a: {  	_ =	sdelay $0x1  }
0x18b: {  	s7 =	simm.s32 $0x300;
	s0 =	simm.s32 $0x500;
	[sflag:s22] =	ssyncset.done $0x0  }
0x18c: {  	s8 =	simm.s32 $0x680;
	s13 =	simm.s32 $0x700;
	[sflag:s22] =	ssyncadd.s32 $0xFFFFD800  }
0x18d: {  	_ =	sfence.sel $0x180000  }
0x18e: {  	[bflag:$0x0] =	sbarrier.arrive $0xFFFF  }
0x18f: {  	_ =	strace $0x90000047  }
0x190: {  	s0 =	stileid.u32;
	[bflag:$0x2] =	sbarrier.arrive $0xFFFF  }
0x191: {  	p0 =	sne.s32 s0, $0x0;
	s0 =	rddreg [dreg:$0x3]  }
0x192: {  	s0 =	sadd.s32 @!p0 $0x100000, s0  }
0x193: {  	[sflag:s0] =	ssyncadd.tile.s32 @!p0 $0x1;
	_ =	shalt  }
.Lfunc_end2:
_tile_overlayer_lowered:
.L_overlay_start_2:
0x194: {  	(tag) =	ssettag $0x2  }
0x195: {  	s0 =	rddreg [dreg:$0x0];
	s2 =	stileid.u32  }
0x196: {  	s1 =	rddreg [dreg:$0x1];
	p0 =	sne.s32 s2, $0x0  }
0x197: {  	s3 =	rddreg [dreg:$0x2];
	[bflag:$0x3] =	sbarrier.arrive $0xFFFF;
	s2 =	simm.s32 @!p0 $0x1C0A  }
0x198: {  	[timem:s3], [sflag:s2] =	dma.local @!p0 [hbm:s0], s1  }
0x199: {  	s0 =	simm.s32 @!p0 $0xA  }
0x19a: {  	_ =	swait.ge @!p0 [sflag:s0], s1  }
0x19b: {  	s1 =	ssub.s32 @!p0 $0x0, s1;
	[sflag:s0] =	ssyncset.done @!p0 $0x0  }
0x19c: {  	[sflag:s0] =	ssyncadd.s32 @!p0 s1  }
0x19d: {  	[bflag:$0x3] =	sbarrier.arrive $0xFFFF  }
0x19e: {  	_ =	shalt  }

</sc_bundles>
